<compile_context>
chip_gen: v7x
topology: tpu7x:2x2x1
jax: 0.10.2.dev20260603
libtpu: 0.0.44.dev20260713+nightly
codegen_flags: <defaults>
</compile_context>

<pallas_src>
import functools

import jax
import jax.numpy as jnp
from jax import lax
from jax.experimental import pallas as pl
from jax.experimental.pallas import tpu as pltpu
from jax.experimental.pallas import tpu_sc as plsc

N = 10000
E = 320000
D = 128
G = 128
NPAD = 10240
EPAD = 327680
HALF = 64
NS = 16
RPT = NPAD // NS
CH = 128
NROW = EPAD // CH
BLK = 5120
NB = NPAD // BLK

_mesh = lambda: plsc.VectorSubcoreMesh(core_axis_name="c", subcore_axis_name="s")
_sc_params = pltpu.CompilerParams(use_tc_tiling_on_sc=False)


def _degree_parts(dst2d, z1d):
    rpt_e = NROW // (2 * NS)

    @functools.partial(
        pl.kernel,
        out_type=jax.ShapeDtypeStruct((2, 1, NPAD), jnp.float32),
        mesh=_mesh(),
        compiler_params=_sc_params,
        scratch_types=[
            pltpu.VMEM((rpt_e, CH), jnp.int32),
            pltpu.VMEM((CH,), jnp.float32),
            pltpu.VMEM_SHARED((NPAD,), jnp.float32),
            pltpu.SemaphoreType.DMA,
        ],
    )
    def k(dst_hbm, z_hbm, out_hbm, dst_v, ones_v, hist_sh, sem):
        c = lax.axis_index("c")
        s = lax.axis_index("s")
        w = c * NS + s
        pltpu.sync_copy(z_hbm.at[pl.ds(s * RPT, RPT)], hist_sh.at[pl.ds(s * RPT, RPT)])
        pltpu.sync_copy(dst_hbm.at[pl.ds(w * rpt_e, rpt_e)], dst_v)
        for kk in range(CH // 16):
            ones_v[pl.ds(kk * 16, 16)] = jnp.ones((16,), jnp.float32)
        plsc.subcore_barrier()

        def body(i, carry):
            j = 8 * i
            for k in range(8):
                pltpu.async_copy(ones_v, hist_sh.at[dst_v.at[j + k]], sem, add=True)
            for k in range(8):
                pltpu.make_async_copy(ones_v, hist_sh.at[dst_v.at[j + k]], sem).wait()
            return carry

        lax.fori_loop(0, rpt_e // 8, body, 0)
        plsc.subcore_barrier()
        pltpu.sync_copy(hist_sh.at[pl.ds(s * RPT, RPT)],
                        out_hbm.at[c, 0, pl.ds(s * RPT, RPT)])

    return k(dst2d, z1d)


def _edge_scatter(a, srcx, dst2d, z2d):
    rpt_e = NROW // NS

    @functools.partial(
        pl.kernel,
        out_type=jax.ShapeDtypeStruct((2, NPAD, HALF), jnp.bfloat16),
        mesh=_mesh(),
        compiler_params=_sc_params,
        scratch_types=[
            pltpu.VMEM((rpt_e, CH), jnp.int32),
            pltpu.VMEM((rpt_e, CH), jnp.int32),
            [pltpu.VMEM((CH, HALF), jnp.bfloat16) for _ in range(8)],
            pltpu.VMEM_SHARED((NPAD, HALF), jnp.bfloat16),
            [pltpu.SemaphoreType.DMA for _ in range(8)],
            [pltpu.SemaphoreType.DMA for _ in range(8)],
            pltpu.SemaphoreType.DMA,
        ],
    )
    def k(a_hbm, src_hbm, dst_hbm, z_hbm, out_hbm,
          src_v, dst_v, msgs, s_sh, gsems, ssems, psem):
        NBUF = 8
        c = lax.axis_index("c")
        s = lax.axis_index("s")
        rows = pl.ds(s * RPT, RPT)
        pltpu.async_copy(src_hbm.at[c, pl.ds(s * rpt_e, rpt_e)], src_v, psem)
        pltpu.async_copy(dst_hbm.at[pl.ds(s * rpt_e, rpt_e)], dst_v, psem)
        pltpu.async_copy(z_hbm.at[rows], s_sh.at[rows], psem)
        pltpu.make_async_copy(src_hbm.at[c, pl.ds(s * rpt_e, rpt_e)], src_v, psem).wait()
        pltpu.make_async_copy(dst_hbm.at[pl.ds(s * rpt_e, rpt_e)], dst_v, psem).wait()
        pltpu.make_async_copy(z_hbm.at[rows], s_sh.at[rows], psem).wait()
        plsc.subcore_barrier()

        def gstart(j, k):
            pltpu.async_copy(a_hbm.at[src_v.at[j]], msgs[k], gsems[k])

        def gwait(j, k):
            pltpu.make_async_copy(a_hbm.at[src_v.at[j]], msgs[k], gsems[k]).wait()

        def sstart(j, k):
            pltpu.async_copy(msgs[k], s_sh.at[dst_v.at[j]], ssems[k], add=True)

        def swait(j, k):
            pltpu.make_async_copy(msgs[k], s_sh.at[dst_v.at[j]], ssems[k]).wait()

        for k in range(NBUF):
            gstart(k, k)

        def body(i, carry):
            j = NBUF * i
            for k in range(NBUF):
                gwait(j + k, k)
                sstart(j + k, k)
            for k in range(NBUF):
                swait(j + k, k)
                gstart(j + NBUF + k, k)
            return carry

        lax.fori_loop(0, rpt_e // NBUF - 1, body, 0)
        jlast = rpt_e - NBUF
        for k in range(NBUF):
            gwait(jlast + k, k)
            sstart(jlast + k, k)
        for k in range(NBUF):
            swait(jlast + k, k)
        plsc.subcore_barrier()
        pltpu.sync_copy(s_sh.at[rows], out_hbm.at[c, rows])

    a_flat = a.reshape(2 * NPAD, HALF)
    return k(a_flat, srcx, dst2d, z2d)


def _split(a):
    return jnp.stack([a[:, :HALF], a[:, HALF:]], axis=0).astype(jnp.bfloat16)


def _unsplit(s_ref, a_ref):
    f = jnp.float32
    return jnp.concatenate(
        [s_ref[0].astype(f) + a_ref[0].astype(f),
         s_ref[1].astype(f) + a_ref[1].astype(f)], axis=1)


def _inv_of(p_ref):
    return lax.rsqrt(p_ref[0, 0, :] + p_ref[1, 0, :] + 1.0)


def _scale_matmul(x, w1, parts):

    def body(x_ref, w_ref, p_ref, o_ref):
        inv = _inv_of(p_ref)
        h = jnp.dot(x_ref[...], w_ref[...], preferred_element_type=jnp.float32)
        o_ref[...] = _split(h * inv[:, None])

    return pl.pallas_call(
        body,
        grid=(NB,),
        in_specs=[
            pl.BlockSpec((BLK, D), lambda i: (i, 0)),
            pl.BlockSpec((D, D), lambda i: (0, 0)),
            pl.BlockSpec((2, 1, BLK), lambda i: (0, 0, i)),
        ],
        out_specs=pl.BlockSpec((2, BLK, HALF), lambda i: (0, i, 0)),
        out_shape=jax.ShapeDtypeStruct((2, NPAD, HALF), jnp.bfloat16),
    )(x, w1, parts)


def _conv_finish_matmul(s1, a1, parts, b1, w2):

    def body(s_ref, a_ref, p_ref, b_ref, w_ref, o_ref):
        inv = _inv_of(p_ref)
        x2 = jnp.maximum(_unsplit(s_ref, a_ref) * inv[:, None] + b_ref[...][None, :], 0.0)
        h = jnp.dot(x2, w_ref[...], preferred_element_type=jnp.float32)
        o_ref[...] = _split(h * inv[:, None])

    return pl.pallas_call(
        body,
        grid=(NB,),
        in_specs=[
            pl.BlockSpec((2, BLK, HALF), lambda i: (0, i, 0)),
            pl.BlockSpec((2, BLK, HALF), lambda i: (0, i, 0)),
            pl.BlockSpec((2, 1, BLK), lambda i: (0, 0, i)),
            pl.BlockSpec((D,), lambda i: (0,)),
            pl.BlockSpec((D, D), lambda i: (0, 0)),
        ],
        out_specs=pl.BlockSpec((2, BLK, HALF), lambda i: (0, i, 0)),
        out_shape=jax.ShapeDtypeStruct((2, NPAD, HALF), jnp.bfloat16),
    )(s1, a1, parts, b1, w2)


def _pool_lstm_heads(s2, a2, parts, b2, batchf, w_ih, b_ih, b_hh, wm_p, bm_p, wv_p, bv_p, C):

    def body(s_ref, a_ref, p_ref, b_ref, bf_ref, wih_ref, bih_ref, bhh_ref,
             wm_ref, bm_ref, wv_ref, bv_ref, mean_ref, lv_ref, sums, counts):
        i = pl.program_id(0)

        @pl.when(i == 0)
        def _():
            sums[...] = jnp.zeros_like(sums)
            counts[...] = jnp.zeros_like(counts)

        inv = _inv_of(p_ref)
        hb = jnp.maximum(_unsplit(s_ref, a_ref) * inv[:, None] + b_ref[...][None, :], 0.0)
        gid = lax.broadcasted_iota(jnp.int32, (G, BLK), 0).astype(jnp.float32)
        m = (gid == bf_ref[...][None, :]).astype(jnp.float32)
        sums[...] += jnp.dot(m, hb, preferred_element_type=jnp.float32)
        counts[...] += jnp.sum(m, axis=1)[None, :]

        @pl.when(i == NB - 1)
        def _():
            cnt = jnp.maximum(counts[0, :], 1.0)
            pooled = sums[...] / cnt[:, None]
            dn = (((1,), (1,)), ((), ()))
            gates = (lax.dot_general(pooled, wih_ref[...], dn,
                                     preferred_element_type=jnp.float32)
                     + bih_ref[...][None, :] + bhh_ref[...][None, :])
            i_g = jax.nn.sigmoid(gates[:, 0:G])
            g_g = jnp.tanh(gates[:, 2 * G:3 * G])
            o_g = jax.nn.sigmoid(gates[:, 3 * G:4 * G])
            h1 = o_g * jnp.tanh(i_g * g_g)
            mean = (lax.dot_general(h1, wm_ref[...], dn,
                                    preferred_element_type=jnp.float32)
                    + bm_ref[...][None, :])
            mean_ref[...] = mean[:, :mean_ref.shape[1]]
            lv = (lax.dot_general(h1, wv_ref[...], dn,
                                  preferred_element_type=jnp.float32)
                  + bv_ref[...][None, :])
            lv = jnp.maximum(lv, 0.0) + jnp.log1p(jnp.exp(-jnp.abs(lv)))
            lv_ref[...] = lv[:, :lv_ref.shape[1]]

    full = lambda shp: pl.BlockSpec(shp, lambda i: tuple(0 for _ in shp))
    return pl.pallas_call(
        body,
        grid=(NB,),
        in_specs=[
            pl.BlockSpec((2, BLK, HALF), lambda i: (0, i, 0)),
            pl.BlockSpec((2, BLK, HALF), lambda i: (0, i, 0)),
            pl.BlockSpec((2, 1, BLK), lambda i: (0, 0, i)),
            full((D,)),
            pl.BlockSpec((BLK,), lambda i: (i,)),
            full((4 * G, D)),
            full((4 * G,)),
            full((4 * G,)),
            full((G, G)),
            full((G,)),
            full((G, G)),
            full((G,)),
        ],
        out_specs=[full((G, C)), full((G, C))],
        out_shape=[
            jax.ShapeDtypeStruct((G, C), jnp.float32),
            jax.ShapeDtypeStruct((G, C), jnp.float32),
        ],
        scratch_shapes=[
            pltpu.VMEM((G, G), jnp.float32),
            pltpu.VMEM((1, G), jnp.float32),
        ],
    )(s2, a2, parts, b2, batchf, w_ih, b_ih, b_hh, wm_p, bm_p, wv_p, bv_p)


def kernel(x, edge_index, batch, W1, b1, W2, b2, W_ih, W_hh, b_ih, b_hh, Wm, bm, Wv, bv):
    C = Wm.shape[0]
    f32 = jnp.float32

    x_p = jnp.pad(x, ((0, NPAD - N), (0, 0)))
    pad_idx = (N + jnp.arange(EPAD - E, dtype=jnp.int32) % (NPAD - N))
    src2d = jnp.concatenate([edge_index[0], pad_idx]).reshape(NROW, CH)
    dst2d = jnp.concatenate([edge_index[1], pad_idx]).reshape(NROW, CH)
    srcx = jnp.stack([src2d, src2d + NPAD], axis=0)
    batchf = jnp.pad(batch, (0, NPAD - N), constant_values=-1).astype(f32)
    z1d = jnp.zeros((NPAD,), f32)
    z2d = jnp.zeros((NPAD, HALF), jnp.bfloat16)
    wm_p = jnp.zeros((G, G), f32).at[:C].set(Wm)
    bm_p = jnp.zeros((G,), f32).at[:C].set(bm)
    wv_p = jnp.zeros((G, G), f32).at[:C].set(Wv)
    bv_p = jnp.zeros((G,), f32).at[:C].set(bv)

    parts = _degree_parts(dst2d, z1d)
    a1 = _scale_matmul(x_p, W1, parts)
    s1 = _edge_scatter(a1, srcx, dst2d, z2d)
    a2 = _conv_finish_matmul(s1, a1, parts, b1, W2)
    s2 = _edge_scatter(a2, srcx, dst2d, z2d)
    mean_f, lv_f = _pool_lstm_heads(
        s2, a2, parts, b2, batchf, W_ih, b_ih, b_hh, wm_p, bm_p, wv_p, bv_p, C)
    return (mean_f, lv_f)

# --- scband reference (transcript-rebuilt; emitter-appended) ---
"""Pipeline reference for scband-gcn-lstm-probabilistic-11510512353640 (READ-ONLY COPY).

The authoritative reference and input builder live on the scoring server;
editing this copy changes nothing except your own understanding.
"""

import jax, jax.numpy as jnp
import numpy as np

N = 10000
E = 320000
D = 128
H = 128
L = 128
C = 10
G = 128


def setup_inputs(seed: int = 0) -> dict:
    key = jax.random.key(seed)
    ks = jax.random.split(key, 16)
    x = jax.random.normal(ks[0], (N, D), dtype=jnp.float32)
    edge_index = jax.random.randint(ks[1], (2, E), 0, N, dtype=jnp.int32)
    batch = jnp.sort(jax.random.randint(ks[2], (N,), 0, G, dtype=jnp.int32))
    s = 1.0 / np.sqrt(D)
    W1 = jax.random.uniform(ks[3], (D, H), jnp.float32, -s, s)
    b1 = jnp.zeros((H,), jnp.float32)
    W2 = jax.random.uniform(ks[4], (H, H), jnp.float32, -s, s)
    b2 = jnp.zeros((H,), jnp.float32)
    sl = 1.0 / np.sqrt(L)
    W_ih = jax.random.uniform(ks[5], (4 * L, H), jnp.float32, -sl, sl)
    W_hh = jax.random.uniform(ks[6], (4 * L, L), jnp.float32, -sl, sl)
    b_ih = jax.random.uniform(ks[7], (4 * L,), jnp.float32, -sl, sl)
    b_hh = jax.random.uniform(ks[8], (4 * L,), jnp.float32, -sl, sl)
    Wm = jax.random.uniform(ks[9], (C, L), jnp.float32, -sl, sl)
    bm = jnp.zeros((C,), jnp.float32)
    Wv = jax.random.uniform(ks[10], (C, L), jnp.float32, -sl, sl)
    bv = jnp.zeros((C,), jnp.float32)
    return {"x": x, "edge_index": edge_index, "batch": batch,
            "W1": W1, "b1": b1, "W2": W2, "b2": b2,
            "W_ih": W_ih, "W_hh": W_hh, "b_ih": b_ih, "b_hh": b_hh,
            "Wm": Wm, "bm": bm, "Wv": Wv, "bv": bv}


def _gcn_conv(x, src, dst, W, b, n_nodes):
    deg = jax.ops.segment_sum(jnp.ones_like(dst, dtype=x.dtype), dst, num_segments=n_nodes)
    inv_sqrt = jax.lax.rsqrt(jnp.maximum(deg, 1e-12))
    h = x @ W
    norm = inv_sqrt[src] * inv_sqrt[dst]
    msg = h[src] * norm[:, None]
    out = jax.ops.segment_sum(msg, dst, num_segments=n_nodes)
    return out + b


def reference(x, edge_index, batch, W1, b1, W2, b2, W_ih, W_hh, b_ih, b_hh, Wm, bm, Wv, bv):
    n_nodes = x.shape[0]
    loop = jnp.arange(n_nodes, dtype=edge_index.dtype)
    src = jnp.concatenate([edge_index[0], loop])
    dst = jnp.concatenate([edge_index[1], loop])
    h = jax.nn.relu(_gcn_conv(x, src, dst, W1, b1, n_nodes))
    h = jax.nn.relu(_gcn_conv(h, src, dst, W2, b2, n_nodes))
    sums = jax.ops.segment_sum(h, batch, num_segments=G)
    counts = jax.ops.segment_sum(jnp.ones((n_nodes,), h.dtype), batch, num_segments=G)
    pooled = sums / jnp.maximum(counts, 1.0)[:, None]
    # single-step LSTM (seq_len == 1), h0 = c0 = 0
    h0 = jnp.zeros((G, L), pooled.dtype)
    c0 = jnp.zeros((G, L), pooled.dtype)
    gates = pooled @ W_ih.T + b_ih + h0 @ W_hh.T + b_hh
    i_g, f_g, g_g, o_g = jnp.split(gates, 4, axis=-1)
    i_g = jax.nn.sigmoid(i_g)
    f_g = jax.nn.sigmoid(f_g)
    g_g = jnp.tanh(g_g)
    o_g = jax.nn.sigmoid(o_g)
    c1 = f_g * c0 + i_g * g_g
    h1 = o_g * jnp.tanh(c1)
    mean = h1 @ Wm.T + bm
    log_var = jax.nn.softplus(h1 @ Wv.T + bv)
    return (mean, log_var)

if __name__ == "__main__":
    import jax
    _d = setup_inputs()
    print(jax.jit(kernel)(*tuple(_d.values())))

</pallas_src>

<mosaic_0001>
#map = affine_map<(d0, d1) -> (0, 0)>
#map1 = affine_map<(d0, d1) -> (0, 0, 0)>
module attributes {stable_mosaic.version = 14 : i64} {
  func.func @k(%arg0: i32, %arg1: i32, %arg2: memref<20480x64xbf16, #tpu.memory_space<hbm>>, %arg3: memref<2x2560x128xi32, #tpu.memory_space<hbm>>, %arg4: memref<2560x128xi32, #tpu.memory_space<hbm>>, %arg5: memref<10240x64xbf16, #tpu.memory_space<hbm>>, %arg6: memref<2x10240x64xbf16, #tpu.memory_space<hbm>>, %arg7: memref<160x128xi32, #tpu.memory_space<vmem>>, %arg8: memref<160x128xi32, #tpu.memory_space<vmem>>, %arg9: memref<128x64xbf16, #tpu.memory_space<vmem>>, %arg10: memref<128x64xbf16, #tpu.memory_space<vmem>>, %arg11: memref<128x64xbf16, #tpu.memory_space<vmem>>, %arg12: memref<128x64xbf16, #tpu.memory_space<vmem>>, %arg13: memref<128x64xbf16, #tpu.memory_space<vmem>>, %arg14: memref<128x64xbf16, #tpu.memory_space<vmem>>, %arg15: memref<128x64xbf16, #tpu.memory_space<vmem>>, %arg16: memref<128x64xbf16, #tpu.memory_space<vmem>>, %arg17: memref<10240x64xbf16, #tpu.memory_space<vmem_shared>>, %arg18: memref<!tpu.dma_semaphore, #tpu.memory_space<semaphore_mem>>, %arg19: memref<!tpu.dma_semaphore, #tpu.memory_space<semaphore_mem>>, %arg20: memref<!tpu.dma_semaphore, #tpu.memory_space<semaphore_mem>>, %arg21: memref<!tpu.dma_semaphore, #tpu.memory_space<semaphore_mem>>, %arg22: memref<!tpu.dma_semaphore, #tpu.memory_space<semaphore_mem>>, %arg23: memref<!tpu.dma_semaphore, #tpu.memory_space<semaphore_mem>>, %arg24: memref<!tpu.dma_semaphore, #tpu.memory_space<semaphore_mem>>, %arg25: memref<!tpu.dma_semaphore, #tpu.memory_space<semaphore_mem>>, %arg26: memref<!tpu.dma_semaphore, #tpu.memory_space<semaphore_mem>>, %arg27: memref<!tpu.dma_semaphore, #tpu.memory_space<semaphore_mem>>, %arg28: memref<!tpu.dma_semaphore, #tpu.memory_space<semaphore_mem>>, %arg29: memref<!tpu.dma_semaphore, #tpu.memory_space<semaphore_mem>>, %arg30: memref<!tpu.dma_semaphore, #tpu.memory_space<semaphore_mem>>, %arg31: memref<!tpu.dma_semaphore, #tpu.memory_space<semaphore_mem>>, %arg32: memref<!tpu.dma_semaphore, #tpu.memory_space<semaphore_mem>>, %arg33: memref<!tpu.dma_semaphore, #tpu.memory_space<semaphore_mem>>, %arg34: memref<!tpu.dma_semaphore, #tpu.memory_space<semaphore_mem>>) attributes {dimension_semantics = [#tpu.dimension_semantics<core_parallel>, #tpu.dimension_semantics<subcore_parallel>], iteration_bounds = array<i64: 2, 16>, scalar_prefetch = 0 : i64, scratch_operands = 28 : i64, tpu.core_type = #tpu.core_type<sc_vector_subcore>, window_params = [{transform_indices = #map}, {transform_indices = #map1}, {transform_indices = #map}, {transform_indices = #map}, {transform_indices = #map1}]} {
    %mul3A = arith.constant 640 : i32
    %mul3A_0 = arith.muli %arg1, %mul3A : i32
    %mul3A_1 = arith.constant 160 : i32
    %mul3A_2 = arith.muli %arg1, %mul3A_1 : i32
    %dma_start3A = arith.constant 0 : i32
    %dma_start3A_3 = tpu.memref_slice %arg3[%arg0, %mul3A_2, %dma_start3A] : memref<2x2560x128xi32, #tpu.memory_space<hbm>> -> memref<1x160x128xi32, #tpu.memory_space<hbm>>
    %dma_start3A_4 = tpu.memref_squeeze %dma_start3A_3 : memref<1x160x128xi32, #tpu.memory_space<hbm>> -> memref<160x128xi32, #tpu.memory_space<hbm>>
    %dma_start3A_5 = arith.constant 0 : i32
    %dma_start3A_6 = tpu.memref_slice %arg3[%arg0, %mul3A_2, %dma_start3A_5] : memref<2x2560x128xi32, #tpu.memory_space<hbm>> -> memref<1x160x128xi32, #tpu.memory_space<hbm>>
    %dma_start3A_7 = tpu.memref_squeeze %dma_start3A_6 : memref<1x160x128xi32, #tpu.memory_space<hbm>> -> memref<160x128xi32, #tpu.memory_space<hbm>>
    tpu.enqueue_dma source(%dma_start3A_7 : memref<160x128xi32, #tpu.memory_space<hbm>>) target(%arg7 : memref<160x128xi32, #tpu.memory_space<vmem>>) target_semaphore(%arg34 : memref<!tpu.dma_semaphore, #tpu.memory_space<semaphore_mem>>)
    %mul3A_8 = arith.constant 160 : i32
    %mul3A_9 = arith.muli %arg1, %mul3A_8 : i32
    %dma_start3A_10 = arith.constant 0 : i32
    %dma_start3A_11 = tpu.memref_slice %arg4[%mul3A_9, %dma_start3A_10] : memref<2560x128xi32, #tpu.memory_space<hbm>> -> memref<160x128xi32, #tpu.memory_space<hbm>>
    %dma_start3A_12 = arith.constant 0 : i32
    %dma_start3A_13 = tpu.memref_slice %arg4[%mul3A_9, %dma_start3A_12] : memref<2560x128xi32, #tpu.memory_space<hbm>> -> memref<160x128xi32, #tpu.memory_space<hbm>>
    tpu.enqueue_dma source(%dma_start3A_13 : memref<160x128xi32, #tpu.memory_space<hbm>>) target(%arg8 : memref<160x128xi32, #tpu.memory_space<vmem>>) target_semaphore(%arg34 : memref<!tpu.dma_semaphore, #tpu.memory_space<semaphore_mem>>)
    %dma_start3A_14 = arith.constant 0 : i32
    %dma_start3A_15 = tpu.memref_slice %arg17[%mul3A_0, %dma_start3A_14] : memref<10240x64xbf16, #tpu.memory_space<vmem_shared>> -> memref<640x64xbf16, #tpu.memory_space<vmem_shared>>
    %dma_start3A_16 = arith.constant 0 : i32
    %dma_start3A_17 = tpu.memref_slice %arg5[%mul3A_0, %dma_start3A_16] : memref<10240x64xbf16, #tpu.memory_space<hbm>> -> memref<640x64xbf16, #tpu.memory_space<hbm>>
    tpu.enqueue_dma source(%dma_start3A_17 : memref<640x64xbf16, #tpu.memory_space<hbm>>) target(%dma_start3A_15 : memref<640x64xbf16, #tpu.memory_space<vmem_shared>>) target_semaphore(%arg34 : memref<!tpu.dma_semaphore, #tpu.memory_space<semaphore_mem>>)
    %mul3A_18 = arith.constant 160 : i32
    %mul3A_19 = arith.muli %arg1, %mul3A_18 : i32
    %dma_wait3A = arith.constant 0 : i32
    %dma_wait3A_20 = tpu.memref_slice %arg3[%arg0, %mul3A_19, %dma_wait3A] : memref<2x2560x128xi32, #tpu.memory_space<hbm>> -> memref<1x160x128xi32, #tpu.memory_space<hbm>>
    %dma_wait3A_21 = tpu.memref_squeeze %dma_wait3A_20 : memref<1x160x128xi32, #tpu.memory_space<hbm>> -> memref<160x128xi32, #tpu.memory_space<hbm>>
    %dma_wait3A_22 = arith.constant 0 : i32
    %dma_wait3A_23 = tpu.memref_slice %arg3[%arg0, %mul3A_19, %dma_wait3A_22] : memref<2x2560x128xi32, #tpu.memory_space<hbm>> -> memref<1x160x128xi32, #tpu.memory_space<hbm>>
    %dma_wait3A_24 = tpu.memref_squeeze %dma_wait3A_23 : memref<1x160x128xi32, #tpu.memory_space<hbm>> -> memref<160x128xi32, #tpu.memory_space<hbm>>
    tpu.wait_dma2 semaphore(%arg34 : memref<!tpu.dma_semaphore, #tpu.memory_space<semaphore_mem>>) src(%dma_wait3A_24 : memref<160x128xi32, #tpu.memory_space<hbm>>) dst(%arg7 : memref<160x128xi32, #tpu.memory_space<vmem>>)
    %mul3A_25 = arith.constant 160 : i32
    %mul3A_26 = arith.muli %arg1, %mul3A_25 : i32
    %dma_wait3A_27 = arith.constant 0 : i32
    %dma_wait3A_28 = tpu.memref_slice %arg4[%mul3A_26, %dma_wait3A_27] : memref<2560x128xi32, #tpu.memory_space<hbm>> -> memref<160x128xi32, #tpu.memory_space<hbm>>
    %dma_wait3A_29 = arith.constant 0 : i32
    %dma_wait3A_30 = tpu.memref_slice %arg4[%mul3A_26, %dma_wait3A_29] : memref<2560x128xi32, #tpu.memory_space<hbm>> -> memref<160x128xi32, #tpu.memory_space<hbm>>
    tpu.wait_dma2 semaphore(%arg34 : memref<!tpu.dma_semaphore, #tpu.memory_space<semaphore_mem>>) src(%dma_wait3A_30 : memref<160x128xi32, #tpu.memory_space<hbm>>) dst(%arg8 : memref<160x128xi32, #tpu.memory_space<vmem>>)
    %dma_wait3A_31 = arith.constant 0 : i32
    %dma_wait3A_32 = tpu.memref_slice %arg17[%mul3A_0, %dma_wait3A_31] : memref<10240x64xbf16, #tpu.memory_space<vmem_shared>> -> memref<640x64xbf16, #tpu.memory_space<vmem_shared>>
    %dma_wait3A_33 = arith.constant 0 : i32
    %dma_wait3A_34 = tpu.memref_slice %arg5[%mul3A_0, %dma_wait3A_33] : memref<10240x64xbf16, #tpu.memory_space<hbm>> -> memref<640x64xbf16, #tpu.memory_space<hbm>>
    tpu.wait_dma2 semaphore(%arg34 : memref<!tpu.dma_semaphore, #tpu.memory_space<semaphore_mem>>) src(%dma_wait3A_34 : memref<640x64xbf16, #tpu.memory_space<hbm>>) dst(%dma_wait3A_32 : memref<640x64xbf16, #tpu.memory_space<vmem_shared>>)
    %barrier3A = arith.constant 0 : index
    tpu.barrier barrier_id(%barrier3A)
    %dma_start3A_35 = arith.constant 0 : i32
    %dma_start3A_36 = arith.constant 0 : i32
    %dma_start3A_37 = tpu.memref_slice %arg7[%dma_start3A_35, %dma_start3A_36] : memref<160x128xi32, #tpu.memory_space<vmem>> -> memref<1x128xi32, #tpu.memory_space<vmem>>
    %dma_start3A_38 = tpu.memref_squeeze %dma_start3A_37 : memref<1x128xi32, #tpu.memory_space<vmem>> -> memref<128xi32, #tpu.memory_space<vmem>>
    %dma_start3A_39 = arith.constant 0 : i32
    %dma_start3A_40 = arith.constant 0 : i32
    %dma_start3A_41 = tpu.memref_slice %arg2[%dma_start3A_39, %dma_start3A_40] : memref<20480x64xbf16, #tpu.memory_space<hbm>> -> memref<20480x64xbf16, #tpu.memory_space<hbm>>
    tpu.enqueue_indirect_dma source(%dma_start3A_41 : memref<20480x64xbf16, #tpu.memory_space<hbm>>) target(%arg9 : memref<128x64xbf16, #tpu.memory_space<vmem>>) offsets(%dma_start3A_38 : memref<128xi32, #tpu.memory_space<vmem>>) semaphore(%arg18 : memref<!tpu.dma_semaphore, #tpu.memory_space<semaphore_mem>>)
    %dma_start3A_42 = arith.constant 1 : i32
    %dma_start3A_43 = arith.constant 0 : i32
    %dma_start3A_44 = tpu.memref_slice %arg7[%dma_start3A_42, %dma_start3A_43] : memref<160x128xi32, #tpu.memory_space<vmem>> -> memref<1x128xi32, #tpu.memory_space<vmem>>
    %dma_start3A_45 = tpu.memref_squeeze %dma_start3A_44 : memref<1x128xi32, #tpu.memory_space<vmem>> -> memref<128xi32, #tpu.memory_space<vmem>>
    %dma_start3A_46 = arith.constant 0 : i32
    %dma_start3A_47 = arith.constant 0 : i32
    %dma_start3A_48 = tpu.memref_slice %arg2[%dma_start3A_46, %dma_start3A_47] : memref<20480x64xbf16, #tpu.memory_space<hbm>> -> memref<20480x64xbf16, #tpu.memory_space<hbm>>
    tpu.enqueue_indirect_dma source(%dma_start3A_48 : memref<20480x64xbf16, #tpu.memory_space<hbm>>) target(%arg10 : memref<128x64xbf16, #tpu.memory_space<vmem>>) offsets(%dma_start3A_45 : memref<128xi32, #tpu.memory_space<vmem>>) semaphore(%arg19 : memref<!tpu.dma_semaphore, #tpu.memory_space<semaphore_mem>>)
    %dma_start3A_49 = arith.constant 2 : i32
    %dma_start3A_50 = arith.constant 0 : i32
    %dma_start3A_51 = tpu.memref_slice %arg7[%dma_start3A_49, %dma_start3A_50] : memref<160x128xi32, #tpu.memory_space<vmem>> -> memref<1x128xi32, #tpu.memory_space<vmem>>
    %dma_start3A_52 = tpu.memref_squeeze %dma_start3A_51 : memref<1x128xi32, #tpu.memory_space<vmem>> -> memref<128xi32, #tpu.memory_space<vmem>>
    %dma_start3A_53 = arith.constant 0 : i32
    %dma_start3A_54 = arith.constant 0 : i32
    %dma_start3A_55 = tpu.memref_slice %arg2[%dma_start3A_53, %dma_start3A_54] : memref<20480x64xbf16, #tpu.memory_space<hbm>> -> memref<20480x64xbf16, #tpu.memory_space<hbm>>
    tpu.enqueue_indirect_dma source(%dma_start3A_55 : memref<20480x64xbf16, #tpu.memory_space<hbm>>) target(%arg11 : memref<128x64xbf16, #tpu.memory_space<vmem>>) offsets(%dma_start3A_52 : memref<128xi32, #tpu.memory_space<vmem>>) semaphore(%arg20 : memref<!tpu.dma_semaphore, #tpu.memory_space<semaphore_mem>>)
    %dma_start3A_56 = arith.constant 3 : i32
    %dma_start3A_57 = arith.constant 0 : i32
    %dma_start3A_58 = tpu.memref_slice %arg7[%dma_start3A_56, %dma_start3A_57] : memref<160x128xi32, #tpu.memory_space<vmem>> -> memref<1x128xi32, #tpu.memory_space<vmem>>
    %dma_start3A_59 = tpu.memref_squeeze %dma_start3A_58 : memref<1x128xi32, #tpu.memory_space<vmem>> -> memref<128xi32, #tpu.memory_space<vmem>>
    %dma_start3A_60 = arith.constant 0 : i32
    %dma_start3A_61 = arith.constant 0 : i32
    %dma_start3A_62 = tpu.memref_slice %arg2[%dma_start3A_60, %dma_start3A_61] : memref<20480x64xbf16, #tpu.memory_space<hbm>> -> memref<20480x64xbf16, #tpu.memory_space<hbm>>
    tpu.enqueue_indirect_dma source(%dma_start3A_62 : memref<20480x64xbf16, #tpu.memory_space<hbm>>) target(%arg12 : memref<128x64xbf16, #tpu.memory_space<vmem>>) offsets(%dma_start3A_59 : memref<128xi32, #tpu.memory_space<vmem>>) semaphore(%arg21 : memref<!tpu.dma_semaphore, #tpu.memory_space<semaphore_mem>>)
    %dma_start3A_63 = arith.constant 4 : i32
    %dma_start3A_64 = arith.constant 0 : i32
    %dma_start3A_65 = tpu.memref_slice %arg7[%dma_start3A_63, %dma_start3A_64] : memref<160x128xi32, #tpu.memory_space<vmem>> -> memref<1x128xi32, #tpu.memory_space<vmem>>
    %dma_start3A_66 = tpu.memref_squeeze %dma_start3A_65 : memref<1x128xi32, #tpu.memory_space<vmem>> -> memref<128xi32, #tpu.memory_space<vmem>>
    %dma_start3A_67 = arith.constant 0 : i32
    %dma_start3A_68 = arith.constant 0 : i32
    %dma_start3A_69 = tpu.memref_slice %arg2[%dma_start3A_67, %dma_start3A_68] : memref<20480x64xbf16, #tpu.memory_space<hbm>> -> memref<20480x64xbf16, #tpu.memory_space<hbm>>
    tpu.enqueue_indirect_dma source(%dma_start3A_69 : memref<20480x64xbf16, #tpu.memory_space<hbm>>) target(%arg13 : memref<128x64xbf16, #tpu.memory_space<vmem>>) offsets(%dma_start3A_66 : memref<128xi32, #tpu.memory_space<vmem>>) semaphore(%arg22 : memref<!tpu.dma_semaphore, #tpu.memory_space<semaphore_mem>>)
    %dma_start3A_70 = arith.constant 5 : i32
    %dma_start3A_71 = arith.constant 0 : i32
    %dma_start3A_72 = tpu.memref_slice %arg7[%dma_start3A_70, %dma_start3A_71] : memref<160x128xi32, #tpu.memory_space<vmem>> -> memref<1x128xi32, #tpu.memory_space<vmem>>
    %dma_start3A_73 = tpu.memref_squeeze %dma_start3A_72 : memref<1x128xi32, #tpu.memory_space<vmem>> -> memref<128xi32, #tpu.memory_space<vmem>>
    %dma_start3A_74 = arith.constant 0 : i32
    %dma_start3A_75 = arith.constant 0 : i32
    %dma_start3A_76 = tpu.memref_slice %arg2[%dma_start3A_74, %dma_start3A_75] : memref<20480x64xbf16, #tpu.memory_space<hbm>> -> memref<20480x64xbf16, #tpu.memory_space<hbm>>
    tpu.enqueue_indirect_dma source(%dma_start3A_76 : memref<20480x64xbf16, #tpu.memory_space<hbm>>) target(%arg14 : memref<128x64xbf16, #tpu.memory_space<vmem>>) offsets(%dma_start3A_73 : memref<128xi32, #tpu.memory_space<vmem>>) semaphore(%arg23 : memref<!tpu.dma_semaphore, #tpu.memory_space<semaphore_mem>>)
    %dma_start3A_77 = arith.constant 6 : i32
    %dma_start3A_78 = arith.constant 0 : i32
    %dma_start3A_79 = tpu.memref_slice %arg7[%dma_start3A_77, %dma_start3A_78] : memref<160x128xi32, #tpu.memory_space<vmem>> -> memref<1x128xi32, #tpu.memory_space<vmem>>
    %dma_start3A_80 = tpu.memref_squeeze %dma_start3A_79 : memref<1x128xi32, #tpu.memory_space<vmem>> -> memref<128xi32, #tpu.memory_space<vmem>>
    %dma_start3A_81 = arith.constant 0 : i32
    %dma_start3A_82 = arith.constant 0 : i32
    %dma_start3A_83 = tpu.memref_slice %arg2[%dma_start3A_81, %dma_start3A_82] : memref<20480x64xbf16, #tpu.memory_space<hbm>> -> memref<20480x64xbf16, #tpu.memory_space<hbm>>
    tpu.enqueue_indirect_dma source(%dma_start3A_83 : memref<20480x64xbf16, #tpu.memory_space<hbm>>) target(%arg15 : memref<128x64xbf16, #tpu.memory_space<vmem>>) offsets(%dma_start3A_80 : memref<128xi32, #tpu.memory_space<vmem>>) semaphore(%arg24 : memref<!tpu.dma_semaphore, #tpu.memory_space<semaphore_mem>>)
    %dma_start3A_84 = arith.constant 7 : i32
    %dma_start3A_85 = arith.constant 0 : i32
    %dma_start3A_86 = tpu.memref_slice %arg7[%dma_start3A_84, %dma_start3A_85] : memref<160x128xi32, #tpu.memory_space<vmem>> -> memref<1x128xi32, #tpu.memory_space<vmem>>
    %dma_start3A_87 = tpu.memref_squeeze %dma_start3A_86 : memref<1x128xi32, #tpu.memory_space<vmem>> -> memref<128xi32, #tpu.memory_space<vmem>>
    %dma_start3A_88 = arith.constant 0 : i32
    %dma_start3A_89 = arith.constant 0 : i32
    %dma_start3A_90 = tpu.memref_slice %arg2[%dma_start3A_88, %dma_start3A_89] : memref<20480x64xbf16, #tpu.memory_space<hbm>> -> memref<20480x64xbf16, #tpu.memory_space<hbm>>
    tpu.enqueue_indirect_dma source(%dma_start3A_90 : memref<20480x64xbf16, #tpu.memory_space<hbm>>) target(%arg16 : memref<128x64xbf16, #tpu.memory_space<vmem>>) offsets(%dma_start3A_87 : memref<128xi32, #tpu.memory_space<vmem>>) semaphore(%arg25 : memref<!tpu.dma_semaphore, #tpu.memory_space<semaphore_mem>>)
    %scan3A = arith.constant 0 : i32
    %scan3A_91 = arith.constant 0 : i32
    %scan3A_92 = arith.constant 19 : i32
    %scan3A_93 = arith.addi %scan3A_91, %scan3A_92 : i32
    %scan3A_94 = arith.constant 1 : i32
    scf.for %scan3A_265 = %scan3A_91 to %scan3A_93 step %scan3A_94  : i32 {
      %mul3A_266 = arith.constant 8 : i32
      %mul3A_267 = arith.muli %mul3A_266, %scan3A_265 : i32
      %add3A = arith.constant 0 : i32
      %add3A_268 = arith.addi %mul3A_267, %add3A : i32
      %dma_wait3A_269 = arith.constant 0 : i32
      %dma_wait3A_270 = tpu.memref_slice %arg7[%add3A_268, %dma_wait3A_269] : memref<160x128xi32, #tpu.memory_space<vmem>> -> memref<1x128xi32, #tpu.memory_space<vmem>>
      %dma_wait3A_271 = tpu.memref_squeeze %dma_wait3A_270 : memref<1x128xi32, #tpu.memory_space<vmem>> -> memref<128xi32, #tpu.memory_space<vmem>>
      %dma_wait3A_272 = arith.constant 0 : i32
      %dma_wait3A_273 = arith.constant 0 : i32
      %dma_wait3A_274 = tpu.memref_slice %arg2[%dma_wait3A_272, %dma_wait3A_273] : memref<20480x64xbf16, #tpu.memory_space<hbm>> -> memref<20480x64xbf16, #tpu.memory_space<hbm>>
      tpu.wait_indirect_dma semaphore(%arg18 : memref<!tpu.dma_semaphore, #tpu.memory_space<semaphore_mem>>) src(%dma_wait3A_274 : memref<20480x64xbf16, #tpu.memory_space<hbm>>) dst(%arg9 : memref<128x64xbf16, #tpu.memory_space<vmem>>)
      %add3A_275 = arith.constant 0 : i32
      %add3A_276 = arith.addi %mul3A_267, %add3A_275 : i32
      %dma_start3A_277 = arith.constant 0 : i32
      %dma_start3A_278 = tpu.memref_slice %arg8[%add3A_276, %dma_start3A_277] : memref<160x128xi32, #tpu.memory_space<vmem>> -> memref<1x128xi32, #tpu.memory_space<vmem>>
      %dma_start3A_279 = tpu.memref_squeeze %dma_start3A_278 : memref<1x128xi32, #tpu.memory_space<vmem>> -> memref<128xi32, #tpu.memory_space<vmem>>
      %dma_start3A_280 = arith.constant 0 : i32
      %dma_start3A_281 = arith.constant 0 : i32
      %dma_start3A_282 = tpu.memref_slice %arg17[%dma_start3A_280, %dma_start3A_281] : memref<10240x64xbf16, #tpu.memory_space<vmem_shared>> -> memref<10240x64xbf16, #tpu.memory_space<vmem_shared>>
      tpu.enqueue_indirect_dma source(%arg9 : memref<128x64xbf16, #tpu.memory_space<vmem>>) target(%dma_start3A_282 : memref<10240x64xbf16, #tpu.memory_space<vmem_shared>>) offsets(%dma_start3A_279 : memref<128xi32, #tpu.memory_space<vmem>>) semaphore(%arg26 : memref<!tpu.dma_semaphore, #tpu.memory_space<semaphore_mem>>) {add = true}
      %add3A_283 = arith.constant 1 : i32
      %add3A_284 = arith.addi %mul3A_267, %add3A_283 : i32
      %dma_wait3A_285 = arith.constant 0 : i32
      %dma_wait3A_286 = tpu.memref_slice %arg7[%add3A_284, %dma_wait3A_285] : memref<160x128xi32, #tpu.memory_space<vmem>> -> memref<1x128xi32, #tpu.memory_space<vmem>>
      %dma_wait3A_287 = tpu.memref_squeeze %dma_wait3A_286 : memref<1x128xi32, #tpu.memory_space<vmem>> -> memref<128xi32, #tpu.memory_space<vmem>>
      %dma_wait3A_288 = arith.constant 0 : i32
      %dma_wait3A_289 = arith.constant 0 : i32
      %dma_wait3A_290 = tpu.memref_slice %arg2[%dma_wait3A_288, %dma_wait3A_289] : memref<20480x64xbf16, #tpu.memory_space<hbm>> -> memref<20480x64xbf16, #tpu.memory_space<hbm>>
      tpu.wait_indirect_dma semaphore(%arg19 : memref<!tpu.dma_semaphore, #tpu.memory_space<semaphore_mem>>) src(%dma_wait3A_290 : memref<20480x64xbf16, #tpu.memory_space<hbm>>) dst(%arg10 : memref<128x64xbf16, #tpu.memory_space<vmem>>)
      %add3A_291 = arith.constant 1 : i32
      %add3A_292 = arith.addi %mul3A_267, %add3A_291 : i32
      %dma_start3A_293 = arith.constant 0 : i32
      %dma_start3A_294 = tpu.memref_slice %arg8[%add3A_292, %dma_start3A_293] : memref<160x128xi32, #tpu.memory_space<vmem>> -> memref<1x128xi32, #tpu.memory_space<vmem>>
      %dma_start3A_295 = tpu.memref_squeeze %dma_start3A_294 : memref<1x128xi32, #tpu.memory_space<vmem>> -> memref<128xi32, #tpu.memory_space<vmem>>
      %dma_start3A_296 = arith.constant 0 : i32
      %dma_start3A_297 = arith.constant 0 : i32
      %dma_start3A_298 = tpu.memref_slice %arg17[%dma_start3A_296, %dma_start3A_297] : memref<10240x64xbf16, #tpu.memory_space<vmem_shared>> -> memref<10240x64xbf16, #tpu.memory_space<vmem_shared>>
      tpu.enqueue_indirect_dma source(%arg10 : memref<128x64xbf16, #tpu.memory_space<vmem>>) target(%dma_start3A_298 : memref<10240x64xbf16, #tpu.memory_space<vmem_shared>>) offsets(%dma_start3A_295 : memref<128xi32, #tpu.memory_space<vmem>>) semaphore(%arg27 : memref<!tpu.dma_semaphore, #tpu.memory_space<semaphore_mem>>) {add = true}
      %add3A_299 = arith.constant 2 : i32
      %add3A_300 = arith.addi %mul3A_267, %add3A_299 : i32
      %dma_wait3A_301 = arith.constant 0 : i32
      %dma_wait3A_302 = tpu.memref_slice %arg7[%add3A_300, %dma_wait3A_301] : memref<160x128xi32, #tpu.memory_space<vmem>> -> memref<1x128xi32, #tpu.memory_space<vmem>>
      %dma_wait3A_303 = tpu.memref_squeeze %dma_wait3A_302 : memref<1x128xi32, #tpu.memory_space<vmem>> -> memref<128xi32, #tpu.memory_space<vmem>>
      %dma_wait3A_304 = arith.constant 0 : i32
      %dma_wait3A_305 = arith.constant 0 : i32
      %dma_wait3A_306 = tpu.memref_slice %arg2[%dma_wait3A_304, %dma_wait3A_305] : memref<20480x64xbf16, #tpu.memory_space<hbm>> -> memref<20480x64xbf16, #tpu.memory_space<hbm>>
      tpu.wait_indirect_dma semaphore(%arg20 : memref<!tpu.dma_semaphore, #tpu.memory_space<semaphore_mem>>) src(%dma_wait3A_306 : memref<20480x64xbf16, #tpu.memory_space<hbm>>) dst(%arg11 : memref<128x64xbf16, #tpu.memory_space<vmem>>)
      %add3A_307 = arith.constant 2 : i32
      %add3A_308 = arith.addi %mul3A_267, %add3A_307 : i32
      %dma_start3A_309 = arith.constant 0 : i32
      %dma_start3A_310 = tpu.memref_slice %arg8[%add3A_308, %dma_start3A_309] : memref<160x128xi32, #tpu.memory_space<vmem>> -> memref<1x128xi32, #tpu.memory_space<vmem>>
      %dma_start3A_311 = tpu.memref_squeeze %dma_start3A_310 : memref<1x128xi32, #tpu.memory_space<vmem>> -> memref<128xi32, #tpu.memory_space<vmem>>
      %dma_start3A_312 = arith.constant 0 : i32
      %dma_start3A_313 = arith.constant 0 : i32
      %dma_start3A_314 = tpu.memref_slice %arg17[%dma_start3A_312, %dma_start3A_313] : memref<10240x64xbf16, #tpu.memory_space<vmem_shared>> -> memref<10240x64xbf16, #tpu.memory_space<vmem_shared>>
      tpu.enqueue_indirect_dma source(%arg11 : memref<128x64xbf16, #tpu.memory_space<vmem>>) target(%dma_start3A_314 : memref<10240x64xbf16, #tpu.memory_space<vmem_shared>>) offsets(%dma_start3A_311 : memref<128xi32, #tpu.memory_space<vmem>>) semaphore(%arg28 : memref<!tpu.dma_semaphore, #tpu.memory_space<semaphore_mem>>) {add = true}
      %add3A_315 = arith.constant 3 : i32
      %add3A_316 = arith.addi %mul3A_267, %add3A_315 : i32
      %dma_wait3A_317 = arith.constant 0 : i32
      %dma_wait3A_318 = tpu.memref_slice %arg7[%add3A_316, %dma_wait3A_317] : memref<160x128xi32, #tpu.memory_space<vmem>> -> memref<1x128xi32, #tpu.memory_space<vmem>>
      %dma_wait3A_319 = tpu.memref_squeeze %dma_wait3A_318 : memref<1x128xi32, #tpu.memory_space<vmem>> -> memref<128xi32, #tpu.memory_space<vmem>>
      %dma_wait3A_320 = arith.constant 0 : i32
      %dma_wait3A_321 = arith.constant 0 : i32
      %dma_wait3A_322 = tpu.memref_slice %arg2[%dma_wait3A_320, %dma_wait3A_321] : memref<20480x64xbf16, #tpu.memory_space<hbm>> -> memref<20480x64xbf16, #tpu.memory_space<hbm>>
      tpu.wait_indirect_dma semaphore(%arg21 : memref<!tpu.dma_semaphore, #tpu.memory_space<semaphore_mem>>) src(%dma_wait3A_322 : memref<20480x64xbf16, #tpu.memory_space<hbm>>) dst(%arg12 : memref<128x64xbf16, #tpu.memory_space<vmem>>)
      %add3A_323 = arith.constant 3 : i32
      %add3A_324 = arith.addi %mul3A_267, %add3A_323 : i32
      %dma_start3A_325 = arith.constant 0 : i32
      %dma_start3A_326 = tpu.memref_slice %arg8[%add3A_324, %dma_start3A_325] : memref<160x128xi32, #tpu.memory_space<vmem>> -> memref<1x128xi32, #tpu.memory_space<vmem>>
      %dma_start3A_327 = tpu.memref_squeeze %dma_start3A_326 : memref<1x128xi32, #tpu.memory_space<vmem>> -> memref<128xi32, #tpu.memory_space<vmem>>
      %dma_start3A_328 = arith.constant 0 : i32
      %dma_start3A_329 = arith.constant 0 : i32
      %dma_start3A_330 = tpu.memref_slice %arg17[%dma_start3A_328, %dma_start3A_329] : memref<10240x64xbf16, #tpu.memory_space<vmem_shared>> -> memref<10240x64xbf16, #tpu.memory_space<vmem_shared>>
      tpu.enqueue_indirect_dma source(%arg12 : memref<128x64xbf16, #tpu.memory_space<vmem>>) target(%dma_start3A_330 : memref<10240x64xbf16, #tpu.memory_space<vmem_shared>>) offsets(%dma_start3A_327 : memref<128xi32, #tpu.memory_space<vmem>>) semaphore(%arg29 : memref<!tpu.dma_semaphore, #tpu.memory_space<semaphore_mem>>) {add = true}
      %add3A_331 = arith.constant 4 : i32
      %add3A_332 = arith.addi %mul3A_267, %add3A_331 : i32
      %dma_wait3A_333 = arith.constant 0 : i32
      %dma_wait3A_334 = tpu.memref_slice %arg7[%add3A_332, %dma_wait3A_333] : memref<160x128xi32, #tpu.memory_space<vmem>> -> memref<1x128xi32, #tpu.memory_space<vmem>>
      %dma_wait3A_335 = tpu.memref_squeeze %dma_wait3A_334 : memref<1x128xi32, #tpu.memory_space<vmem>> -> memref<128xi32, #tpu.memory_space<vmem>>
      %dma_wait3A_336 = arith.constant 0 : i32
      %dma_wait3A_337 = arith.constant 0 : i32
      %dma_wait3A_338 = tpu.memref_slice %arg2[%dma_wait3A_336, %dma_wait3A_337] : memref<20480x64xbf16, #tpu.memory_space<hbm>> -> memref<20480x64xbf16, #tpu.memory_space<hbm>>
      tpu.wait_indirect_dma semaphore(%arg22 : memref<!tpu.dma_semaphore, #tpu.memory_space<semaphore_mem>>) src(%dma_wait3A_338 : memref<20480x64xbf16, #tpu.memory_space<hbm>>) dst(%arg13 : memref<128x64xbf16, #tpu.memory_space<vmem>>)
      %add3A_339 = arith.constant 4 : i32
      %add3A_340 = arith.addi %mul3A_267, %add3A_339 : i32
      %dma_start3A_341 = arith.constant 0 : i32
      %dma_start3A_342 = tpu.memref_slice %arg8[%add3A_340, %dma_start3A_341] : memref<160x128xi32, #tpu.memory_space<vmem>> -> memref<1x128xi32, #tpu.memory_space<vmem>>
      %dma_start3A_343 = tpu.memref_squeeze %dma_start3A_342 : memref<1x128xi32, #tpu.memory_space<vmem>> -> memref<128xi32, #tpu.memory_space<vmem>>
      %dma_start3A_344 = arith.constant 0 : i32
      %dma_start3A_345 = arith.constant 0 : i32
      %dma_start3A_346 = tpu.memref_slice %arg17[%dma_start3A_344, %dma_start3A_345] : memref<10240x64xbf16, #tpu.memory_space<vmem_shared>> -> memref<10240x64xbf16, #tpu.memory_space<vmem_shared>>
      tpu.enqueue_indirect_dma source(%arg13 : memref<128x64xbf16, #tpu.memory_space<vmem>>) target(%dma_start3A_346 : memref<10240x64xbf16, #tpu.memory_space<vmem_shared>>) offsets(%dma_start3A_343 : memref<128xi32, #tpu.memory_space<vmem>>) semaphore(%arg30 : memref<!tpu.dma_semaphore, #tpu.memory_space<semaphore_mem>>) {add = true}
      %add3A_347 = arith.constant 5 : i32
      %add3A_348 = arith.addi %mul3A_267, %add3A_347 : i32
      %dma_wait3A_349 = arith.constant 0 : i32
      %dma_wait3A_350 = tpu.memref_slice %arg7[%add3A_348, %dma_wait3A_349] : memref<160x128xi32, #tpu.memory_space<vmem>> -> memref<1x128xi32, #tpu.memory_space<vmem>>
      %dma_wait3A_351 = tpu.memref_squeeze %dma_wait3A_350 : memref<1x128xi32, #tpu.memory_space<vmem>> -> memref<128xi32, #tpu.memory_space<vmem>>
      %dma_wait3A_352 = arith.constant 0 : i32
      %dma_wait3A_353 = arith.constant 0 : i32
      %dma_wait3A_354 = tpu.memref_slice %arg2[%dma_wait3A_352, %dma_wait3A_353] : memref<20480x64xbf16, #tpu.memory_space<hbm>> -> memref<20480x64xbf16, #tpu.memory_space<hbm>>
      tpu.wait_indirect_dma semaphore(%arg23 : memref<!tpu.dma_semaphore, #tpu.memory_space<semaphore_mem>>) src(%dma_wait3A_354 : memref<20480x64xbf16, #tpu.memory_space<hbm>>) dst(%arg14 : memref<128x64xbf16, #tpu.memory_space<vmem>>)
      %add3A_355 = arith.constant 5 : i32
      %add3A_356 = arith.addi %mul3A_267, %add3A_355 : i32
      %dma_start3A_357 = arith.constant 0 : i32
      %dma_start3A_358 = tpu.memref_slice %arg8[%add3A_356, %dma_start3A_357] : memref<160x128xi32, #tpu.memory_space<vmem>> -> memref<1x128xi32, #tpu.memory_space<vmem>>
      %dma_start3A_359 = tpu.memref_squeeze %dma_start3A_358 : memref<1x128xi32, #tpu.memory_space<vmem>> -> memref<128xi32, #tpu.memory_space<vmem>>
      %dma_start3A_360 = arith.constant 0 : i32
      %dma_start3A_361 = arith.constant 0 : i32
      %dma_start3A_362 = tpu.memref_slice %arg17[%dma_start3A_360, %dma_start3A_361] : memref<10240x64xbf16, #tpu.memory_space<vmem_shared>> -> memref<10240x64xbf16, #tpu.memory_space<vmem_shared>>
      tpu.enqueue_indirect_dma source(%arg14 : memref<128x64xbf16, #tpu.memory_space<vmem>>) target(%dma_start3A_362 : memref<10240x64xbf16, #tpu.memory_space<vmem_shared>>) offsets(%dma_start3A_359 : memref<128xi32, #tpu.memory_space<vmem>>) semaphore(%arg31 : memref<!tpu.dma_semaphore, #tpu.memory_space<semaphore_mem>>) {add = true}
      %add3A_363 = arith.constant 6 : i32
      %add3A_364 = arith.addi %mul3A_267, %add3A_363 : i32
      %dma_wait3A_365 = arith.constant 0 : i32
      %dma_wait3A_366 = tpu.memref_slice %arg7[%add3A_364, %dma_wait3A_365] : memref<160x128xi32, #tpu.memory_space<vmem>> -> memref<1x128xi32, #tpu.memory_space<vmem>>
      %dma_wait3A_367 = tpu.memref_squeeze %dma_wait3A_366 : memref<1x128xi32, #tpu.memory_space<vmem>> -> memref<128xi32, #tpu.memory_space<vmem>>
      %dma_wait3A_368 = arith.constant 0 : i32
      %dma_wait3A_369 = arith.constant 0 : i32
      %dma_wait3A_370 = tpu.memref_slice %arg2[%dma_wait3A_368, %dma_wait3A_369] : memref<20480x64xbf16, #tpu.memory_space<hbm>> -> memref<20480x64xbf16, #tpu.memory_space<hbm>>
      tpu.wait_indirect_dma semaphore(%arg24 : memref<!tpu.dma_semaphore, #tpu.memory_space<semaphore_mem>>) src(%dma_wait3A_370 : memref<20480x64xbf16, #tpu.memory_space<hbm>>) dst(%arg15 : memref<128x64xbf16, #tpu.memory_space<vmem>>)
      %add3A_371 = arith.constant 6 : i32
      %add3A_372 = arith.addi %mul3A_267, %add3A_371 : i32
      %dma_start3A_373 = arith.constant 0 : i32
      %dma_start3A_374 = tpu.memref_slice %arg8[%add3A_372, %dma_start3A_373] : memref<160x128xi32, #tpu.memory_space<vmem>> -> memref<1x128xi32, #tpu.memory_space<vmem>>
      %dma_start3A_375 = tpu.memref_squeeze %dma_start3A_374 : memref<1x128xi32, #tpu.memory_space<vmem>> -> memref<128xi32, #tpu.memory_space<vmem>>
      %dma_start3A_376 = arith.constant 0 : i32
      %dma_start3A_377 = arith.constant 0 : i32
      %dma_start3A_378 = tpu.memref_slice %arg17[%dma_start3A_376, %dma_start3A_377] : memref<10240x64xbf16, #tpu.memory_space<vmem_shared>> -> memref<10240x64xbf16, #tpu.memory_space<vmem_shared>>
      tpu.enqueue_indirect_dma source(%arg15 : memref<128x64xbf16, #tpu.memory_space<vmem>>) target(%dma_start3A_378 : memref<10240x64xbf16, #tpu.memory_space<vmem_shared>>) offsets(%dma_start3A_375 : memref<128xi32, #tpu.memory_space<vmem>>) semaphore(%arg32 : memref<!tpu.dma_semaphore, #tpu.memory_space<semaphore_mem>>) {add = true}
      %add3A_379 = arith.constant 7 : i32
      %add3A_380 = arith.addi %mul3A_267, %add3A_379 : i32
      %dma_wait3A_381 = arith.constant 0 : i32
      %dma_wait3A_382 = tpu.memref_slice %arg7[%add3A_380, %dma_wait3A_381] : memref<160x128xi32, #tpu.memory_space<vmem>> -> memref<1x128xi32, #tpu.memory_space<vmem>>
      %dma_wait3A_383 = tpu.memref_squeeze %dma_wait3A_382 : memref<1x128xi32, #tpu.memory_space<vmem>> -> memref<128xi32, #tpu.memory_space<vmem>>
      %dma_wait3A_384 = arith.constant 0 : i32
      %dma_wait3A_385 = arith.constant 0 : i32
      %dma_wait3A_386 = tpu.memref_slice %arg2[%dma_wait3A_384, %dma_wait3A_385] : memref<20480x64xbf16, #tpu.memory_space<hbm>> -> memref<20480x64xbf16, #tpu.memory_space<hbm>>
      tpu.wait_indirect_dma semaphore(%arg25 : memref<!tpu.dma_semaphore, #tpu.memory_space<semaphore_mem>>) src(%dma_wait3A_386 : memref<20480x64xbf16, #tpu.memory_space<hbm>>) dst(%arg16 : memref<128x64xbf16, #tpu.memory_space<vmem>>)
      %add3A_387 = arith.constant 7 : i32
      %add3A_388 = arith.addi %mul3A_267, %add3A_387 : i32
      %dma_start3A_389 = arith.constant 0 : i32
      %dma_start3A_390 = tpu.memref_slice %arg8[%add3A_388, %dma_start3A_389] : memref<160x128xi32, #tpu.memory_space<vmem>> -> memref<1x128xi32, #tpu.memory_space<vmem>>
      %dma_start3A_391 = tpu.memref_squeeze %dma_start3A_390 : memref<1x128xi32, #tpu.memory_space<vmem>> -> memref<128xi32, #tpu.memory_space<vmem>>
      %dma_start3A_392 = arith.constant 0 : i32
      %dma_start3A_393 = arith.constant 0 : i32
      %dma_start3A_394 = tpu.memref_slice %arg17[%dma_start3A_392, %dma_start3A_393] : memref<10240x64xbf16, #tpu.memory_space<vmem_shared>> -> memref<10240x64xbf16, #tpu.memory_space<vmem_shared>>
      tpu.enqueue_indirect_dma source(%arg16 : memref<128x64xbf16, #tpu.memory_space<vmem>>) target(%dma_start3A_394 : memref<10240x64xbf16, #tpu.memory_space<vmem_shared>>) offsets(%dma_start3A_391 : memref<128xi32, #tpu.memory_space<vmem>>) semaphore(%arg33 : memref<!tpu.dma_semaphore, #tpu.memory_space<semaphore_mem>>) {add = true}
      %add3A_395 = arith.constant 0 : i32
      %add3A_396 = arith.addi %mul3A_267, %add3A_395 : i32
      %dma_wait3A_397 = arith.constant 0 : i32
      %dma_wait3A_398 = tpu.memref_slice %arg8[%add3A_396, %dma_wait3A_397] : memref<160x128xi32, #tpu.memory_space<vmem>> -> memref<1x128xi32, #tpu.memory_space<vmem>>
      %dma_wait3A_399 = tpu.memref_squeeze %dma_wait3A_398 : memref<1x128xi32, #tpu.memory_space<vmem>> -> memref<128xi32, #tpu.memory_space<vmem>>
      %dma_wait3A_400 = arith.constant 0 : i32
      %dma_wait3A_401 = arith.constant 0 : i32
      %dma_wait3A_402 = tpu.memref_slice %arg17[%dma_wait3A_400, %dma_wait3A_401] : memref<10240x64xbf16, #tpu.memory_space<vmem_shared>> -> memref<10240x64xbf16, #tpu.memory_space<vmem_shared>>
      tpu.wait_indirect_dma semaphore(%arg26 : memref<!tpu.dma_semaphore, #tpu.memory_space<semaphore_mem>>) src(%arg9 : memref<128x64xbf16, #tpu.memory_space<vmem>>) dst(%dma_wait3A_402 : memref<10240x64xbf16, #tpu.memory_space<vmem_shared>>)
      %add3A_403 = arith.constant 8 : i32
      %add3A_404 = arith.addi %mul3A_267, %add3A_403 : i32
      %add3A_405 = arith.constant 0 : i32
      %add3A_406 = arith.addi %add3A_404, %add3A_405 : i32
      %dma_start3A_407 = arith.constant 0 : i32
      %dma_start3A_408 = tpu.memref_slice %arg7[%add3A_406, %dma_start3A_407] : memref<160x128xi32, #tpu.memory_space<vmem>> -> memref<1x128xi32, #tpu.memory_space<vmem>>
      %dma_start3A_409 = tpu.memref_squeeze %dma_start3A_408 : memref<1x128xi32, #tpu.memory_space<vmem>> -> memref<128xi32, #tpu.memory_space<vmem>>
      %dma_start3A_410 = arith.constant 0 : i32
      %dma_start3A_411 = arith.constant 0 : i32
      %dma_start3A_412 = tpu.memref_slice %arg2[%dma_start3A_410, %dma_start3A_411] : memref<20480x64xbf16, #tpu.memory_space<hbm>> -> memref<20480x64xbf16, #tpu.memory_space<hbm>>
      tpu.enqueue_indirect_dma source(%dma_start3A_412 : memref<20480x64xbf16, #tpu.memory_space<hbm>>) target(%arg9 : memref<128x64xbf16, #tpu.memory_space<vmem>>) offsets(%dma_start3A_409 : memref<128xi32, #tpu.memory_space<vmem>>) semaphore(%arg18 : memref<!tpu.dma_semaphore, #tpu.memory_space<semaphore_mem>>)
      %add3A_413 = arith.constant 1 : i32
      %add3A_414 = arith.addi %mul3A_267, %add3A_413 : i32
      %dma_wait3A_415 = arith.constant 0 : i32
      %dma_wait3A_416 = tpu.memref_slice %arg8[%add3A_414, %dma_wait3A_415] : memref<160x128xi32, #tpu.memory_space<vmem>> -> memref<1x128xi32, #tpu.memory_space<vmem>>
      %dma_wait3A_417 = tpu.memref_squeeze %dma_wait3A_416 : memref<1x128xi32, #tpu.memory_space<vmem>> -> memref<128xi32, #tpu.memory_space<vmem>>
      %dma_wait3A_418 = arith.constant 0 : i32
      %dma_wait3A_419 = arith.constant 0 : i32
      %dma_wait3A_420 = tpu.memref_slice %arg17[%dma_wait3A_418, %dma_wait3A_419] : memref<10240x64xbf16, #tpu.memory_space<vmem_shared>> -> memref<10240x64xbf16, #tpu.memory_space<vmem_shared>>
      tpu.wait_indirect_dma semaphore(%arg27 : memref<!tpu.dma_semaphore, #tpu.memory_space<semaphore_mem>>) src(%arg10 : memref<128x64xbf16, #tpu.memory_space<vmem>>) dst(%dma_wait3A_420 : memref<10240x64xbf16, #tpu.memory_space<vmem_shared>>)
      %add3A_421 = arith.constant 8 : i32
      %add3A_422 = arith.addi %mul3A_267, %add3A_421 : i32
      %add3A_423 = arith.constant 1 : i32
      %add3A_424 = arith.addi %add3A_422, %add3A_423 : i32
      %dma_start3A_425 = arith.constant 0 : i32
      %dma_start3A_426 = tpu.memref_slice %arg7[%add3A_424, %dma_start3A_425] : memref<160x128xi32, #tpu.memory_space<vmem>> -> memref<1x128xi32, #tpu.memory_space<vmem>>
      %dma_start3A_427 = tpu.memref_squeeze %dma_start3A_426 : memref<1x128xi32, #tpu.memory_space<vmem>> -> memref<128xi32, #tpu.memory_space<vmem>>
      %dma_start3A_428 = arith.constant 0 : i32
      %dma_start3A_429 = arith.constant 0 : i32
      %dma_start3A_430 = tpu.memref_slice %arg2[%dma_start3A_428, %dma_start3A_429] : memref<20480x64xbf16, #tpu.memory_space<hbm>> -> memref<20480x64xbf16, #tpu.memory_space<hbm>>
      tpu.enqueue_indirect_dma source(%dma_start3A_430 : memref<20480x64xbf16, #tpu.memory_space<hbm>>) target(%arg10 : memref<128x64xbf16, #tpu.memory_space<vmem>>) offsets(%dma_start3A_427 : memref<128xi32, #tpu.memory_space<vmem>>) semaphore(%arg19 : memref<!tpu.dma_semaphore, #tpu.memory_space<semaphore_mem>>)
      %add3A_431 = arith.constant 2 : i32
      %add3A_432 = arith.addi %mul3A_267, %add3A_431 : i32
      %dma_wait3A_433 = arith.constant 0 : i32
      %dma_wait3A_434 = tpu.memref_slice %arg8[%add3A_432, %dma_wait3A_433] : memref<160x128xi32, #tpu.memory_space<vmem>> -> memref<1x128xi32, #tpu.memory_space<vmem>>
      %dma_wait3A_435 = tpu.memref_squeeze %dma_wait3A_434 : memref<1x128xi32, #tpu.memory_space<vmem>> -> memref<128xi32, #tpu.memory_space<vmem>>
      %dma_wait3A_436 = arith.constant 0 : i32
      %dma_wait3A_437 = arith.constant 0 : i32
      %dma_wait3A_438 = tpu.memref_slice %arg17[%dma_wait3A_436, %dma_wait3A_437] : memref<10240x64xbf16, #tpu.memory_space<vmem_shared>> -> memref<10240x64xbf16, #tpu.memory_space<vmem_shared>>
      tpu.wait_indirect_dma semaphore(%arg28 : memref<!tpu.dma_semaphore, #tpu.memory_space<semaphore_mem>>) src(%arg11 : memref<128x64xbf16, #tpu.memory_space<vmem>>) dst(%dma_wait3A_438 : memref<10240x64xbf16, #tpu.memory_space<vmem_shared>>)
      %add3A_439 = arith.constant 8 : i32
      %add3A_440 = arith.addi %mul3A_267, %add3A_439 : i32
      %add3A_441 = arith.constant 2 : i32
      %add3A_442 = arith.addi %add3A_440, %add3A_441 : i32
      %dma_start3A_443 = arith.constant 0 : i32
      %dma_start3A_444 = tpu.memref_slice %arg7[%add3A_442, %dma_start3A_443] : memref<160x128xi32, #tpu.memory_space<vmem>> -> memref<1x128xi32, #tpu.memory_space<vmem>>
      %dma_start3A_445 = tpu.memref_squeeze %dma_start3A_444 : memref<1x128xi32, #tpu.memory_space<vmem>> -> memref<128xi32, #tpu.memory_space<vmem>>
      %dma_start3A_446 = arith.constant 0 : i32
      %dma_start3A_447 = arith.constant 0 : i32
      %dma_start3A_448 = tpu.memref_slice %arg2[%dma_start3A_446, %dma_start3A_447] : memref<20480x64xbf16, #tpu.memory_space<hbm>> -> memref<20480x64xbf16, #tpu.memory_space<hbm>>
      tpu.enqueue_indirect_dma source(%dma_start3A_448 : memref<20480x64xbf16, #tpu.memory_space<hbm>>) target(%arg11 : memref<128x64xbf16, #tpu.memory_space<vmem>>) offsets(%dma_start3A_445 : memref<128xi32, #tpu.memory_space<vmem>>) semaphore(%arg20 : memref<!tpu.dma_semaphore, #tpu.memory_space<semaphore_mem>>)
      %add3A_449 = arith.constant 3 : i32
      %add3A_450 = arith.addi %mul3A_267, %add3A_449 : i32
      %dma_wait3A_451 = arith.constant 0 : i32
      %dma_wait3A_452 = tpu.memref_slice %arg8[%add3A_450, %dma_wait3A_451] : memref<160x128xi32, #tpu.memory_space<vmem>> -> memref<1x128xi32, #tpu.memory_space<vmem>>
      %dma_wait3A_453 = tpu.memref_squeeze %dma_wait3A_452 : memref<1x128xi32, #tpu.memory_space<vmem>> -> memref<128xi32, #tpu.memory_space<vmem>>
      %dma_wait3A_454 = arith.constant 0 : i32
      %dma_wait3A_455 = arith.constant 0 : i32
      %dma_wait3A_456 = tpu.memref_slice %arg17[%dma_wait3A_454, %dma_wait3A_455] : memref<10240x64xbf16, #tpu.memory_space<vmem_shared>> -> memref<10240x64xbf16, #tpu.memory_space<vmem_shared>>
      tpu.wait_indirect_dma semaphore(%arg29 : memref<!tpu.dma_semaphore, #tpu.memory_space<semaphore_mem>>) src(%arg12 : memref<128x64xbf16, #tpu.memory_space<vmem>>) dst(%dma_wait3A_456 : memref<10240x64xbf16, #tpu.memory_space<vmem_shared>>)
      %add3A_457 = arith.constant 8 : i32
      %add3A_458 = arith.addi %mul3A_267, %add3A_457 : i32
      %add3A_459 = arith.constant 3 : i32
      %add3A_460 = arith.addi %add3A_458, %add3A_459 : i32
      %dma_start3A_461 = arith.constant 0 : i32
      %dma_start3A_462 = tpu.memref_slice %arg7[%add3A_460, %dma_start3A_461] : memref<160x128xi32, #tpu.memory_space<vmem>> -> memref<1x128xi32, #tpu.memory_space<vmem>>
      %dma_start3A_463 = tpu.memref_squeeze %dma_start3A_462 : memref<1x128xi32, #tpu.memory_space<vmem>> -> memref<128xi32, #tpu.memory_space<vmem>>
      %dma_start3A_464 = arith.constant 0 : i32
      %dma_start3A_465 = arith.constant 0 : i32
      %dma_start3A_466 = tpu.memref_slice %arg2[%dma_start3A_464, %dma_start3A_465] : memref<20480x64xbf16, #tpu.memory_space<hbm>> -> memref<20480x64xbf16, #tpu.memory_space<hbm>>
      tpu.enqueue_indirect_dma source(%dma_start3A_466 : memref<20480x64xbf16, #tpu.memory_space<hbm>>) target(%arg12 : memref<128x64xbf16, #tpu.memory_space<vmem>>) offsets(%dma_start3A_463 : memref<128xi32, #tpu.memory_space<vmem>>) semaphore(%arg21 : memref<!tpu.dma_semaphore, #tpu.memory_space<semaphore_mem>>)
      %add3A_467 = arith.constant 4 : i32
      %add3A_468 = arith.addi %mul3A_267, %add3A_467 : i32
      %dma_wait3A_469 = arith.constant 0 : i32
      %dma_wait3A_470 = tpu.memref_slice %arg8[%add3A_468, %dma_wait3A_469] : memref<160x128xi32, #tpu.memory_space<vmem>> -> memref<1x128xi32, #tpu.memory_space<vmem>>
      %dma_wait3A_471 = tpu.memref_squeeze %dma_wait3A_470 : memref<1x128xi32, #tpu.memory_space<vmem>> -> memref<128xi32, #tpu.memory_space<vmem>>
      %dma_wait3A_472 = arith.constant 0 : i32
      %dma_wait3A_473 = arith.constant 0 : i32
      %dma_wait3A_474 = tpu.memref_slice %arg17[%dma_wait3A_472, %dma_wait3A_473] : memref<10240x64xbf16, #tpu.memory_space<vmem_shared>> -> memref<10240x64xbf16, #tpu.memory_space<vmem_shared>>
      tpu.wait_indirect_dma semaphore(%arg30 : memref<!tpu.dma_semaphore, #tpu.memory_space<semaphore_mem>>) src(%arg13 : memref<128x64xbf16, #tpu.memory_space<vmem>>) dst(%dma_wait3A_474 : memref<10240x64xbf16, #tpu.memory_space<vmem_shared>>)
      %add3A_475 = arith.constant 8 : i32
      %add3A_476 = arith.addi %mul3A_267, %add3A_475 : i32
      %add3A_477 = arith.constant 4 : i32
      %add3A_478 = arith.addi %add3A_476, %add3A_477 : i32
      %dma_start3A_479 = arith.constant 0 : i32
      %dma_start3A_480 = tpu.memref_slice %arg7[%add3A_478, %dma_start3A_479] : memref<160x128xi32, #tpu.memory_space<vmem>> -> memref<1x128xi32, #tpu.memory_space<vmem>>
      %dma_start3A_481 = tpu.memref_squeeze %dma_start3A_480 : memref<1x128xi32, #tpu.memory_space<vmem>> -> memref<128xi32, #tpu.memory_space<vmem>>
      %dma_start3A_482 = arith.constant 0 : i32
      %dma_start3A_483 = arith.constant 0 : i32
      %dma_start3A_484 = tpu.memref_slice %arg2[%dma_start3A_482, %dma_start3A_483] : memref<20480x64xbf16, #tpu.memory_space<hbm>> -> memref<20480x64xbf16, #tpu.memory_space<hbm>>
      tpu.enqueue_indirect_dma source(%dma_start3A_484 : memref<20480x64xbf16, #tpu.memory_space<hbm>>) target(%arg13 : memref<128x64xbf16, #tpu.memory_space<vmem>>) offsets(%dma_start3A_481 : memref<128xi32, #tpu.memory_space<vmem>>) semaphore(%arg22 : memref<!tpu.dma_semaphore, #tpu.memory_space<semaphore_mem>>)
      %add3A_485 = arith.constant 5 : i32
      %add3A_486 = arith.addi %mul3A_267, %add3A_485 : i32
      %dma_wait3A_487 = arith.constant 0 : i32
      %dma_wait3A_488 = tpu.memref_slice %arg8[%add3A_486, %dma_wait3A_487] : memref<160x128xi32, #tpu.memory_space<vmem>> -> memref<1x128xi32, #tpu.memory_space<vmem>>
      %dma_wait3A_489 = tpu.memref_squeeze %dma_wait3A_488 : memref<1x128xi32, #tpu.memory_space<vmem>> -> memref<128xi32, #tpu.memory_space<vmem>>
      %dma_wait3A_490 = arith.constant 0 : i32
      %dma_wait3A_491 = arith.constant 0 : i32
      %dma_wait3A_492 = tpu.memref_slice %arg17[%dma_wait3A_490, %dma_wait3A_491] : memref<10240x64xbf16, #tpu.memory_space<vmem_shared>> -> memref<10240x64xbf16, #tpu.memory_space<vmem_shared>>
      tpu.wait_indirect_dma semaphore(%arg31 : memref<!tpu.dma_semaphore, #tpu.memory_space<semaphore_mem>>) src(%arg14 : memref<128x64xbf16, #tpu.memory_space<vmem>>) dst(%dma_wait3A_492 : memref<10240x64xbf16, #tpu.memory_space<vmem_shared>>)
      %add3A_493 = arith.constant 8 : i32
      %add3A_494 = arith.addi %mul3A_267, %add3A_493 : i32
      %add3A_495 = arith.constant 5 : i32
      %add3A_496 = arith.addi %add3A_494, %add3A_495 : i32
      %dma_start3A_497 = arith.constant 0 : i32
      %dma_start3A_498 = tpu.memref_slice %arg7[%add3A_496, %dma_start3A_497] : memref<160x128xi32, #tpu.memory_space<vmem>> -> memref<1x128xi32, #tpu.memory_space<vmem>>
      %dma_start3A_499 = tpu.memref_squeeze %dma_start3A_498 : memref<1x128xi32, #tpu.memory_space<vmem>> -> memref<128xi32, #tpu.memory_space<vmem>>
      %dma_start3A_500 = arith.constant 0 : i32
      %dma_start3A_501 = arith.constant 0 : i32
      %dma_start3A_502 = tpu.memref_slice %arg2[%dma_start3A_500, %dma_start3A_501] : memref<20480x64xbf16, #tpu.memory_space<hbm>> -> memref<20480x64xbf16, #tpu.memory_space<hbm>>
      tpu.enqueue_indirect_dma source(%dma_start3A_502 : memref<20480x64xbf16, #tpu.memory_space<hbm>>) target(%arg14 : memref<128x64xbf16, #tpu.memory_space<vmem>>) offsets(%dma_start3A_499 : memref<128xi32, #tpu.memory_space<vmem>>) semaphore(%arg23 : memref<!tpu.dma_semaphore, #tpu.memory_space<semaphore_mem>>)
      %add3A_503 = arith.constant 6 : i32
      %add3A_504 = arith.addi %mul3A_267, %add3A_503 : i32
      %dma_wait3A_505 = arith.constant 0 : i32
      %dma_wait3A_506 = tpu.memref_slice %arg8[%add3A_504, %dma_wait3A_505] : memref<160x128xi32, #tpu.memory_space<vmem>> -> memref<1x128xi32, #tpu.memory_space<vmem>>
      %dma_wait3A_507 = tpu.memref_squeeze %dma_wait3A_506 : memref<1x128xi32, #tpu.memory_space<vmem>> -> memref<128xi32, #tpu.memory_space<vmem>>
      %dma_wait3A_508 = arith.constant 0 : i32
      %dma_wait3A_509 = arith.constant 0 : i32
      %dma_wait3A_510 = tpu.memref_slice %arg17[%dma_wait3A_508, %dma_wait3A_509] : memref<10240x64xbf16, #tpu.memory_space<vmem_shared>> -> memref<10240x64xbf16, #tpu.memory_space<vmem_shared>>
      tpu.wait_indirect_dma semaphore(%arg32 : memref<!tpu.dma_semaphore, #tpu.memory_space<semaphore_mem>>) src(%arg15 : memref<128x64xbf16, #tpu.memory_space<vmem>>) dst(%dma_wait3A_510 : memref<10240x64xbf16, #tpu.memory_space<vmem_shared>>)
      %add3A_511 = arith.constant 8 : i32
      %add3A_512 = arith.addi %mul3A_267, %add3A_511 : i32
      %add3A_513 = arith.constant 6 : i32
      %add3A_514 = arith.addi %add3A_512, %add3A_513 : i32
      %dma_start3A_515 = arith.constant 0 : i32
      %dma_start3A_516 = tpu.memref_slice %arg7[%add3A_514, %dma_start3A_515] : memref<160x128xi32, #tpu.memory_space<vmem>> -> memref<1x128xi32, #tpu.memory_space<vmem>>
      %dma_start3A_517 = tpu.memref_squeeze %dma_start3A_516 : memref<1x128xi32, #tpu.memory_space<vmem>> -> memref<128xi32, #tpu.memory_space<vmem>>
      %dma_start3A_518 = arith.constant 0 : i32
      %dma_start3A_519 = arith.constant 0 : i32
      %dma_start3A_520 = tpu.memref_slice %arg2[%dma_start3A_518, %dma_start3A_519] : memref<20480x64xbf16, #tpu.memory_space<hbm>> -> memref<20480x64xbf16, #tpu.memory_space<hbm>>
      tpu.enqueue_indirect_dma source(%dma_start3A_520 : memref<20480x64xbf16, #tpu.memory_space<hbm>>) target(%arg15 : memref<128x64xbf16, #tpu.memory_space<vmem>>) offsets(%dma_start3A_517 : memref<128xi32, #tpu.memory_space<vmem>>) semaphore(%arg24 : memref<!tpu.dma_semaphore, #tpu.memory_space<semaphore_mem>>)
      %add3A_521 = arith.constant 7 : i32
      %add3A_522 = arith.addi %mul3A_267, %add3A_521 : i32
      %dma_wait3A_523 = arith.constant 0 : i32
      %dma_wait3A_524 = tpu.memref_slice %arg8[%add3A_522, %dma_wait3A_523] : memref<160x128xi32, #tpu.memory_space<vmem>> -> memref<1x128xi32, #tpu.memory_space<vmem>>
      %dma_wait3A_525 = tpu.memref_squeeze %dma_wait3A_524 : memref<1x128xi32, #tpu.memory_space<vmem>> -> memref<128xi32, #tpu.memory_space<vmem>>
      %dma_wait3A_526 = arith.constant 0 : i32
      %dma_wait3A_527 = arith.constant 0 : i32
      %dma_wait3A_528 = tpu.memref_slice %arg17[%dma_wait3A_526, %dma_wait3A_527] : memref<10240x64xbf16, #tpu.memory_space<vmem_shared>> -> memref<10240x64xbf16, #tpu.memory_space<vmem_shared>>
      tpu.wait_indirect_dma semaphore(%arg33 : memref<!tpu.dma_semaphore, #tpu.memory_space<semaphore_mem>>) src(%arg16 : memref<128x64xbf16, #tpu.memory_space<vmem>>) dst(%dma_wait3A_528 : memref<10240x64xbf16, #tpu.memory_space<vmem_shared>>)
      %add3A_529 = arith.constant 8 : i32
      %add3A_530 = arith.addi %mul3A_267, %add3A_529 : i32
      %add3A_531 = arith.constant 7 : i32
      %add3A_532 = arith.addi %add3A_530, %add3A_531 : i32
      %dma_start3A_533 = arith.constant 0 : i32
      %dma_start3A_534 = tpu.memref_slice %arg7[%add3A_532, %dma_start3A_533] : memref<160x128xi32, #tpu.memory_space<vmem>> -> memref<1x128xi32, #tpu.memory_space<vmem>>
      %dma_start3A_535 = tpu.memref_squeeze %dma_start3A_534 : memref<1x128xi32, #tpu.memory_space<vmem>> -> memref<128xi32, #tpu.memory_space<vmem>>
      %dma_start3A_536 = arith.constant 0 : i32
      %dma_start3A_537 = arith.constant 0 : i32
      %dma_start3A_538 = tpu.memref_slice %arg2[%dma_start3A_536, %dma_start3A_537] : memref<20480x64xbf16, #tpu.memory_space<hbm>> -> memref<20480x64xbf16, #tpu.memory_space<hbm>>
      tpu.enqueue_indirect_dma source(%dma_start3A_538 : memref<20480x64xbf16, #tpu.memory_space<hbm>>) target(%arg16 : memref<128x64xbf16, #tpu.memory_space<vmem>>) offsets(%dma_start3A_535 : memref<128xi32, #tpu.memory_space<vmem>>) semaphore(%arg25 : memref<!tpu.dma_semaphore, #tpu.memory_space<semaphore_mem>>)
    }
    %scan3A_95 = arith.constant 19 : i32
    %dma_wait3A_96 = arith.constant 152 : i32
    %dma_wait3A_97 = arith.constant 0 : i32
    %dma_wait3A_98 = tpu.memref_slice %arg7[%dma_wait3A_96, %dma_wait3A_97] : memref<160x128xi32, #tpu.memory_space<vmem>> -> memref<1x128xi32, #tpu.memory_space<vmem>>
    %dma_wait3A_99 = tpu.memref_squeeze %dma_wait3A_98 : memref<1x128xi32, #tpu.memory_space<vmem>> -> memref<128xi32, #tpu.memory_space<vmem>>
    %dma_wait3A_100 = arith.constant 0 : i32
    %dma_wait3A_101 = arith.constant 0 : i32
    %dma_wait3A_102 = tpu.memref_slice %arg2[%dma_wait3A_100, %dma_wait3A_101] : memref<20480x64xbf16, #tpu.memory_space<hbm>> -> memref<20480x64xbf16, #tpu.memory_space<hbm>>
    tpu.wait_indirect_dma semaphore(%arg18 : memref<!tpu.dma_semaphore, #tpu.memory_space<semaphore_mem>>) src(%dma_wait3A_102 : memref<20480x64xbf16, #tpu.memory_space<hbm>>) dst(%arg9 : memref<128x64xbf16, #tpu.memory_space<vmem>>)
    %dma_start3A_103 = arith.constant 152 : i32
    %dma_start3A_104 = arith.constant 0 : i32
    %dma_start3A_105 = tpu.memref_slice %arg8[%dma_start3A_103, %dma_start3A_104] : memref<160x128xi32, #tpu.memory_space<vmem>> -> memref<1x128xi32, #tpu.memory_space<vmem>>
    %dma_start3A_106 = tpu.memref_squeeze %dma_start3A_105 : memref<1x128xi32, #tpu.memory_space<vmem>> -> memref<128xi32, #tpu.memory_space<vmem>>
    %dma_start3A_107 = arith.constant 0 : i32
    %dma_start3A_108 = arith.constant 0 : i32
    %dma_start3A_109 = tpu.memref_slice %arg17[%dma_start3A_107, %dma_start3A_108] : memref<10240x64xbf16, #tpu.memory_space<vmem_shared>> -> memref<10240x64xbf16, #tpu.memory_space<vmem_shared>>
    tpu.enqueue_indirect_dma source(%arg9 : memref<128x64xbf16, #tpu.memory_space<vmem>>) target(%dma_start3A_109 : memref<10240x64xbf16, #tpu.memory_space<vmem_shared>>) offsets(%dma_start3A_106 : memref<128xi32, #tpu.memory_space<vmem>>) semaphore(%arg26 : memref<!tpu.dma_semaphore, #tpu.memory_space<semaphore_mem>>) {add = true}
    %dma_wait3A_110 = arith.constant 153 : i32
    %dma_wait3A_111 = arith.constant 0 : i32
    %dma_wait3A_112 = tpu.memref_slice %arg7[%dma_wait3A_110, %dma_wait3A_111] : memref<160x128xi32, #tpu.memory_space<vmem>> -> memref<1x128xi32, #tpu.memory_space<vmem>>
    %dma_wait3A_113 = tpu.memref_squeeze %dma_wait3A_112 : memref<1x128xi32, #tpu.memory_space<vmem>> -> memref<128xi32, #tpu.memory_space<vmem>>
    %dma_wait3A_114 = arith.constant 0 : i32
    %dma_wait3A_115 = arith.constant 0 : i32
    %dma_wait3A_116 = tpu.memref_slice %arg2[%dma_wait3A_114, %dma_wait3A_115] : memref<20480x64xbf16, #tpu.memory_space<hbm>> -> memref<20480x64xbf16, #tpu.memory_space<hbm>>
    tpu.wait_indirect_dma semaphore(%arg19 : memref<!tpu.dma_semaphore, #tpu.memory_space<semaphore_mem>>) src(%dma_wait3A_116 : memref<20480x64xbf16, #tpu.memory_space<hbm>>) dst(%arg10 : memref<128x64xbf16, #tpu.memory_space<vmem>>)
    %dma_start3A_117 = arith.constant 153 : i32
    %dma_start3A_118 = arith.constant 0 : i32
    %dma_start3A_119 = tpu.memref_slice %arg8[%dma_start3A_117, %dma_start3A_118] : memref<160x128xi32, #tpu.memory_space<vmem>> -> memref<1x128xi32, #tpu.memory_space<vmem>>
    %dma_start3A_120 = tpu.memref_squeeze %dma_start3A_119 : memref<1x128xi32, #tpu.memory_space<vmem>> -> memref<128xi32, #tpu.memory_space<vmem>>
    %dma_start3A_121 = arith.constant 0 : i32
    %dma_start3A_122 = arith.constant 0 : i32
    %dma_start3A_123 = tpu.memref_slice %arg17[%dma_start3A_121, %dma_start3A_122] : memref<10240x64xbf16, #tpu.memory_space<vmem_shared>> -> memref<10240x64xbf16, #tpu.memory_space<vmem_shared>>
    tpu.enqueue_indirect_dma source(%arg10 : memref<128x64xbf16, #tpu.memory_space<vmem>>) target(%dma_start3A_123 : memref<10240x64xbf16, #tpu.memory_space<vmem_shared>>) offsets(%dma_start3A_120 : memref<128xi32, #tpu.memory_space<vmem>>) semaphore(%arg27 : memref<!tpu.dma_semaphore, #tpu.memory_space<semaphore_mem>>) {add = true}
    %dma_wait3A_124 = arith.constant 154 : i32
    %dma_wait3A_125 = arith.constant 0 : i32
    %dma_wait3A_126 = tpu.memref_slice %arg7[%dma_wait3A_124, %dma_wait3A_125] : memref<160x128xi32, #tpu.memory_space<vmem>> -> memref<1x128xi32, #tpu.memory_space<vmem>>
    %dma_wait3A_127 = tpu.memref_squeeze %dma_wait3A_126 : memref<1x128xi32, #tpu.memory_space<vmem>> -> memref<128xi32, #tpu.memory_space<vmem>>
    %dma_wait3A_128 = arith.constant 0 : i32
    %dma_wait3A_129 = arith.constant 0 : i32
    %dma_wait3A_130 = tpu.memref_slice %arg2[%dma_wait3A_128, %dma_wait3A_129] : memref<20480x64xbf16, #tpu.memory_space<hbm>> -> memref<20480x64xbf16, #tpu.memory_space<hbm>>
    tpu.wait_indirect_dma semaphore(%arg20 : memref<!tpu.dma_semaphore, #tpu.memory_space<semaphore_mem>>) src(%dma_wait3A_130 : memref<20480x64xbf16, #tpu.memory_space<hbm>>) dst(%arg11 : memref<128x64xbf16, #tpu.memory_space<vmem>>)
    %dma_start3A_131 = arith.constant 154 : i32
    %dma_start3A_132 = arith.constant 0 : i32
    %dma_start3A_133 = tpu.memref_slice %arg8[%dma_start3A_131, %dma_start3A_132] : memref<160x128xi32, #tpu.memory_space<vmem>> -> memref<1x128xi32, #tpu.memory_space<vmem>>
    %dma_start3A_134 = tpu.memref_squeeze %dma_start3A_133 : memref<1x128xi32, #tpu.memory_space<vmem>> -> memref<128xi32, #tpu.memory_space<vmem>>
    %dma_start3A_135 = arith.constant 0 : i32
    %dma_start3A_136 = arith.constant 0 : i32
    %dma_start3A_137 = tpu.memref_slice %arg17[%dma_start3A_135, %dma_start3A_136] : memref<10240x64xbf16, #tpu.memory_space<vmem_shared>> -> memref<10240x64xbf16, #tpu.memory_space<vmem_shared>>
    tpu.enqueue_indirect_dma source(%arg11 : memref<128x64xbf16, #tpu.memory_space<vmem>>) target(%dma_start3A_137 : memref<10240x64xbf16, #tpu.memory_space<vmem_shared>>) offsets(%dma_start3A_134 : memref<128xi32, #tpu.memory_space<vmem>>) semaphore(%arg28 : memref<!tpu.dma_semaphore, #tpu.memory_space<semaphore_mem>>) {add = true}
    %dma_wait3A_138 = arith.constant 155 : i32
    %dma_wait3A_139 = arith.constant 0 : i32
    %dma_wait3A_140 = tpu.memref_slice %arg7[%dma_wait3A_138, %dma_wait3A_139] : memref<160x128xi32, #tpu.memory_space<vmem>> -> memref<1x128xi32, #tpu.memory_space<vmem>>
    %dma_wait3A_141 = tpu.memref_squeeze %dma_wait3A_140 : memref<1x128xi32, #tpu.memory_space<vmem>> -> memref<128xi32, #tpu.memory_space<vmem>>
    %dma_wait3A_142 = arith.constant 0 : i32
    %dma_wait3A_143 = arith.constant 0 : i32
    %dma_wait3A_144 = tpu.memref_slice %arg2[%dma_wait3A_142, %dma_wait3A_143] : memref<20480x64xbf16, #tpu.memory_space<hbm>> -> memref<20480x64xbf16, #tpu.memory_space<hbm>>
    tpu.wait_indirect_dma semaphore(%arg21 : memref<!tpu.dma_semaphore, #tpu.memory_space<semaphore_mem>>) src(%dma_wait3A_144 : memref<20480x64xbf16, #tpu.memory_space<hbm>>) dst(%arg12 : memref<128x64xbf16, #tpu.memory_space<vmem>>)
    %dma_start3A_145 = arith.constant 155 : i32
    %dma_start3A_146 = arith.constant 0 : i32
    %dma_start3A_147 = tpu.memref_slice %arg8[%dma_start3A_145, %dma_start3A_146] : memref<160x128xi32, #tpu.memory_space<vmem>> -> memref<1x128xi32, #tpu.memory_space<vmem>>
    %dma_start3A_148 = tpu.memref_squeeze %dma_start3A_147 : memref<1x128xi32, #tpu.memory_space<vmem>> -> memref<128xi32, #tpu.memory_space<vmem>>
    %dma_start3A_149 = arith.constant 0 : i32
    %dma_start3A_150 = arith.constant 0 : i32
    %dma_start3A_151 = tpu.memref_slice %arg17[%dma_start3A_149, %dma_start3A_150] : memref<10240x64xbf16, #tpu.memory_space<vmem_shared>> -> memref<10240x64xbf16, #tpu.memory_space<vmem_shared>>
    tpu.enqueue_indirect_dma source(%arg12 : memref<128x64xbf16, #tpu.memory_space<vmem>>) target(%dma_start3A_151 : memref<10240x64xbf16, #tpu.memory_space<vmem_shared>>) offsets(%dma_start3A_148 : memref<128xi32, #tpu.memory_space<vmem>>) semaphore(%arg29 : memref<!tpu.dma_semaphore, #tpu.memory_space<semaphore_mem>>) {add = true}
    %dma_wait3A_152 = arith.constant 156 : i32
    %dma_wait3A_153 = arith.constant 0 : i32
    %dma_wait3A_154 = tpu.memref_slice %arg7[%dma_wait3A_152, %dma_wait3A_153] : memref<160x128xi32, #tpu.memory_space<vmem>> -> memref<1x128xi32, #tpu.memory_space<vmem>>
    %dma_wait3A_155 = tpu.memref_squeeze %dma_wait3A_154 : memref<1x128xi32, #tpu.memory_space<vmem>> -> memref<128xi32, #tpu.memory_space<vmem>>
    %dma_wait3A_156 = arith.constant 0 : i32
    %dma_wait3A_157 = arith.constant 0 : i32
    %dma_wait3A_158 = tpu.memref_slice %arg2[%dma_wait3A_156, %dma_wait3A_157] : memref<20480x64xbf16, #tpu.memory_space<hbm>> -> memref<20480x64xbf16, #tpu.memory_space<hbm>>
    tpu.wait_indirect_dma semaphore(%arg22 : memref<!tpu.dma_semaphore, #tpu.memory_space<semaphore_mem>>) src(%dma_wait3A_158 : memref<20480x64xbf16, #tpu.memory_space<hbm>>) dst(%arg13 : memref<128x64xbf16, #tpu.memory_space<vmem>>)
    %dma_start3A_159 = arith.constant 156 : i32
    %dma_start3A_160 = arith.constant 0 : i32
    %dma_start3A_161 = tpu.memref_slice %arg8[%dma_start3A_159, %dma_start3A_160] : memref<160x128xi32, #tpu.memory_space<vmem>> -> memref<1x128xi32, #tpu.memory_space<vmem>>
    %dma_start3A_162 = tpu.memref_squeeze %dma_start3A_161 : memref<1x128xi32, #tpu.memory_space<vmem>> -> memref<128xi32, #tpu.memory_space<vmem>>
    %dma_start3A_163 = arith.constant 0 : i32
    %dma_start3A_164 = arith.constant 0 : i32
    %dma_start3A_165 = tpu.memref_slice %arg17[%dma_start3A_163, %dma_start3A_164] : memref<10240x64xbf16, #tpu.memory_space<vmem_shared>> -> memref<10240x64xbf16, #tpu.memory_space<vmem_shared>>
    tpu.enqueue_indirect_dma source(%arg13 : memref<128x64xbf16, #tpu.memory_space<vmem>>) target(%dma_start3A_165 : memref<10240x64xbf16, #tpu.memory_space<vmem_shared>>) offsets(%dma_start3A_162 : memref<128xi32, #tpu.memory_space<vmem>>) semaphore(%arg30 : memref<!tpu.dma_semaphore, #tpu.memory_space<semaphore_mem>>) {add = true}
    %dma_wait3A_166 = arith.constant 157 : i32
    %dma_wait3A_167 = arith.constant 0 : i32
    %dma_wait3A_168 = tpu.memref_slice %arg7[%dma_wait3A_166, %dma_wait3A_167] : memref<160x128xi32, #tpu.memory_space<vmem>> -> memref<1x128xi32, #tpu.memory_space<vmem>>
    %dma_wait3A_169 = tpu.memref_squeeze %dma_wait3A_168 : memref<1x128xi32, #tpu.memory_space<vmem>> -> memref<128xi32, #tpu.memory_space<vmem>>
    %dma_wait3A_170 = arith.constant 0 : i32
    %dma_wait3A_171 = arith.constant 0 : i32
    %dma_wait3A_172 = tpu.memref_slice %arg2[%dma_wait3A_170, %dma_wait3A_171] : memref<20480x64xbf16, #tpu.memory_space<hbm>> -> memref<20480x64xbf16, #tpu.memory_space<hbm>>
    tpu.wait_indirect_dma semaphore(%arg23 : memref<!tpu.dma_semaphore, #tpu.memory_space<semaphore_mem>>) src(%dma_wait3A_172 : memref<20480x64xbf16, #tpu.memory_space<hbm>>) dst(%arg14 : memref<128x64xbf16, #tpu.memory_space<vmem>>)
    %dma_start3A_173 = arith.constant 157 : i32
    %dma_start3A_174 = arith.constant 0 : i32
    %dma_start3A_175 = tpu.memref_slice %arg8[%dma_start3A_173, %dma_start3A_174] : memref<160x128xi32, #tpu.memory_space<vmem>> -> memref<1x128xi32, #tpu.memory_space<vmem>>
    %dma_start3A_176 = tpu.memref_squeeze %dma_start3A_175 : memref<1x128xi32, #tpu.memory_space<vmem>> -> memref<128xi32, #tpu.memory_space<vmem>>
    %dma_start3A_177 = arith.constant 0 : i32
    %dma_start3A_178 = arith.constant 0 : i32
    %dma_start3A_179 = tpu.memref_slice %arg17[%dma_start3A_177, %dma_start3A_178] : memref<10240x64xbf16, #tpu.memory_space<vmem_shared>> -> memref<10240x64xbf16, #tpu.memory_space<vmem_shared>>
    tpu.enqueue_indirect_dma source(%arg14 : memref<128x64xbf16, #tpu.memory_space<vmem>>) target(%dma_start3A_179 : memref<10240x64xbf16, #tpu.memory_space<vmem_shared>>) offsets(%dma_start3A_176 : memref<128xi32, #tpu.memory_space<vmem>>) semaphore(%arg31 : memref<!tpu.dma_semaphore, #tpu.memory_space<semaphore_mem>>) {add = true}
    %dma_wait3A_180 = arith.constant 158 : i32
    %dma_wait3A_181 = arith.constant 0 : i32
    %dma_wait3A_182 = tpu.memref_slice %arg7[%dma_wait3A_180, %dma_wait3A_181] : memref<160x128xi32, #tpu.memory_space<vmem>> -> memref<1x128xi32, #tpu.memory_space<vmem>>
    %dma_wait3A_183 = tpu.memref_squeeze %dma_wait3A_182 : memref<1x128xi32, #tpu.memory_space<vmem>> -> memref<128xi32, #tpu.memory_space<vmem>>
    %dma_wait3A_184 = arith.constant 0 : i32
    %dma_wait3A_185 = arith.constant 0 : i32
    %dma_wait3A_186 = tpu.memref_slice %arg2[%dma_wait3A_184, %dma_wait3A_185] : memref<20480x64xbf16, #tpu.memory_space<hbm>> -> memref<20480x64xbf16, #tpu.memory_space<hbm>>
    tpu.wait_indirect_dma semaphore(%arg24 : memref<!tpu.dma_semaphore, #tpu.memory_space<semaphore_mem>>) src(%dma_wait3A_186 : memref<20480x64xbf16, #tpu.memory_space<hbm>>) dst(%arg15 : memref<128x64xbf16, #tpu.memory_space<vmem>>)
    %dma_start3A_187 = arith.constant 158 : i32
    %dma_start3A_188 = arith.constant 0 : i32
    %dma_start3A_189 = tpu.memref_slice %arg8[%dma_start3A_187, %dma_start3A_188] : memref<160x128xi32, #tpu.memory_space<vmem>> -> memref<1x128xi32, #tpu.memory_space<vmem>>
    %dma_start3A_190 = tpu.memref_squeeze %dma_start3A_189 : memref<1x128xi32, #tpu.memory_space<vmem>> -> memref<128xi32, #tpu.memory_space<vmem>>
    %dma_start3A_191 = arith.constant 0 : i32
    %dma_start3A_192 = arith.constant 0 : i32
    %dma_start3A_193 = tpu.memref_slice %arg17[%dma_start3A_191, %dma_start3A_192] : memref<10240x64xbf16, #tpu.memory_space<vmem_shared>> -> memref<10240x64xbf16, #tpu.memory_space<vmem_shared>>
    tpu.enqueue_indirect_dma source(%arg15 : memref<128x64xbf16, #tpu.memory_space<vmem>>) target(%dma_start3A_193 : memref<10240x64xbf16, #tpu.memory_space<vmem_shared>>) offsets(%dma_start3A_190 : memref<128xi32, #tpu.memory_space<vmem>>) semaphore(%arg32 : memref<!tpu.dma_semaphore, #tpu.memory_space<semaphore_mem>>) {add = true}
    %dma_wait3A_194 = arith.constant 159 : i32
    %dma_wait3A_195 = arith.constant 0 : i32
    %dma_wait3A_196 = tpu.memref_slice %arg7[%dma_wait3A_194, %dma_wait3A_195] : memref<160x128xi32, #tpu.memory_space<vmem>> -> memref<1x128xi32, #tpu.memory_space<vmem>>
    %dma_wait3A_197 = tpu.memref_squeeze %dma_wait3A_196 : memref<1x128xi32, #tpu.memory_space<vmem>> -> memref<128xi32, #tpu.memory_space<vmem>>
    %dma_wait3A_198 = arith.constant 0 : i32
    %dma_wait3A_199 = arith.constant 0 : i32
    %dma_wait3A_200 = tpu.memref_slice %arg2[%dma_wait3A_198, %dma_wait3A_199] : memref<20480x64xbf16, #tpu.memory_space<hbm>> -> memref<20480x64xbf16, #tpu.memory_space<hbm>>
    tpu.wait_indirect_dma semaphore(%arg25 : memref<!tpu.dma_semaphore, #tpu.memory_space<semaphore_mem>>) src(%dma_wait3A_200 : memref<20480x64xbf16, #tpu.memory_space<hbm>>) dst(%arg16 : memref<128x64xbf16, #tpu.memory_space<vmem>>)
    %dma_start3A_201 = arith.constant 159 : i32
    %dma_start3A_202 = arith.constant 0 : i32
    %dma_start3A_203 = tpu.memref_slice %arg8[%dma_start3A_201, %dma_start3A_202] : memref<160x128xi32, #tpu.memory_space<vmem>> -> memref<1x128xi32, #tpu.memory_space<vmem>>
    %dma_start3A_204 = tpu.memref_squeeze %dma_start3A_203 : memref<1x128xi32, #tpu.memory_space<vmem>> -> memref<128xi32, #tpu.memory_space<vmem>>
    %dma_start3A_205 = arith.constant 0 : i32
    %dma_start3A_206 = arith.constant 0 : i32
    %dma_start3A_207 = tpu.memref_slice %arg17[%dma_start3A_205, %dma_start3A_206] : memref<10240x64xbf16, #tpu.memory_space<vmem_shared>> -> memref<10240x64xbf16, #tpu.memory_space<vmem_shared>>
    tpu.enqueue_indirect_dma source(%arg16 : memref<128x64xbf16, #tpu.memory_space<vmem>>) target(%dma_start3A_207 : memref<10240x64xbf16, #tpu.memory_space<vmem_shared>>) offsets(%dma_start3A_204 : memref<128xi32, #tpu.memory_space<vmem>>) semaphore(%arg33 : memref<!tpu.dma_semaphore, #tpu.memory_space<semaphore_mem>>) {add = true}
    %dma_wait3A_208 = arith.constant 152 : i32
    %dma_wait3A_209 = arith.constant 0 : i32
    %dma_wait3A_210 = tpu.memref_slice %arg8[%dma_wait3A_208, %dma_wait3A_209] : memref<160x128xi32, #tpu.memory_space<vmem>> -> memref<1x128xi32, #tpu.memory_space<vmem>>
    %dma_wait3A_211 = tpu.memref_squeeze %dma_wait3A_210 : memref<1x128xi32, #tpu.memory_space<vmem>> -> memref<128xi32, #tpu.memory_space<vmem>>
    %dma_wait3A_212 = arith.constant 0 : i32
    %dma_wait3A_213 = arith.constant 0 : i32
    %dma_wait3A_214 = tpu.memref_slice %arg17[%dma_wait3A_212, %dma_wait3A_213] : memref<10240x64xbf16, #tpu.memory_space<vmem_shared>> -> memref<10240x64xbf16, #tpu.memory_space<vmem_shared>>
    tpu.wait_indirect_dma semaphore(%arg26 : memref<!tpu.dma_semaphore, #tpu.memory_space<semaphore_mem>>) src(%arg9 : memref<128x64xbf16, #tpu.memory_space<vmem>>) dst(%dma_wait3A_214 : memref<10240x64xbf16, #tpu.memory_space<vmem_shared>>)
    %dma_wait3A_215 = arith.constant 153 : i32
    %dma_wait3A_216 = arith.constant 0 : i32
    %dma_wait3A_217 = tpu.memref_slice %arg8[%dma_wait3A_215, %dma_wait3A_216] : memref<160x128xi32, #tpu.memory_space<vmem>> -> memref<1x128xi32, #tpu.memory_space<vmem>>
    %dma_wait3A_218 = tpu.memref_squeeze %dma_wait3A_217 : memref<1x128xi32, #tpu.memory_space<vmem>> -> memref<128xi32, #tpu.memory_space<vmem>>
    %dma_wait3A_219 = arith.constant 0 : i32
    %dma_wait3A_220 = arith.constant 0 : i32
    %dma_wait3A_221 = tpu.memref_slice %arg17[%dma_wait3A_219, %dma_wait3A_220] : memref<10240x64xbf16, #tpu.memory_space<vmem_shared>> -> memref<10240x64xbf16, #tpu.memory_space<vmem_shared>>
    tpu.wait_indirect_dma semaphore(%arg27 : memref<!tpu.dma_semaphore, #tpu.memory_space<semaphore_mem>>) src(%arg10 : memref<128x64xbf16, #tpu.memory_space<vmem>>) dst(%dma_wait3A_221 : memref<10240x64xbf16, #tpu.memory_space<vmem_shared>>)
    %dma_wait3A_222 = arith.constant 154 : i32
    %dma_wait3A_223 = arith.constant 0 : i32
    %dma_wait3A_224 = tpu.memref_slice %arg8[%dma_wait3A_222, %dma_wait3A_223] : memref<160x128xi32, #tpu.memory_space<vmem>> -> memref<1x128xi32, #tpu.memory_space<vmem>>
    %dma_wait3A_225 = tpu.memref_squeeze %dma_wait3A_224 : memref<1x128xi32, #tpu.memory_space<vmem>> -> memref<128xi32, #tpu.memory_space<vmem>>
    %dma_wait3A_226 = arith.constant 0 : i32
    %dma_wait3A_227 = arith.constant 0 : i32
    %dma_wait3A_228 = tpu.memref_slice %arg17[%dma_wait3A_226, %dma_wait3A_227] : memref<10240x64xbf16, #tpu.memory_space<vmem_shared>> -> memref<10240x64xbf16, #tpu.memory_space<vmem_shared>>
    tpu.wait_indirect_dma semaphore(%arg28 : memref<!tpu.dma_semaphore, #tpu.memory_space<semaphore_mem>>) src(%arg11 : memref<128x64xbf16, #tpu.memory_space<vmem>>) dst(%dma_wait3A_228 : memref<10240x64xbf16, #tpu.memory_space<vmem_shared>>)
    %dma_wait3A_229 = arith.constant 155 : i32
    %dma_wait3A_230 = arith.constant 0 : i32
    %dma_wait3A_231 = tpu.memref_slice %arg8[%dma_wait3A_229, %dma_wait3A_230] : memref<160x128xi32, #tpu.memory_space<vmem>> -> memref<1x128xi32, #tpu.memory_space<vmem>>
    %dma_wait3A_232 = tpu.memref_squeeze %dma_wait3A_231 : memref<1x128xi32, #tpu.memory_space<vmem>> -> memref<128xi32, #tpu.memory_space<vmem>>
    %dma_wait3A_233 = arith.constant 0 : i32
    %dma_wait3A_234 = arith.constant 0 : i32
    %dma_wait3A_235 = tpu.memref_slice %arg17[%dma_wait3A_233, %dma_wait3A_234] : memref<10240x64xbf16, #tpu.memory_space<vmem_shared>> -> memref<10240x64xbf16, #tpu.memory_space<vmem_shared>>
    tpu.wait_indirect_dma semaphore(%arg29 : memref<!tpu.dma_semaphore, #tpu.memory_space<semaphore_mem>>) src(%arg12 : memref<128x64xbf16, #tpu.memory_space<vmem>>) dst(%dma_wait3A_235 : memref<10240x64xbf16, #tpu.memory_space<vmem_shared>>)
    %dma_wait3A_236 = arith.constant 156 : i32
    %dma_wait3A_237 = arith.constant 0 : i32
    %dma_wait3A_238 = tpu.memref_slice %arg8[%dma_wait3A_236, %dma_wait3A_237] : memref<160x128xi32, #tpu.memory_space<vmem>> -> memref<1x128xi32, #tpu.memory_space<vmem>>
    %dma_wait3A_239 = tpu.memref_squeeze %dma_wait3A_238 : memref<1x128xi32, #tpu.memory_space<vmem>> -> memref<128xi32, #tpu.memory_space<vmem>>
    %dma_wait3A_240 = arith.constant 0 : i32
    %dma_wait3A_241 = arith.constant 0 : i32
    %dma_wait3A_242 = tpu.memref_slice %arg17[%dma_wait3A_240, %dma_wait3A_241] : memref<10240x64xbf16, #tpu.memory_space<vmem_shared>> -> memref<10240x64xbf16, #tpu.memory_space<vmem_shared>>
    tpu.wait_indirect_dma semaphore(%arg30 : memref<!tpu.dma_semaphore, #tpu.memory_space<semaphore_mem>>) src(%arg13 : memref<128x64xbf16, #tpu.memory_space<vmem>>) dst(%dma_wait3A_242 : memref<10240x64xbf16, #tpu.memory_space<vmem_shared>>)
    %dma_wait3A_243 = arith.constant 157 : i32
    %dma_wait3A_244 = arith.constant 0 : i32
    %dma_wait3A_245 = tpu.memref_slice %arg8[%dma_wait3A_243, %dma_wait3A_244] : memref<160x128xi32, #tpu.memory_space<vmem>> -> memref<1x128xi32, #tpu.memory_space<vmem>>
    %dma_wait3A_246 = tpu.memref_squeeze %dma_wait3A_245 : memref<1x128xi32, #tpu.memory_space<vmem>> -> memref<128xi32, #tpu.memory_space<vmem>>
    %dma_wait3A_247 = arith.constant 0 : i32
    %dma_wait3A_248 = arith.constant 0 : i32
    %dma_wait3A_249 = tpu.memref_slice %arg17[%dma_wait3A_247, %dma_wait3A_248] : memref<10240x64xbf16, #tpu.memory_space<vmem_shared>> -> memref<10240x64xbf16, #tpu.memory_space<vmem_shared>>
    tpu.wait_indirect_dma semaphore(%arg31 : memref<!tpu.dma_semaphore, #tpu.memory_space<semaphore_mem>>) src(%arg14 : memref<128x64xbf16, #tpu.memory_space<vmem>>) dst(%dma_wait3A_249 : memref<10240x64xbf16, #tpu.memory_space<vmem_shared>>)
    %dma_wait3A_250 = arith.constant 158 : i32
    %dma_wait3A_251 = arith.constant 0 : i32
    %dma_wait3A_252 = tpu.memref_slice %arg8[%dma_wait3A_250, %dma_wait3A_251] : memref<160x128xi32, #tpu.memory_space<vmem>> -> memref<1x128xi32, #tpu.memory_space<vmem>>
    %dma_wait3A_253 = tpu.memref_squeeze %dma_wait3A_252 : memref<1x128xi32, #tpu.memory_space<vmem>> -> memref<128xi32, #tpu.memory_space<vmem>>
    %dma_wait3A_254 = arith.constant 0 : i32
    %dma_wait3A_255 = arith.constant 0 : i32
    %dma_wait3A_256 = tpu.memref_slice %arg17[%dma_wait3A_254, %dma_wait3A_255] : memref<10240x64xbf16, #tpu.memory_space<vmem_shared>> -> memref<10240x64xbf16, #tpu.memory_space<vmem_shared>>
    tpu.wait_indirect_dma semaphore(%arg32 : memref<!tpu.dma_semaphore, #tpu.memory_space<semaphore_mem>>) src(%arg15 : memref<128x64xbf16, #tpu.memory_space<vmem>>) dst(%dma_wait3A_256 : memref<10240x64xbf16, #tpu.memory_space<vmem_shared>>)
    %dma_wait3A_257 = arith.constant 159 : i32
    %dma_wait3A_258 = arith.constant 0 : i32
    %dma_wait3A_259 = tpu.memref_slice %arg8[%dma_wait3A_257, %dma_wait3A_258] : memref<160x128xi32, #tpu.memory_space<vmem>> -> memref<1x128xi32, #tpu.memory_space<vmem>>
    %dma_wait3A_260 = tpu.memref_squeeze %dma_wait3A_259 : memref<1x128xi32, #tpu.memory_space<vmem>> -> memref<128xi32, #tpu.memory_space<vmem>>
    %dma_wait3A_261 = arith.constant 0 : i32
    %dma_wait3A_262 = arith.constant 0 : i32
    %dma_wait3A_263 = tpu.memref_slice %arg17[%dma_wait3A_261, %dma_wait3A_262] : memref<10240x64xbf16, #tpu.memory_space<vmem_shared>> -> memref<10240x64xbf16, #tpu.memory_space<vmem_shared>>
    tpu.wait_indirect_dma semaphore(%arg33 : memref<!tpu.dma_semaphore, #tpu.memory_space<semaphore_mem>>) src(%arg16 : memref<128x64xbf16, #tpu.memory_space<vmem>>) dst(%dma_wait3A_263 : memref<10240x64xbf16, #tpu.memory_space<vmem_shared>>)
    %barrier3A_264 = arith.constant 0 : index
    tpu.barrier barrier_id(%barrier3A_264)
    "tpu.region"() ({
      %run_scoped3A = tpu.sem_alloc : memref<!tpu.dma_semaphore, #tpu.memory_space<semaphore_mem>>
      %dma_start3A_265 = arith.constant 0 : i32
      %dma_start3A_266 = tpu.memref_slice %arg6[%arg0, %mul3A_0, %dma_start3A_265] : memref<2x10240x64xbf16, #tpu.memory_space<hbm>> -> memref<1x640x64xbf16, #tpu.memory_space<hbm>>
      %dma_start3A_267 = tpu.memref_squeeze %dma_start3A_266 : memref<1x640x64xbf16, #tpu.memory_space<hbm>> -> memref<640x64xbf16, #tpu.memory_space<hbm>>
      %dma_start3A_268 = arith.constant 0 : i32
      %dma_start3A_269 = tpu.memref_slice %arg17[%mul3A_0, %dma_start3A_268] : memref<10240x64xbf16, #tpu.memory_space<vmem_shared>> -> memref<640x64xbf16, #tpu.memory_space<vmem_shared>>
      tpu.enqueue_dma source(%dma_start3A_269 : memref<640x64xbf16, #tpu.memory_space<vmem_shared>>) target(%dma_start3A_267 : memref<640x64xbf16, #tpu.memory_space<hbm>>) target_semaphore(%run_scoped3A : memref<!tpu.dma_semaphore, #tpu.memory_space<semaphore_mem>>)
      %dma_wait3A_270 = arith.constant 0 : i32
      %dma_wait3A_271 = tpu.memref_slice %arg6[%arg0, %mul3A_0, %dma_wait3A_270] : memref<2x10240x64xbf16, #tpu.memory_space<hbm>> -> memref<1x640x64xbf16, #tpu.memory_space<hbm>>
      %dma_wait3A_272 = tpu.memref_squeeze %dma_wait3A_271 : memref<1x640x64xbf16, #tpu.memory_space<hbm>> -> memref<640x64xbf16, #tpu.memory_space<hbm>>
      %dma_wait3A_273 = arith.constant 0 : i32
      %dma_wait3A_274 = tpu.memref_slice %arg17[%mul3A_0, %dma_wait3A_273] : memref<10240x64xbf16, #tpu.memory_space<vmem_shared>> -> memref<640x64xbf16, #tpu.memory_space<vmem_shared>>
      tpu.wait_dma2 semaphore(%run_scoped3A : memref<!tpu.dma_semaphore, #tpu.memory_space<semaphore_mem>>) src(%dma_wait3A_274 : memref<640x64xbf16, #tpu.memory_space<vmem_shared>>) dst(%dma_wait3A_272 : memref<640x64xbf16, #tpu.memory_space<hbm>>)
      tpu.yield
    }) : () -> ()
    return
  }
}

#map = affine_map<(d0, d1) -> (0, 0)>
#map1 = affine_map<(d0, d1) -> (0, 0, 0)>
module attributes {stable_mosaic.version = 14 : i64} {
  func.func @k(%arg0: i32, %arg1: i32, %arg2: memref<20480x64xbf16, #tpu.memory_space<hbm>>, %arg3: memref<2x2560x128xi32, #tpu.memory_space<hbm>>, %arg4: memref<2560x128xi32, #tpu.memory_space<hbm>>, %arg5: memref<10240x64xbf16, #tpu.memory_space<hbm>>, %arg6: memref<2x10240x64xbf16, #tpu.memory_space<hbm>>, %arg7: memref<160x128xi32, #tpu.memory_space<vmem>>, %arg8: memref<160x128xi32, #tpu.memory_space<vmem>>, %arg9: memref<128x64xbf16, #tpu.memory_space<vmem>>, %arg10: memref<128x64xbf16, #tpu.memory_space<vmem>>, %arg11: memref<128x64xbf16, #tpu.memory_space<vmem>>, %arg12: memref<128x64xbf16, #tpu.memory_space<vmem>>, %arg13: memref<128x64xbf16, #tpu.memory_space<vmem>>, %arg14: memref<128x64xbf16, #tpu.memory_space<vmem>>, %arg15: memref<128x64xbf16, #tpu.memory_space<vmem>>, %arg16: memref<128x64xbf16, #tpu.memory_space<vmem>>, %arg17: memref<10240x64xbf16, #tpu.memory_space<vmem_shared>>, %arg18: memref<!tpu.dma_semaphore, #tpu.memory_space<semaphore_mem>>, %arg19: memref<!tpu.dma_semaphore, #tpu.memory_space<semaphore_mem>>, %arg20: memref<!tpu.dma_semaphore, #tpu.memory_space<semaphore_mem>>, %arg21: memref<!tpu.dma_semaphore, #tpu.memory_space<semaphore_mem>>, %arg22: memref<!tpu.dma_semaphore, #tpu.memory_space<semaphore_mem>>, %arg23: memref<!tpu.dma_semaphore, #tpu.memory_space<semaphore_mem>>, %arg24: memref<!tpu.dma_semaphore, #tpu.memory_space<semaphore_mem>>, %arg25: memref<!tpu.dma_semaphore, #tpu.memory_space<semaphore_mem>>, %arg26: memref<!tpu.dma_semaphore, #tpu.memory_space<semaphore_mem>>, %arg27: memref<!tpu.dma_semaphore, #tpu.memory_space<semaphore_mem>>, %arg28: memref<!tpu.dma_semaphore, #tpu.memory_space<semaphore_mem>>, %arg29: memref<!tpu.dma_semaphore, #tpu.memory_space<semaphore_mem>>, %arg30: memref<!tpu.dma_semaphore, #tpu.memory_space<semaphore_mem>>, %arg31: memref<!tpu.dma_semaphore, #tpu.memory_space<semaphore_mem>>, %arg32: memref<!tpu.dma_semaphore, #tpu.memory_space<semaphore_mem>>, %arg33: memref<!tpu.dma_semaphore, #tpu.memory_space<semaphore_mem>>, %arg34: memref<!tpu.dma_semaphore, #tpu.memory_space<semaphore_mem>>) attributes {dimension_semantics = [#tpu.dimension_semantics<core_parallel>, #tpu.dimension_semantics<subcore_parallel>], iteration_bounds = array<i64: 2, 16>, scalar_prefetch = 0 : i64, scratch_operands = 28 : i64, tpu.core_type = #tpu.core_type<sc_vector_subcore>, window_params = [{transform_indices = #map}, {transform_indices = #map1}, {transform_indices = #map}, {transform_indices = #map}, {transform_indices = #map1}]} {
    %mul3A = arith.constant 640 : i32
    %mul3A_0 = arith.muli %arg1, %mul3A : i32
    %mul3A_1 = arith.constant 160 : i32
    %mul3A_2 = arith.muli %arg1, %mul3A_1 : i32
    %dma_start3A = arith.constant 0 : i32
    %dma_start3A_3 = tpu.memref_slice %arg3[%arg0, %mul3A_2, %dma_start3A] : memref<2x2560x128xi32, #tpu.memory_space<hbm>> -> memref<1x160x128xi32, #tpu.memory_space<hbm>>
    %dma_start3A_4 = tpu.memref_squeeze %dma_start3A_3 : memref<1x160x128xi32, #tpu.memory_space<hbm>> -> memref<160x128xi32, #tpu.memory_space<hbm>>
    %dma_start3A_5 = arith.constant 0 : i32
    %dma_start3A_6 = tpu.memref_slice %arg3[%arg0, %mul3A_2, %dma_start3A_5] : memref<2x2560x128xi32, #tpu.memory_space<hbm>> -> memref<1x160x128xi32, #tpu.memory_space<hbm>>
    %dma_start3A_7 = tpu.memref_squeeze %dma_start3A_6 : memref<1x160x128xi32, #tpu.memory_space<hbm>> -> memref<160x128xi32, #tpu.memory_space<hbm>>
    tpu.enqueue_dma source(%dma_start3A_7 : memref<160x128xi32, #tpu.memory_space<hbm>>) target(%arg7 : memref<160x128xi32, #tpu.memory_space<vmem>>) target_semaphore(%arg34 : memref<!tpu.dma_semaphore, #tpu.memory_space<semaphore_mem>>)
    %mul3A_8 = arith.constant 160 : i32
    %mul3A_9 = arith.muli %arg1, %mul3A_8 : i32
    %dma_start3A_10 = arith.constant 0 : i32
    %dma_start3A_11 = tpu.memref_slice %arg4[%mul3A_9, %dma_start3A_10] : memref<2560x128xi32, #tpu.memory_space<hbm>> -> memref<160x128xi32, #tpu.memory_space<hbm>>
    %dma_start3A_12 = arith.constant 0 : i32
    %dma_start3A_13 = tpu.memref_slice %arg4[%mul3A_9, %dma_start3A_12] : memref<2560x128xi32, #tpu.memory_space<hbm>> -> memref<160x128xi32, #tpu.memory_space<hbm>>
    tpu.enqueue_dma source(%dma_start3A_13 : memref<160x128xi32, #tpu.memory_space<hbm>>) target(%arg8 : memref<160x128xi32, #tpu.memory_space<vmem>>) target_semaphore(%arg34 : memref<!tpu.dma_semaphore, #tpu.memory_space<semaphore_mem>>)
    %dma_start3A_14 = arith.constant 0 : i32
    %dma_start3A_15 = tpu.memref_slice %arg17[%mul3A_0, %dma_start3A_14] : memref<10240x64xbf16, #tpu.memory_space<vmem_shared>> -> memref<640x64xbf16, #tpu.memory_space<vmem_shared>>
    %dma_start3A_16 = arith.constant 0 : i32
    %dma_start3A_17 = tpu.memref_slice %arg5[%mul3A_0, %dma_start3A_16] : memref<10240x64xbf16, #tpu.memory_space<hbm>> -> memref<640x64xbf16, #tpu.memory_space<hbm>>
    tpu.enqueue_dma source(%dma_start3A_17 : memref<640x64xbf16, #tpu.memory_space<hbm>>) target(%dma_start3A_15 : memref<640x64xbf16, #tpu.memory_space<vmem_shared>>) target_semaphore(%arg34 : memref<!tpu.dma_semaphore, #tpu.memory_space<semaphore_mem>>)
    %mul3A_18 = arith.constant 160 : i32
    %mul3A_19 = arith.muli %arg1, %mul3A_18 : i32
    %dma_wait3A = arith.constant 0 : i32
    %dma_wait3A_20 = tpu.memref_slice %arg3[%arg0, %mul3A_19, %dma_wait3A] : memref<2x2560x128xi32, #tpu.memory_space<hbm>> -> memref<1x160x128xi32, #tpu.memory_space<hbm>>
    %dma_wait3A_21 = tpu.memref_squeeze %dma_wait3A_20 : memref<1x160x128xi32, #tpu.memory_space<hbm>> -> memref<160x128xi32, #tpu.memory_space<hbm>>
    %dma_wait3A_22 = arith.constant 0 : i32
    %dma_wait3A_23 = tpu.memref_slice %arg3[%arg0, %mul3A_19, %dma_wait3A_22] : memref<2x2560x128xi32, #tpu.memory_space<hbm>> -> memref<1x160x128xi32, #tpu.memory_space<hbm>>
    %dma_wait3A_24 = tpu.memref_squeeze %dma_wait3A_23 : memref<1x160x128xi32, #tpu.memory_space<hbm>> -> memref<160x128xi32, #tpu.memory_space<hbm>>
    tpu.wait_dma2 semaphore(%arg34 : memref<!tpu.dma_semaphore, #tpu.memory_space<semaphore_mem>>) src(%dma_wait3A_24 : memref<160x128xi32, #tpu.memory_space<hbm>>) dst(%arg7 : memref<160x128xi32, #tpu.memory_space<vmem>>)
    %mul3A_25 = arith.constant 160 : i32
    %mul3A_26 = arith.muli %arg1, %mul3A_25 : i32
    %dma_wait3A_27 = arith.constant 0 : i32
    %dma_wait3A_28 = tpu.memref_slice %arg4[%mul3A_26, %dma_wait3A_27] : memref<2560x128xi32, #tpu.memory_space<hbm>> -> memref<160x128xi32, #tpu.memory_space<hbm>>
    %dma_wait3A_29 = arith.constant 0 : i32
    %dma_wait3A_30 = tpu.memref_slice %arg4[%mul3A_26, %dma_wait3A_29] : memref<2560x128xi32, #tpu.memory_space<hbm>> -> memref<160x128xi32, #tpu.memory_space<hbm>>
    tpu.wait_dma2 semaphore(%arg34 : memref<!tpu.dma_semaphore, #tpu.memory_space<semaphore_mem>>) src(%dma_wait3A_30 : memref<160x128xi32, #tpu.memory_space<hbm>>) dst(%arg8 : memref<160x128xi32, #tpu.memory_space<vmem>>)
    %dma_wait3A_31 = arith.constant 0 : i32
    %dma_wait3A_32 = tpu.memref_slice %arg17[%mul3A_0, %dma_wait3A_31] : memref<10240x64xbf16, #tpu.memory_space<vmem_shared>> -> memref<640x64xbf16, #tpu.memory_space<vmem_shared>>
    %dma_wait3A_33 = arith.constant 0 : i32
    %dma_wait3A_34 = tpu.memref_slice %arg5[%mul3A_0, %dma_wait3A_33] : memref<10240x64xbf16, #tpu.memory_space<hbm>> -> memref<640x64xbf16, #tpu.memory_space<hbm>>
    tpu.wait_dma2 semaphore(%arg34 : memref<!tpu.dma_semaphore, #tpu.memory_space<semaphore_mem>>) src(%dma_wait3A_34 : memref<640x64xbf16, #tpu.memory_space<hbm>>) dst(%dma_wait3A_32 : memref<640x64xbf16, #tpu.memory_space<vmem_shared>>)
    %barrier3A = arith.constant 0 : index
    tpu.barrier barrier_id(%barrier3A)
    %dma_start3A_35 = arith.constant 0 : i32
    %dma_start3A_36 = arith.constant 0 : i32
    %dma_start3A_37 = tpu.memref_slice %arg7[%dma_start3A_35, %dma_start3A_36] : memref<160x128xi32, #tpu.memory_space<vmem>> -> memref<1x128xi32, #tpu.memory_space<vmem>>
    %dma_start3A_38 = tpu.memref_squeeze %dma_start3A_37 : memref<1x128xi32, #tpu.memory_space<vmem>> -> memref<128xi32, #tpu.memory_space<vmem>>
    %dma_start3A_39 = arith.constant 0 : i32
    %dma_start3A_40 = arith.constant 0 : i32
    %dma_start3A_41 = tpu.memref_slice %arg2[%dma_start3A_39, %dma_start3A_40] : memref<20480x64xbf16, #tpu.memory_space<hbm>> -> memref<20480x64xbf16, #tpu.memory_space<hbm>>
    tpu.enqueue_indirect_dma source(%dma_start3A_41 : memref<20480x64xbf16, #tpu.memory_space<hbm>>) target(%arg9 : memref<128x64xbf16, #tpu.memory_space<vmem>>) offsets(%dma_start3A_38 : memref<128xi32, #tpu.memory_space<vmem>>) semaphore(%arg18 : memref<!tpu.dma_semaphore, #tpu.memory_space<semaphore_mem>>)
    %dma_start3A_42 = arith.constant 1 : i32
    %dma_start3A_43 = arith.constant 0 : i32
    %dma_start3A_44 = tpu.memref_slice %arg7[%dma_start3A_42, %dma_start3A_43] : memref<160x128xi32, #tpu.memory_space<vmem>> -> memref<1x128xi32, #tpu.memory_space<vmem>>
    %dma_start3A_45 = tpu.memref_squeeze %dma_start3A_44 : memref<1x128xi32, #tpu.memory_space<vmem>> -> memref<128xi32, #tpu.memory_space<vmem>>
    %dma_start3A_46 = arith.constant 0 : i32
    %dma_start3A_47 = arith.constant 0 : i32
    %dma_start3A_48 = tpu.memref_slice %arg2[%dma_start3A_46, %dma_start3A_47] : memref<20480x64xbf16, #tpu.memory_space<hbm>> -> memref<20480x64xbf16, #tpu.memory_space<hbm>>
    tpu.enqueue_indirect_dma source(%dma_start3A_48 : memref<20480x64xbf16, #tpu.memory_space<hbm>>) target(%arg10 : memref<128x64xbf16, #tpu.memory_space<vmem>>) offsets(%dma_start3A_45 : memref<128xi32, #tpu.memory_space<vmem>>) semaphore(%arg19 : memref<!tpu.dma_semaphore, #tpu.memory_space<semaphore_mem>>)
    %dma_start3A_49 = arith.constant 2 : i32
    %dma_start3A_50 = arith.constant 0 : i32
    %dma_start3A_51 = tpu.memref_slice %arg7[%dma_start3A_49, %dma_start3A_50] : memref<160x128xi32, #tpu.memory_space<vmem>> -> memref<1x128xi32, #tpu.memory_space<vmem>>
    %dma_start3A_52 = tpu.memref_squeeze %dma_start3A_51 : memref<1x128xi32, #tpu.memory_space<vmem>> -> memref<128xi32, #tpu.memory_space<vmem>>
    %dma_start3A_53 = arith.constant 0 : i32
    %dma_start3A_54 = arith.constant 0 : i32
    %dma_start3A_55 = tpu.memref_slice %arg2[%dma_start3A_53, %dma_start3A_54] : memref<20480x64xbf16, #tpu.memory_space<hbm>> -> memref<20480x64xbf16, #tpu.memory_space<hbm>>
    tpu.enqueue_indirect_dma source(%dma_start3A_55 : memref<20480x64xbf16, #tpu.memory_space<hbm>>) target(%arg11 : memref<128x64xbf16, #tpu.memory_space<vmem>>) offsets(%dma_start3A_52 : memref<128xi32, #tpu.memory_space<vmem>>) semaphore(%arg20 : memref<!tpu.dma_semaphore, #tpu.memory_space<semaphore_mem>>)
    %dma_start3A_56 = arith.constant 3 : i32
    %dma_start3A_57 = arith.constant 0 : i32
    %dma_start3A_58 = tpu.memref_slice %arg7[%dma_start3A_56, %dma_start3A_57] : memref<160x128xi32, #tpu.memory_space<vmem>> -> memref<1x128xi32, #tpu.memory_space<vmem>>
    %dma_start3A_59 = tpu.memref_squeeze %dma_start3A_58 : memref<1x128xi32, #tpu.memory_space<vmem>> -> memref<128xi32, #tpu.memory_space<vmem>>
    %dma_start3A_60 = arith.constant 0 : i32
    %dma_start3A_61 = arith.constant 0 : i32
    %dma_start3A_62 = tpu.memref_slice %arg2[%dma_start3A_60, %dma_start3A_61] : memref<20480x64xbf16, #tpu.memory_space<hbm>> -> memref<20480x64xbf16, #tpu.memory_space<hbm>>
    tpu.enqueue_indirect_dma source(%dma_start3A_62 : memref<20480x64xbf16, #tpu.memory_space<hbm>>) target(%arg12 : memref<128x64xbf16, #tpu.memory_space<vmem>>) offsets(%dma_start3A_59 : memref<128xi32, #tpu.memory_space<vmem>>) semaphore(%arg21 : memref<!tpu.dma_semaphore, #tpu.memory_space<semaphore_mem>>)
    %dma_start3A_63 = arith.constant 4 : i32
    %dma_start3A_64 = arith.constant 0 : i32
    %dma_start3A_65 = tpu.memref_slice %arg7[%dma_start3A_63, %dma_start3A_64] : memref<160x128xi32, #tpu.memory_space<vmem>> -> memref<1x128xi32, #tpu.memory_space<vmem>>
    %dma_start3A_66 = tpu.memref_squeeze %dma_start3A_65 : memref<1x128xi32, #tpu.memory_space<vmem>> -> memref<128xi32, #tpu.memory_space<vmem>>
    %dma_start3A_67 = arith.constant 0 : i32
    %dma_start3A_68 = arith.constant 0 : i32
    %dma_start3A_69 = tpu.memref_slice %arg2[%dma_start3A_67, %dma_start3A_68] : memref<20480x64xbf16, #tpu.memory_space<hbm>> -> memref<20480x64xbf16, #tpu.memory_space<hbm>>
    tpu.enqueue_indirect_dma source(%dma_start3A_69 : memref<20480x64xbf16, #tpu.memory_space<hbm>>) target(%arg13 : memref<128x64xbf16, #tpu.memory_space<vmem>>) offsets(%dma_start3A_66 : memref<128xi32, #tpu.memory_space<vmem>>) semaphore(%arg22 : memref<!tpu.dma_semaphore, #tpu.memory_space<semaphore_mem>>)
    %dma_start3A_70 = arith.constant 5 : i32
    %dma_start3A_71 = arith.constant 0 : i32
    %dma_start3A_72 = tpu.memref_slice %arg7[%dma_start3A_70, %dma_start3A_71] : memref<160x128xi32, #tpu.memory_space<vmem>> -> memref<1x128xi32, #tpu.memory_space<vmem>>
    %dma_start3A_73 = tpu.memref_squeeze %dma_start3A_72 : memref<1x128xi32, #tpu.memory_space<vmem>> -> memref<128xi32, #tpu.memory_space<vmem>>
    %dma_start3A_74 = arith.constant 0 : i32
    %dma_start3A_75 = arith.constant 0 : i32
    %dma_start3A_76 = tpu.memref_slice %arg2[%dma_start3A_74, %dma_start3A_75] : memref<20480x64xbf16, #tpu.memory_space<hbm>> -> memref<20480x64xbf16, #tpu.memory_space<hbm>>
    tpu.enqueue_indirect_dma source(%dma_start3A_76 : memref<20480x64xbf16, #tpu.memory_space<hbm>>) target(%arg14 : memref<128x64xbf16, #tpu.memory_space<vmem>>) offsets(%dma_start3A_73 : memref<128xi32, #tpu.memory_space<vmem>>) semaphore(%arg23 : memref<!tpu.dma_semaphore, #tpu.memory_space<semaphore_mem>>)
    %dma_start3A_77 = arith.constant 6 : i32
    %dma_start3A_78 = arith.constant 0 : i32
    %dma_start3A_79 = tpu.memref_slice %arg7[%dma_start3A_77, %dma_start3A_78] : memref<160x128xi32, #tpu.memory_space<vmem>> -> memref<1x128xi32, #tpu.memory_space<vmem>>
    %dma_start3A_80 = tpu.memref_squeeze %dma_start3A_79 : memref<1x128xi32, #tpu.memory_space<vmem>> -> memref<128xi32, #tpu.memory_space<vmem>>
    %dma_start3A_81 = arith.constant 0 : i32
    %dma_start3A_82 = arith.constant 0 : i32
    %dma_start3A_83 = tpu.memref_slice %arg2[%dma_start3A_81, %dma_start3A_82] : memref<20480x64xbf16, #tpu.memory_space<hbm>> -> memref<20480x64xbf16, #tpu.memory_space<hbm>>
    tpu.enqueue_indirect_dma source(%dma_start3A_83 : memref<20480x64xbf16, #tpu.memory_space<hbm>>) target(%arg15 : memref<128x64xbf16, #tpu.memory_space<vmem>>) offsets(%dma_start3A_80 : memref<128xi32, #tpu.memory_space<vmem>>) semaphore(%arg24 : memref<!tpu.dma_semaphore, #tpu.memory_space<semaphore_mem>>)
    %dma_start3A_84 = arith.constant 7 : i32
    %dma_start3A_85 = arith.constant 0 : i32
    %dma_start3A_86 = tpu.memref_slice %arg7[%dma_start3A_84, %dma_start3A_85] : memref<160x128xi32, #tpu.memory_space<vmem>> -> memref<1x128xi32, #tpu.memory_space<vmem>>
    %dma_start3A_87 = tpu.memref_squeeze %dma_start3A_86 : memref<1x128xi32, #tpu.memory_space<vmem>> -> memref<128xi32, #tpu.memory_space<vmem>>
    %dma_start3A_88 = arith.constant 0 : i32
    %dma_start3A_89 = arith.constant 0 : i32
    %dma_start3A_90 = tpu.memref_slice %arg2[%dma_start3A_88, %dma_start3A_89] : memref<20480x64xbf16, #tpu.memory_space<hbm>> -> memref<20480x64xbf16, #tpu.memory_space<hbm>>
    tpu.enqueue_indirect_dma source(%dma_start3A_90 : memref<20480x64xbf16, #tpu.memory_space<hbm>>) target(%arg16 : memref<128x64xbf16, #tpu.memory_space<vmem>>) offsets(%dma_start3A_87 : memref<128xi32, #tpu.memory_space<vmem>>) semaphore(%arg25 : memref<!tpu.dma_semaphore, #tpu.memory_space<semaphore_mem>>)
    %scan3A = arith.constant 0 : i32
    %scan3A_91 = arith.constant 0 : i32
    %scan3A_92 = arith.constant 19 : i32
    %scan3A_93 = arith.addi %scan3A_91, %scan3A_92 : i32
    %scan3A_94 = arith.constant 1 : i32
    scf.for %scan3A_265 = %scan3A_91 to %scan3A_93 step %scan3A_94  : i32 {
      %mul3A_266 = arith.constant 8 : i32
      %mul3A_267 = arith.muli %mul3A_266, %scan3A_265 : i32
      %add3A = arith.constant 0 : i32
      %add3A_268 = arith.addi %mul3A_267, %add3A : i32
      %dma_wait3A_269 = arith.constant 0 : i32
      %dma_wait3A_270 = tpu.memref_slice %arg7[%add3A_268, %dma_wait3A_269] : memref<160x128xi32, #tpu.memory_space<vmem>> -> memref<1x128xi32, #tpu.memory_space<vmem>>
      %dma_wait3A_271 = tpu.memref_squeeze %dma_wait3A_270 : memref<1x128xi32, #tpu.memory_space<vmem>> -> memref<128xi32, #tpu.memory_space<vmem>>
      %dma_wait3A_272 = arith.constant 0 : i32
      %dma_wait3A_273 = arith.constant 0 : i32
      %dma_wait3A_274 = tpu.memref_slice %arg2[%dma_wait3A_272, %dma_wait3A_273] : memref<20480x64xbf16, #tpu.memory_space<hbm>> -> memref<20480x64xbf16, #tpu.memory_space<hbm>>
      tpu.wait_indirect_dma semaphore(%arg18 : memref<!tpu.dma_semaphore, #tpu.memory_space<semaphore_mem>>) src(%dma_wait3A_274 : memref<20480x64xbf16, #tpu.memory_space<hbm>>) dst(%arg9 : memref<128x64xbf16, #tpu.memory_space<vmem>>)
      %add3A_275 = arith.constant 0 : i32
      %add3A_276 = arith.addi %mul3A_267, %add3A_275 : i32
      %dma_start3A_277 = arith.constant 0 : i32
      %dma_start3A_278 = tpu.memref_slice %arg8[%add3A_276, %dma_start3A_277] : memref<160x128xi32, #tpu.memory_space<vmem>> -> memref<1x128xi32, #tpu.memory_space<vmem>>
      %dma_start3A_279 = tpu.memref_squeeze %dma_start3A_278 : memref<1x128xi32, #tpu.memory_space<vmem>> -> memref<128xi32, #tpu.memory_space<vmem>>
      %dma_start3A_280 = arith.constant 0 : i32
      %dma_start3A_281 = arith.constant 0 : i32
      %dma_start3A_282 = tpu.memref_slice %arg17[%dma_start3A_280, %dma_start3A_281] : memref<10240x64xbf16, #tpu.memory_space<vmem_shared>> -> memref<10240x64xbf16, #tpu.memory_space<vmem_shared>>
      tpu.enqueue_indirect_dma source(%arg9 : memref<128x64xbf16, #tpu.memory_space<vmem>>) target(%dma_start3A_282 : memref<10240x64xbf16, #tpu.memory_space<vmem_shared>>) offsets(%dma_start3A_279 : memref<128xi32, #tpu.memory_space<vmem>>) semaphore(%arg26 : memref<!tpu.dma_semaphore, #tpu.memory_space<semaphore_mem>>) {add = true}
      %add3A_283 = arith.constant 1 : i32
      %add3A_284 = arith.addi %mul3A_267, %add3A_283 : i32
      %dma_wait3A_285 = arith.constant 0 : i32
      %dma_wait3A_286 = tpu.memref_slice %arg7[%add3A_284, %dma_wait3A_285] : memref<160x128xi32, #tpu.memory_space<vmem>> -> memref<1x128xi32, #tpu.memory_space<vmem>>
      %dma_wait3A_287 = tpu.memref_squeeze %dma_wait3A_286 : memref<1x128xi32, #tpu.memory_space<vmem>> -> memref<128xi32, #tpu.memory_space<vmem>>
      %dma_wait3A_288 = arith.constant 0 : i32
      %dma_wait3A_289 = arith.constant 0 : i32
      %dma_wait3A_290 = tpu.memref_slice %arg2[%dma_wait3A_288, %dma_wait3A_289] : memref<20480x64xbf16, #tpu.memory_space<hbm>> -> memref<20480x64xbf16, #tpu.memory_space<hbm>>
      tpu.wait_indirect_dma semaphore(%arg19 : memref<!tpu.dma_semaphore, #tpu.memory_space<semaphore_mem>>) src(%dma_wait3A_290 : memref<20480x64xbf16, #tpu.memory_space<hbm>>) dst(%arg10 : memref<128x64xbf16, #tpu.memory_space<vmem>>)
      %add3A_291 = arith.constant 1 : i32
      %add3A_292 = arith.addi %mul3A_267, %add3A_291 : i32
      %dma_start3A_293 = arith.constant 0 : i32
      %dma_start3A_294 = tpu.memref_slice %arg8[%add3A_292, %dma_start3A_293] : memref<160x128xi32, #tpu.memory_space<vmem>> -> memref<1x128xi32, #tpu.memory_space<vmem>>
      %dma_start3A_295 = tpu.memref_squeeze %dma_start3A_294 : memref<1x128xi32, #tpu.memory_space<vmem>> -> memref<128xi32, #tpu.memory_space<vmem>>
      %dma_start3A_296 = arith.constant 0 : i32
      %dma_start3A_297 = arith.constant 0 : i32
      %dma_start3A_298 = tpu.memref_slice %arg17[%dma_start3A_296, %dma_start3A_297] : memref<10240x64xbf16, #tpu.memory_space<vmem_shared>> -> memref<10240x64xbf16, #tpu.memory_space<vmem_shared>>
      tpu.enqueue_indirect_dma source(%arg10 : memref<128x64xbf16, #tpu.memory_space<vmem>>) target(%dma_start3A_298 : memref<10240x64xbf16, #tpu.memory_space<vmem_shared>>) offsets(%dma_start3A_295 : memref<128xi32, #tpu.memory_space<vmem>>) semaphore(%arg27 : memref<!tpu.dma_semaphore, #tpu.memory_space<semaphore_mem>>) {add = true}
      %add3A_299 = arith.constant 2 : i32
      %add3A_300 = arith.addi %mul3A_267, %add3A_299 : i32
      %dma_wait3A_301 = arith.constant 0 : i32
      %dma_wait3A_302 = tpu.memref_slice %arg7[%add3A_300, %dma_wait3A_301] : memref<160x128xi32, #tpu.memory_space<vmem>> -> memref<1x128xi32, #tpu.memory_space<vmem>>
      %dma_wait3A_303 = tpu.memref_squeeze %dma_wait3A_302 : memref<1x128xi32, #tpu.memory_space<vmem>> -> memref<128xi32, #tpu.memory_space<vmem>>
      %dma_wait3A_304 = arith.constant 0 : i32
      %dma_wait3A_305 = arith.constant 0 : i32
      %dma_wait3A_306 = tpu.memref_slice %arg2[%dma_wait3A_304, %dma_wait3A_305] : memref<20480x64xbf16, #tpu.memory_space<hbm>> -> memref<20480x64xbf16, #tpu.memory_space<hbm>>
      tpu.wait_indirect_dma semaphore(%arg20 : memref<!tpu.dma_semaphore, #tpu.memory_space<semaphore_mem>>) src(%dma_wait3A_306 : memref<20480x64xbf16, #tpu.memory_space<hbm>>) dst(%arg11 : memref<128x64xbf16, #tpu.memory_space<vmem>>)
      %add3A_307 = arith.constant 2 : i32
      %add3A_308 = arith.addi %mul3A_267, %add3A_307 : i32
      %dma_start3A_309 = arith.constant 0 : i32
      %dma_start3A_310 = tpu.memref_slice %arg8[%add3A_308, %dma_start3A_309] : memref<160x128xi32, #tpu.memory_space<vmem>> -> memref<1x128xi32, #tpu.memory_space<vmem>>
      %dma_start3A_311 = tpu.memref_squeeze %dma_start3A_310 : memref<1x128xi32, #tpu.memory_space<vmem>> -> memref<128xi32, #tpu.memory_space<vmem>>
      %dma_start3A_312 = arith.constant 0 : i32
      %dma_start3A_313 = arith.constant 0 : i32
      %dma_start3A_314 = tpu.memref_slice %arg17[%dma_start3A_312, %dma_start3A_313] : memref<10240x64xbf16, #tpu.memory_space<vmem_shared>> -> memref<10240x64xbf16, #tpu.memory_space<vmem_shared>>
      tpu.enqueue_indirect_dma source(%arg11 : memref<128x64xbf16, #tpu.memory_space<vmem>>) target(%dma_start3A_314 : memref<10240x64xbf16, #tpu.memory_space<vmem_shared>>) offsets(%dma_start3A_311 : memref<128xi32, #tpu.memory_space<vmem>>) semaphore(%arg28 : memref<!tpu.dma_semaphore, #tpu.memory_space<semaphore_mem>>) {add = true}
      %add3A_315 = arith.constant 3 : i32
      %add3A_316 = arith.addi %mul3A_267, %add3A_315 : i32
      %dma_wait3A_317 = arith.constant 0 : i32
      %dma_wait3A_318 = tpu.memref_slice %arg7[%add3A_316, %dma_wait3A_317] : memref<160x128xi32, #tpu.memory_space<vmem>> -> memref<1x128xi32, #tpu.memory_space<vmem>>
      %dma_wait3A_319 = tpu.memref_squeeze %dma_wait3A_318 : memref<1x128xi32, #tpu.memory_space<vmem>> -> memref<128xi32, #tpu.memory_space<vmem>>
      %dma_wait3A_320 = arith.constant 0 : i32
      %dma_wait3A_321 = arith.constant 0 : i32
      %dma_wait3A_322 = tpu.memref_slice %arg2[%dma_wait3A_320, %dma_wait3A_321] : memref<20480x64xbf16, #tpu.memory_space<hbm>> -> memref<20480x64xbf16, #tpu.memory_space<hbm>>
      tpu.wait_indirect_dma semaphore(%arg21 : memref<!tpu.dma_semaphore, #tpu.memory_space<semaphore_mem>>) src(%dma_wait3A_322 : memref<20480x64xbf16, #tpu.memory_space<hbm>>) dst(%arg12 : memref<128x64xbf16, #tpu.memory_space<vmem>>)
      %add3A_323 = arith.constant 3 : i32
      %add3A_324 = arith.addi %mul3A_267, %add3A_323 : i32
      %dma_start3A_325 = arith.constant 0 : i32
      %dma_start3A_326 = tpu.memref_slice %arg8[%add3A_324, %dma_start3A_325] : memref<160x128xi32, #tpu.memory_space<vmem>> -> memref<1x128xi32, #tpu.memory_space<vmem>>
      %dma_start3A_327 = tpu.memref_squeeze %dma_start3A_326 : memref<1x128xi32, #tpu.memory_space<vmem>> -> memref<128xi32, #tpu.memory_space<vmem>>
      %dma_start3A_328 = arith.constant 0 : i32
      %dma_start3A_329 = arith.constant 0 : i32
      %dma_start3A_330 = tpu.memref_slice %arg17[%dma_start3A_328, %dma_start3A_329] : memref<10240x64xbf16, #tpu.memory_space<vmem_shared>> -> memref<10240x64xbf16, #tpu.memory_space<vmem_shared>>
      tpu.enqueue_indirect_dma source(%arg12 : memref<128x64xbf16, #tpu.memory_space<vmem>>) target(%dma_start3A_330 : memref<10240x64xbf16, #tpu.memory_space<vmem_shared>>) offsets(%dma_start3A_327 : memref<128xi32, #tpu.memory_space<vmem>>) semaphore(%arg29 : memref<!tpu.dma_semaphore, #tpu.memory_space<semaphore_mem>>) {add = true}
      %add3A_331 = arith.constant 4 : i32
      %add3A_332 = arith.addi %mul3A_267, %add3A_331 : i32
      %dma_wait3A_333 = arith.constant 0 : i32
      %dma_wait3A_334 = tpu.memref_slice %arg7[%add3A_332, %dma_wait3A_333] : memref<160x128xi32, #tpu.memory_space<vmem>> -> memref<1x128xi32, #tpu.memory_space<vmem>>
      %dma_wait3A_335 = tpu.memref_squeeze %dma_wait3A_334 : memref<1x128xi32, #tpu.memory_space<vmem>> -> memref<128xi32, #tpu.memory_space<vmem>>
      %dma_wait3A_336 = arith.constant 0 : i32
      %dma_wait3A_337 = arith.constant 0 : i32
      %dma_wait3A_338 = tpu.memref_slice %arg2[%dma_wait3A_336, %dma_wait3A_337] : memref<20480x64xbf16, #tpu.memory_space<hbm>> -> memref<20480x64xbf16, #tpu.memory_space<hbm>>
      tpu.wait_indirect_dma semaphore(%arg22 : memref<!tpu.dma_semaphore, #tpu.memory_space<semaphore_mem>>) src(%dma_wait3A_338 : memref<20480x64xbf16, #tpu.memory_space<hbm>>) dst(%arg13 : memref<128x64xbf16, #tpu.memory_space<vmem>>)
      %add3A_339 = arith.constant 4 : i32
      %add3A_340 = arith.addi %mul3A_267, %add3A_339 : i32
      %dma_start3A_341 = arith.constant 0 : i32
      %dma_start3A_342 = tpu.memref_slice %arg8[%add3A_340, %dma_start3A_341] : memref<160x128xi32, #tpu.memory_space<vmem>> -> memref<1x128xi32, #tpu.memory_space<vmem>>
      %dma_start3A_343 = tpu.memref_squeeze %dma_start3A_342 : memref<1x128xi32, #tpu.memory_space<vmem>> -> memref<128xi32, #tpu.memory_space<vmem>>
      %dma_start3A_344 = arith.constant 0 : i32
      %dma_start3A_345 = arith.constant 0 : i32
      %dma_start3A_346 = tpu.memref_slice %arg17[%dma_start3A_344, %dma_start3A_345] : memref<10240x64xbf16, #tpu.memory_space<vmem_shared>> -> memref<10240x64xbf16, #tpu.memory_space<vmem_shared>>
      tpu.enqueue_indirect_dma source(%arg13 : memref<128x64xbf16, #tpu.memory_space<vmem>>) target(%dma_start3A_346 : memref<10240x64xbf16, #tpu.memory_space<vmem_shared>>) offsets(%dma_start3A_343 : memref<128xi32, #tpu.memory_space<vmem>>) semaphore(%arg30 : memref<!tpu.dma_semaphore, #tpu.memory_space<semaphore_mem>>) {add = true}
      %add3A_347 = arith.constant 5 : i32
      %add3A_348 = arith.addi %mul3A_267, %add3A_347 : i32
      %dma_wait3A_349 = arith.constant 0 : i32
      %dma_wait3A_350 = tpu.memref_slice %arg7[%add3A_348, %dma_wait3A_349] : memref<160x128xi32, #tpu.memory_space<vmem>> -> memref<1x128xi32, #tpu.memory_space<vmem>>
      %dma_wait3A_351 = tpu.memref_squeeze %dma_wait3A_350 : memref<1x128xi32, #tpu.memory_space<vmem>> -> memref<128xi32, #tpu.memory_space<vmem>>
      %dma_wait3A_352 = arith.constant 0 : i32
      %dma_wait3A_353 = arith.constant 0 : i32
      %dma_wait3A_354 = tpu.memref_slice %arg2[%dma_wait3A_352, %dma_wait3A_353] : memref<20480x64xbf16, #tpu.memory_space<hbm>> -> memref<20480x64xbf16, #tpu.memory_space<hbm>>
      tpu.wait_indirect_dma semaphore(%arg23 : memref<!tpu.dma_semaphore, #tpu.memory_space<semaphore_mem>>) src(%dma_wait3A_354 : memref<20480x64xbf16, #tpu.memory_space<hbm>>) dst(%arg14 : memref<128x64xbf16, #tpu.memory_space<vmem>>)
      %add3A_355 = arith.constant 5 : i32
      %add3A_356 = arith.addi %mul3A_267, %add3A_355 : i32
      %dma_start3A_357 = arith.constant 0 : i32
      %dma_start3A_358 = tpu.memref_slice %arg8[%add3A_356, %dma_start3A_357] : memref<160x128xi32, #tpu.memory_space<vmem>> -> memref<1x128xi32, #tpu.memory_space<vmem>>
      %dma_start3A_359 = tpu.memref_squeeze %dma_start3A_358 : memref<1x128xi32, #tpu.memory_space<vmem>> -> memref<128xi32, #tpu.memory_space<vmem>>
      %dma_start3A_360 = arith.constant 0 : i32
      %dma_start3A_361 = arith.constant 0 : i32
      %dma_start3A_362 = tpu.memref_slice %arg17[%dma_start3A_360, %dma_start3A_361] : memref<10240x64xbf16, #tpu.memory_space<vmem_shared>> -> memref<10240x64xbf16, #tpu.memory_space<vmem_shared>>
      tpu.enqueue_indirect_dma source(%arg14 : memref<128x64xbf16, #tpu.memory_space<vmem>>) target(%dma_start3A_362 : memref<10240x64xbf16, #tpu.memory_space<vmem_shared>>) offsets(%dma_start3A_359 : memref<128xi32, #tpu.memory_space<vmem>>) semaphore(%arg31 : memref<!tpu.dma_semaphore, #tpu.memory_space<semaphore_mem>>) {add = true}
      %add3A_363 = arith.constant 6 : i32
      %add3A_364 = arith.addi %mul3A_267, %add3A_363 : i32
      %dma_wait3A_365 = arith.constant 0 : i32
      %dma_wait3A_366 = tpu.memref_slice %arg7[%add3A_364, %dma_wait3A_365] : memref<160x128xi32, #tpu.memory_space<vmem>> -> memref<1x128xi32, #tpu.memory_space<vmem>>
      %dma_wait3A_367 = tpu.memref_squeeze %dma_wait3A_366 : memref<1x128xi32, #tpu.memory_space<vmem>> -> memref<128xi32, #tpu.memory_space<vmem>>
      %dma_wait3A_368 = arith.constant 0 : i32
      %dma_wait3A_369 = arith.constant 0 : i32
      %dma_wait3A_370 = tpu.memref_slice %arg2[%dma_wait3A_368, %dma_wait3A_369] : memref<20480x64xbf16, #tpu.memory_space<hbm>> -> memref<20480x64xbf16, #tpu.memory_space<hbm>>
      tpu.wait_indirect_dma semaphore(%arg24 : memref<!tpu.dma_semaphore, #tpu.memory_space<semaphore_mem>>) src(%dma_wait3A_370 : memref<20480x64xbf16, #tpu.memory_space<hbm>>) dst(%arg15 : memref<128x64xbf16, #tpu.memory_space<vmem>>)
      %add3A_371 = arith.constant 6 : i32
      %add3A_372 = arith.addi %mul3A_267, %add3A_371 : i32
      %dma_start3A_373 = arith.constant 0 : i32
      %dma_start3A_374 = tpu.memref_slice %arg8[%add3A_372, %dma_start3A_373] : memref<160x128xi32, #tpu.memory_space<vmem>> -> memref<1x128xi32, #tpu.memory_space<vmem>>
      %dma_start3A_375 = tpu.memref_squeeze %dma_start3A_374 : memref<1x128xi32, #tpu.memory_space<vmem>> -> memref<128xi32, #tpu.memory_space<vmem>>
      %dma_start3A_376 = arith.constant 0 : i32
      %dma_start3A_377 = arith.constant 0 : i32
      %dma_start3A_378 = tpu.memref_slice %arg17[%dma_start3A_376, %dma_start3A_377] : memref<10240x64xbf16, #tpu.memory_space<vmem_shared>> -> memref<10240x64xbf16, #tpu.memory_space<vmem_shared>>
      tpu.enqueue_indirect_dma source(%arg15 : memref<128x64xbf16, #tpu.memory_space<vmem>>) target(%dma_start3A_378 : memref<10240x64xbf16, #tpu.memory_space<vmem_shared>>) offsets(%dma_start3A_375 : memref<128xi32, #tpu.memory_space<vmem>>) semaphore(%arg32 : memref<!tpu.dma_semaphore, #tpu.memory_space<semaphore_mem>>) {add = true}
      %add3A_379 = arith.constant 7 : i32
      %add3A_380 = arith.addi %mul3A_267, %add3A_379 : i32
      %dma_wait3A_381 = arith.constant 0 : i32
      %dma_wait3A_382 = tpu.memref_slice %arg7[%add3A_380, %dma_wait3A_381] : memref<160x128xi32, #tpu.memory_space<vmem>> -> memref<1x128xi32, #tpu.memory_space<vmem>>
      %dma_wait3A_383 = tpu.memref_squeeze %dma_wait3A_382 : memref<1x128xi32, #tpu.memory_space<vmem>> -> memref<128xi32, #tpu.memory_space<vmem>>
      %dma_wait3A_384 = arith.constant 0 : i32
      %dma_wait3A_385 = arith.constant 0 : i32
      %dma_wait3A_386 = tpu.memref_slice %arg2[%dma_wait3A_384, %dma_wait3A_385] : memref<20480x64xbf16, #tpu.memory_space<hbm>> -> memref<20480x64xbf16, #tpu.memory_space<hbm>>
      tpu.wait_indirect_dma semaphore(%arg25 : memref<!tpu.dma_semaphore, #tpu.memory_space<semaphore_mem>>) src(%dma_wait3A_386 : memref<20480x64xbf16, #tpu.memory_space<hbm>>) dst(%arg16 : memref<128x64xbf16, #tpu.memory_space<vmem>>)
      %add3A_387 = arith.constant 7 : i32
      %add3A_388 = arith.addi %mul3A_267, %add3A_387 : i32
      %dma_start3A_389 = arith.constant 0 : i32
      %dma_start3A_390 = tpu.memref_slice %arg8[%add3A_388, %dma_start3A_389] : memref<160x128xi32, #tpu.memory_space<vmem>> -> memref<1x128xi32, #tpu.memory_space<vmem>>
      %dma_start3A_391 = tpu.memref_squeeze %dma_start3A_390 : memref<1x128xi32, #tpu.memory_space<vmem>> -> memref<128xi32, #tpu.memory_space<vmem>>
      %dma_start3A_392 = arith.constant 0 : i32
      %dma_start3A_393 = arith.constant 0 : i32
      %dma_start3A_394 = tpu.memref_slice %arg17[%dma_start3A_392, %dma_start3A_393] : memref<10240x64xbf16, #tpu.memory_space<vmem_shared>> -> memref<10240x64xbf16, #tpu.memory_space<vmem_shared>>
      tpu.enqueue_indirect_dma source(%arg16 : memref<128x64xbf16, #tpu.memory_space<vmem>>) target(%dma_start3A_394 : memref<10240x64xbf16, #tpu.memory_space<vmem_shared>>) offsets(%dma_start3A_391 : memref<128xi32, #tpu.memory_space<vmem>>) semaphore(%arg33 : memref<!tpu.dma_semaphore, #tpu.memory_space<semaphore_mem>>) {add = true}
      %add3A_395 = arith.constant 0 : i32
      %add3A_396 = arith.addi %mul3A_267, %add3A_395 : i32
      %dma_wait3A_397 = arith.constant 0 : i32
      %dma_wait3A_398 = tpu.memref_slice %arg8[%add3A_396, %dma_wait3A_397] : memref<160x128xi32, #tpu.memory_space<vmem>> -> memref<1x128xi32, #tpu.memory_space<vmem>>
      %dma_wait3A_399 = tpu.memref_squeeze %dma_wait3A_398 : memref<1x128xi32, #tpu.memory_space<vmem>> -> memref<128xi32, #tpu.memory_space<vmem>>
      %dma_wait3A_400 = arith.constant 0 : i32
      %dma_wait3A_401 = arith.constant 0 : i32
      %dma_wait3A_402 = tpu.memref_slice %arg17[%dma_wait3A_400, %dma_wait3A_401] : memref<10240x64xbf16, #tpu.memory_space<vmem_shared>> -> memref<10240x64xbf16, #tpu.memory_space<vmem_shared>>
      tpu.wait_indirect_dma semaphore(%arg26 : memref<!tpu.dma_semaphore, #tpu.memory_space<semaphore_mem>>) src(%arg9 : memref<128x64xbf16, #tpu.memory_space<vmem>>) dst(%dma_wait3A_402 : memref<10240x64xbf16, #tpu.memory_space<vmem_shared>>)
      %add3A_403 = arith.constant 8 : i32
      %add3A_404 = arith.addi %mul3A_267, %add3A_403 : i32
      %add3A_405 = arith.constant 0 : i32
      %add3A_406 = arith.addi %add3A_404, %add3A_405 : i32
      %dma_start3A_407 = arith.constant 0 : i32
      %dma_start3A_408 = tpu.memref_slice %arg7[%add3A_406, %dma_start3A_407] : memref<160x128xi32, #tpu.memory_space<vmem>> -> memref<1x128xi32, #tpu.memory_space<vmem>>
      %dma_start3A_409 = tpu.memref_squeeze %dma_start3A_408 : memref<1x128xi32, #tpu.memory_space<vmem>> -> memref<128xi32, #tpu.memory_space<vmem>>
      %dma_start3A_410 = arith.constant 0 : i32
      %dma_start3A_411 = arith.constant 0 : i32
      %dma_start3A_412 = tpu.memref_slice %arg2[%dma_start3A_410, %dma_start3A_411] : memref<20480x64xbf16, #tpu.memory_space<hbm>> -> memref<20480x64xbf16, #tpu.memory_space<hbm>>
      tpu.enqueue_indirect_dma source(%dma_start3A_412 : memref<20480x64xbf16, #tpu.memory_space<hbm>>) target(%arg9 : memref<128x64xbf16, #tpu.memory_space<vmem>>) offsets(%dma_start3A_409 : memref<128xi32, #tpu.memory_space<vmem>>) semaphore(%arg18 : memref<!tpu.dma_semaphore, #tpu.memory_space<semaphore_mem>>)
      %add3A_413 = arith.constant 1 : i32
      %add3A_414 = arith.addi %mul3A_267, %add3A_413 : i32
      %dma_wait3A_415 = arith.constant 0 : i32
      %dma_wait3A_416 = tpu.memref_slice %arg8[%add3A_414, %dma_wait3A_415] : memref<160x128xi32, #tpu.memory_space<vmem>> -> memref<1x128xi32, #tpu.memory_space<vmem>>
      %dma_wait3A_417 = tpu.memref_squeeze %dma_wait3A_416 : memref<1x128xi32, #tpu.memory_space<vmem>> -> memref<128xi32, #tpu.memory_space<vmem>>
      %dma_wait3A_418 = arith.constant 0 : i32
      %dma_wait3A_419 = arith.constant 0 : i32
      %dma_wait3A_420 = tpu.memref_slice %arg17[%dma_wait3A_418, %dma_wait3A_419] : memref<10240x64xbf16, #tpu.memory_space<vmem_shared>> -> memref<10240x64xbf16, #tpu.memory_space<vmem_shared>>
      tpu.wait_indirect_dma semaphore(%arg27 : memref<!tpu.dma_semaphore, #tpu.memory_space<semaphore_mem>>) src(%arg10 : memref<128x64xbf16, #tpu.memory_space<vmem>>) dst(%dma_wait3A_420 : memref<10240x64xbf16, #tpu.memory_space<vmem_shared>>)
      %add3A_421 = arith.constant 8 : i32
      %add3A_422 = arith.addi %mul3A_267, %add3A_421 : i32
      %add3A_423 = arith.constant 1 : i32
      %add3A_424 = arith.addi %add3A_422, %add3A_423 : i32
      %dma_start3A_425 = arith.constant 0 : i32
      %dma_start3A_426 = tpu.memref_slice %arg7[%add3A_424, %dma_start3A_425] : memref<160x128xi32, #tpu.memory_space<vmem>> -> memref<1x128xi32, #tpu.memory_space<vmem>>
      %dma_start3A_427 = tpu.memref_squeeze %dma_start3A_426 : memref<1x128xi32, #tpu.memory_space<vmem>> -> memref<128xi32, #tpu.memory_space<vmem>>
      %dma_start3A_428 = arith.constant 0 : i32
      %dma_start3A_429 = arith.constant 0 : i32
      %dma_start3A_430 = tpu.memref_slice %arg2[%dma_start3A_428, %dma_start3A_429] : memref<20480x64xbf16, #tpu.memory_space<hbm>> -> memref<20480x64xbf16, #tpu.memory_space<hbm>>
      tpu.enqueue_indirect_dma source(%dma_start3A_430 : memref<20480x64xbf16, #tpu.memory_space<hbm>>) target(%arg10 : memref<128x64xbf16, #tpu.memory_space<vmem>>) offsets(%dma_start3A_427 : memref<128xi32, #tpu.memory_space<vmem>>) semaphore(%arg19 : memref<!tpu.dma_semaphore, #tpu.memory_space<semaphore_mem>>)
      %add3A_431 = arith.constant 2 : i32
      %add3A_432 = arith.addi %mul3A_267, %add3A_431 : i32
      %dma_wait3A_433 = arith.constant 0 : i32
      %dma_wait3A_434 = tpu.memref_slice %arg8[%add3A_432, %dma_wait3A_433] : memref<160x128xi32, #tpu.memory_space<vmem>> -> memref<1x128xi32, #tpu.memory_space<vmem>>
      %dma_wait3A_435 = tpu.memref_squeeze %dma_wait3A_434 : memref<1x128xi32, #tpu.memory_space<vmem>> -> memref<128xi32, #tpu.memory_space<vmem>>
      %dma_wait3A_436 = arith.constant 0 : i32
      %dma_wait3A_437 = arith.constant 0 : i32
      %dma_wait3A_438 = tpu.memref_slice %arg17[%dma_wait3A_436, %dma_wait3A_437] : memref<10240x64xbf16, #tpu.memory_space<vmem_shared>> -> memref<10240x64xbf16, #tpu.memory_space<vmem_shared>>
      tpu.wait_indirect_dma semaphore(%arg28 : memref<!tpu.dma_semaphore, #tpu.memory_space<semaphore_mem>>) src(%arg11 : memref<128x64xbf16, #tpu.memory_space<vmem>>) dst(%dma_wait3A_438 : memref<10240x64xbf16, #tpu.memory_space<vmem_shared>>)
      %add3A_439 = arith.constant 8 : i32
      %add3A_440 = arith.addi %mul3A_267, %add3A_439 : i32
      %add3A_441 = arith.constant 2 : i32
      %add3A_442 = arith.addi %add3A_440, %add3A_441 : i32
      %dma_start3A_443 = arith.constant 0 : i32
      %dma_start3A_444 = tpu.memref_slice %arg7[%add3A_442, %dma_start3A_443] : memref<160x128xi32, #tpu.memory_space<vmem>> -> memref<1x128xi32, #tpu.memory_space<vmem>>
      %dma_start3A_445 = tpu.memref_squeeze %dma_start3A_444 : memref<1x128xi32, #tpu.memory_space<vmem>> -> memref<128xi32, #tpu.memory_space<vmem>>
      %dma_start3A_446 = arith.constant 0 : i32
      %dma_start3A_447 = arith.constant 0 : i32
      %dma_start3A_448 = tpu.memref_slice %arg2[%dma_start3A_446, %dma_start3A_447] : memref<20480x64xbf16, #tpu.memory_space<hbm>> -> memref<20480x64xbf16, #tpu.memory_space<hbm>>
      tpu.enqueue_indirect_dma source(%dma_start3A_448 : memref<20480x64xbf16, #tpu.memory_space<hbm>>) target(%arg11 : memref<128x64xbf16, #tpu.memory_space<vmem>>) offsets(%dma_start3A_445 : memref<128xi32, #tpu.memory_space<vmem>>) semaphore(%arg20 : memref<!tpu.dma_semaphore, #tpu.memory_space<semaphore_mem>>)
      %add3A_449 = arith.constant 3 : i32
      %add3A_450 = arith.addi %mul3A_267, %add3A_449 : i32
      %dma_wait3A_451 = arith.constant 0 : i32
      %dma_wait3A_452 = tpu.memref_slice %arg8[%add3A_450, %dma_wait3A_451] : memref<160x128xi32, #tpu.memory_space<vmem>> -> memref<1x128xi32, #tpu.memory_space<vmem>>
      %dma_wait3A_453 = tpu.memref_squeeze %dma_wait3A_452 : memref<1x128xi32, #tpu.memory_space<vmem>> -> memref<128xi32, #tpu.memory_space<vmem>>
      %dma_wait3A_454 = arith.constant 0 : i32
      %dma_wait3A_455 = arith.constant 0 : i32
      %dma_wait3A_456 = tpu.memref_slice %arg17[%dma_wait3A_454, %dma_wait3A_455] : memref<10240x64xbf16, #tpu.memory_space<vmem_shared>> -> memref<10240x64xbf16, #tpu.memory_space<vmem_shared>>
      tpu.wait_indirect_dma semaphore(%arg29 : memref<!tpu.dma_semaphore, #tpu.memory_space<semaphore_mem>>) src(%arg12 : memref<128x64xbf16, #tpu.memory_space<vmem>>) dst(%dma_wait3A_456 : memref<10240x64xbf16, #tpu.memory_space<vmem_shared>>)
      %add3A_457 = arith.constant 8 : i32
      %add3A_458 = arith.addi %mul3A_267, %add3A_457 : i32
      %add3A_459 = arith.constant 3 : i32
      %add3A_460 = arith.addi %add3A_458, %add3A_459 : i32
      %dma_start3A_461 = arith.constant 0 : i32
      %dma_start3A_462 = tpu.memref_slice %arg7[%add3A_460, %dma_start3A_461] : memref<160x128xi32, #tpu.memory_space<vmem>> -> memref<1x128xi32, #tpu.memory_space<vmem>>
      %dma_start3A_463 = tpu.memref_squeeze %dma_start3A_462 : memref<1x128xi32, #tpu.memory_space<vmem>> -> memref<128xi32, #tpu.memory_space<vmem>>
      %dma_start3A_464 = arith.constant 0 : i32
      %dma_start3A_465 = arith.constant 0 : i32
      %dma_start3A_466 = tpu.memref_slice %arg2[%dma_start3A_464, %dma_start3A_465] : memref<20480x64xbf16, #tpu.memory_space<hbm>> -> memref<20480x64xbf16, #tpu.memory_space<hbm>>
      tpu.enqueue_indirect_dma source(%dma_start3A_466 : memref<20480x64xbf16, #tpu.memory_space<hbm>>) target(%arg12 : memref<128x64xbf16, #tpu.memory_space<vmem>>) offsets(%dma_start3A_463 : memref<128xi32, #tpu.memory_space<vmem>>) semaphore(%arg21 : memref<!tpu.dma_semaphore, #tpu.memory_space<semaphore_mem>>)
      %add3A_467 = arith.constant 4 : i32
      %add3A_468 = arith.addi %mul3A_267, %add3A_467 : i32
      %dma_wait3A_469 = arith.constant 0 : i32
      %dma_wait3A_470 = tpu.memref_slice %arg8[%add3A_468, %dma_wait3A_469] : memref<160x128xi32, #tpu.memory_space<vmem>> -> memref<1x128xi32, #tpu.memory_space<vmem>>
      %dma_wait3A_471 = tpu.memref_squeeze %dma_wait3A_470 : memref<1x128xi32, #tpu.memory_space<vmem>> -> memref<128xi32, #tpu.memory_space<vmem>>
      %dma_wait3A_472 = arith.constant 0 : i32
      %dma_wait3A_473 = arith.constant 0 : i32
      %dma_wait3A_474 = tpu.memref_slice %arg17[%dma_wait3A_472, %dma_wait3A_473] : memref<10240x64xbf16, #tpu.memory_space<vmem_shared>> -> memref<10240x64xbf16, #tpu.memory_space<vmem_shared>>
      tpu.wait_indirect_dma semaphore(%arg30 : memref<!tpu.dma_semaphore, #tpu.memory_space<semaphore_mem>>) src(%arg13 : memref<128x64xbf16, #tpu.memory_space<vmem>>) dst(%dma_wait3A_474 : memref<10240x64xbf16, #tpu.memory_space<vmem_shared>>)
      %add3A_475 = arith.constant 8 : i32
      %add3A_476 = arith.addi %mul3A_267, %add3A_475 : i32
      %add3A_477 = arith.constant 4 : i32
      %add3A_478 = arith.addi %add3A_476, %add3A_477 : i32
      %dma_start3A_479 = arith.constant 0 : i32
      %dma_start3A_480 = tpu.memref_slice %arg7[%add3A_478, %dma_start3A_479] : memref<160x128xi32, #tpu.memory_space<vmem>> -> memref<1x128xi32, #tpu.memory_space<vmem>>
      %dma_start3A_481 = tpu.memref_squeeze %dma_start3A_480 : memref<1x128xi32, #tpu.memory_space<vmem>> -> memref<128xi32, #tpu.memory_space<vmem>>
      %dma_start3A_482 = arith.constant 0 : i32
      %dma_start3A_483 = arith.constant 0 : i32
      %dma_start3A_484 = tpu.memref_slice %arg2[%dma_start3A_482, %dma_start3A_483] : memref<20480x64xbf16, #tpu.memory_space<hbm>> -> memref<20480x64xbf16, #tpu.memory_space<hbm>>
      tpu.enqueue_indirect_dma source(%dma_start3A_484 : memref<20480x64xbf16, #tpu.memory_space<hbm>>) target(%arg13 : memref<128x64xbf16, #tpu.memory_space<vmem>>) offsets(%dma_start3A_481 : memref<128xi32, #tpu.memory_space<vmem>>) semaphore(%arg22 : memref<!tpu.dma_semaphore, #tpu.memory_space<semaphore_mem>>)
      %add3A_485 = arith.constant 5 : i32
      %add3A_486 = arith.addi %mul3A_267, %add3A_485 : i32
      %dma_wait3A_487 = arith.constant 0 : i32
      %dma_wait3A_488 = tpu.memref_slice %arg8[%add3A_486, %dma_wait3A_487] : memref<160x128xi32, #tpu.memory_space<vmem>> -> memref<1x128xi32, #tpu.memory_space<vmem>>
      %dma_wait3A_489 = tpu.memref_squeeze %dma_wait3A_488 : memref<1x128xi32, #tpu.memory_space<vmem>> -> memref<128xi32, #tpu.memory_space<vmem>>
      %dma_wait3A_490 = arith.constant 0 : i32
      %dma_wait3A_491 = arith.constant 0 : i32
      %dma_wait3A_492 = tpu.memref_slice %arg17[%dma_wait3A_490, %dma_wait3A_491] : memref<10240x64xbf16, #tpu.memory_space<vmem_shared>> -> memref<10240x64xbf16, #tpu.memory_space<vmem_shared>>
      tpu.wait_indirect_dma semaphore(%arg31 : memref<!tpu.dma_semaphore, #tpu.memory_space<semaphore_mem>>) src(%arg14 : memref<128x64xbf16, #tpu.memory_space<vmem>>) dst(%dma_wait3A_492 : memref<10240x64xbf16, #tpu.memory_space<vmem_shared>>)
      %add3A_493 = arith.constant 8 : i32
      %add3A_494 = arith.addi %mul3A_267, %add3A_493 : i32
      %add3A_495 = arith.constant 5 : i32
      %add3A_496 = arith.addi %add3A_494, %add3A_495 : i32
      %dma_start3A_497 = arith.constant 0 : i32
      %dma_start3A_498 = tpu.memref_slice %arg7[%add3A_496, %dma_start3A_497] : memref<160x128xi32, #tpu.memory_space<vmem>> -> memref<1x128xi32, #tpu.memory_space<vmem>>
      %dma_start3A_499 = tpu.memref_squeeze %dma_start3A_498 : memref<1x128xi32, #tpu.memory_space<vmem>> -> memref<128xi32, #tpu.memory_space<vmem>>
      %dma_start3A_500 = arith.constant 0 : i32
      %dma_start3A_501 = arith.constant 0 : i32
      %dma_start3A_502 = tpu.memref_slice %arg2[%dma_start3A_500, %dma_start3A_501] : memref<20480x64xbf16, #tpu.memory_space<hbm>> -> memref<20480x64xbf16, #tpu.memory_space<hbm>>
      tpu.enqueue_indirect_dma source(%dma_start3A_502 : memref<20480x64xbf16, #tpu.memory_space<hbm>>) target(%arg14 : memref<128x64xbf16, #tpu.memory_space<vmem>>) offsets(%dma_start3A_499 : memref<128xi32, #tpu.memory_space<vmem>>) semaphore(%arg23 : memref<!tpu.dma_semaphore, #tpu.memory_space<semaphore_mem>>)
      %add3A_503 = arith.constant 6 : i32
      %add3A_504 = arith.addi %mul3A_267, %add3A_503 : i32
      %dma_wait3A_505 = arith.constant 0 : i32
      %dma_wait3A_506 = tpu.memref_slice %arg8[%add3A_504, %dma_wait3A_505] : memref<160x128xi32, #tpu.memory_space<vmem>> -> memref<1x128xi32, #tpu.memory_space<vmem>>
      %dma_wait3A_507 = tpu.memref_squeeze %dma_wait3A_506 : memref<1x128xi32, #tpu.memory_space<vmem>> -> memref<128xi32, #tpu.memory_space<vmem>>
      %dma_wait3A_508 = arith.constant 0 : i32
      %dma_wait3A_509 = arith.constant 0 : i32
      %dma_wait3A_510 = tpu.memref_slice %arg17[%dma_wait3A_508, %dma_wait3A_509] : memref<10240x64xbf16, #tpu.memory_space<vmem_shared>> -> memref<10240x64xbf16, #tpu.memory_space<vmem_shared>>
      tpu.wait_indirect_dma semaphore(%arg32 : memref<!tpu.dma_semaphore, #tpu.memory_space<semaphore_mem>>) src(%arg15 : memref<128x64xbf16, #tpu.memory_space<vmem>>) dst(%dma_wait3A_510 : memref<10240x64xbf16, #tpu.memory_space<vmem_shared>>)
      %add3A_511 = arith.constant 8 : i32
      %add3A_512 = arith.addi %mul3A_267, %add3A_511 : i32
      %add3A_513 = arith.constant 6 : i32
      %add3A_514 = arith.addi %add3A_512, %add3A_513 : i32
      %dma_start3A_515 = arith.constant 0 : i32
      %dma_start3A_516 = tpu.memref_slice %arg7[%add3A_514, %dma_start3A_515] : memref<160x128xi32, #tpu.memory_space<vmem>> -> memref<1x128xi32, #tpu.memory_space<vmem>>
      %dma_start3A_517 = tpu.memref_squeeze %dma_start3A_516 : memref<1x128xi32, #tpu.memory_space<vmem>> -> memref<128xi32, #tpu.memory_space<vmem>>
      %dma_start3A_518 = arith.constant 0 : i32
      %dma_start3A_519 = arith.constant 0 : i32
      %dma_start3A_520 = tpu.memref_slice %arg2[%dma_start3A_518, %dma_start3A_519] : memref<20480x64xbf16, #tpu.memory_space<hbm>> -> memref<20480x64xbf16, #tpu.memory_space<hbm>>
      tpu.enqueue_indirect_dma source(%dma_start3A_520 : memref<20480x64xbf16, #tpu.memory_space<hbm>>) target(%arg15 : memref<128x64xbf16, #tpu.memory_space<vmem>>) offsets(%dma_start3A_517 : memref<128xi32, #tpu.memory_space<vmem>>) semaphore(%arg24 : memref<!tpu.dma_semaphore, #tpu.memory_space<semaphore_mem>>)
      %add3A_521 = arith.constant 7 : i32
      %add3A_522 = arith.addi %mul3A_267, %add3A_521 : i32
      %dma_wait3A_523 = arith.constant 0 : i32
      %dma_wait3A_524 = tpu.memref_slice %arg8[%add3A_522, %dma_wait3A_523] : memref<160x128xi32, #tpu.memory_space<vmem>> -> memref<1x128xi32, #tpu.memory_space<vmem>>
      %dma_wait3A_525 = tpu.memref_squeeze %dma_wait3A_524 : memref<1x128xi32, #tpu.memory_space<vmem>> -> memref<128xi32, #tpu.memory_space<vmem>>
      %dma_wait3A_526 = arith.constant 0 : i32
      %dma_wait3A_527 = arith.constant 0 : i32
      %dma_wait3A_528 = tpu.memref_slice %arg17[%dma_wait3A_526, %dma_wait3A_527] : memref<10240x64xbf16, #tpu.memory_space<vmem_shared>> -> memref<10240x64xbf16, #tpu.memory_space<vmem_shared>>
      tpu.wait_indirect_dma semaphore(%arg33 : memref<!tpu.dma_semaphore, #tpu.memory_space<semaphore_mem>>) src(%arg16 : memref<128x64xbf16, #tpu.memory_space<vmem>>) dst(%dma_wait3A_528 : memref<10240x64xbf16, #tpu.memory_space<vmem_shared>>)
      %add3A_529 = arith.constant 8 : i32
      %add3A_530 = arith.addi %mul3A_267, %add3A_529 : i32
      %add3A_531 = arith.constant 7 : i32
      %add3A_532 = arith.addi %add3A_530, %add3A_531 : i32
      %dma_start3A_533 = arith.constant 0 : i32
      %dma_start3A_534 = tpu.memref_slice %arg7[%add3A_532, %dma_start3A_533] : memref<160x128xi32, #tpu.memory_space<vmem>> -> memref<1x128xi32, #tpu.memory_space<vmem>>
      %dma_start3A_535 = tpu.memref_squeeze %dma_start3A_534 : memref<1x128xi32, #tpu.memory_space<vmem>> -> memref<128xi32, #tpu.memory_space<vmem>>
      %dma_start3A_536 = arith.constant 0 : i32
      %dma_start3A_537 = arith.constant 0 : i32
      %dma_start3A_538 = tpu.memref_slice %arg2[%dma_start3A_536, %dma_start3A_537] : memref<20480x64xbf16, #tpu.memory_space<hbm>> -> memref<20480x64xbf16, #tpu.memory_space<hbm>>
      tpu.enqueue_indirect_dma source(%dma_start3A_538 : memref<20480x64xbf16, #tpu.memory_space<hbm>>) target(%arg16 : memref<128x64xbf16, #tpu.memory_space<vmem>>) offsets(%dma_start3A_535 : memref<128xi32, #tpu.memory_space<vmem>>) semaphore(%arg25 : memref<!tpu.dma_semaphore, #tpu.memory_space<semaphore_mem>>)
    }
    %scan3A_95 = arith.constant 19 : i32
    %dma_wait3A_96 = arith.constant 152 : i32
    %dma_wait3A_97 = arith.constant 0 : i32
    %dma_wait3A_98 = tpu.memref_slice %arg7[%dma_wait3A_96, %dma_wait3A_97] : memref<160x128xi32, #tpu.memory_space<vmem>> -> memref<1x128xi32, #tpu.memory_space<vmem>>
    %dma_wait3A_99 = tpu.memref_squeeze %dma_wait3A_98 : memref<1x128xi32, #tpu.memory_space<vmem>> -> memref<128xi32, #tpu.memory_space<vmem>>
    %dma_wait3A_100 = arith.constant 0 : i32
    %dma_wait3A_101 = arith.constant 0 : i32
    %dma_wait3A_102 = tpu.memref_slice %arg2[%dma_wait3A_100, %dma_wait3A_101] : memref<20480x64xbf16, #tpu.memory_space<hbm>> -> memref<20480x64xbf16, #tpu.memory_space<hbm>>
    tpu.wait_indirect_dma semaphore(%arg18 : memref<!tpu.dma_semaphore, #tpu.memory_space<semaphore_mem>>) src(%dma_wait3A_102 : memref<20480x64xbf16, #tpu.memory_space<hbm>>) dst(%arg9 : memref<128x64xbf16, #tpu.memory_space<vmem>>)
    %dma_start3A_103 = arith.constant 152 : i32
    %dma_start3A_104 = arith.constant 0 : i32
    %dma_start3A_105 = tpu.memref_slice %arg8[%dma_start3A_103, %dma_start3A_104] : memref<160x128xi32, #tpu.memory_space<vmem>> -> memref<1x128xi32, #tpu.memory_space<vmem>>
    %dma_start3A_106 = tpu.memref_squeeze %dma_start3A_105 : memref<1x128xi32, #tpu.memory_space<vmem>> -> memref<128xi32, #tpu.memory_space<vmem>>
    %dma_start3A_107 = arith.constant 0 : i32
    %dma_start3A_108 = arith.constant 0 : i32
    %dma_start3A_109 = tpu.memref_slice %arg17[%dma_start3A_107, %dma_start3A_108] : memref<10240x64xbf16, #tpu.memory_space<vmem_shared>> -> memref<10240x64xbf16, #tpu.memory_space<vmem_shared>>
    tpu.enqueue_indirect_dma source(%arg9 : memref<128x64xbf16, #tpu.memory_space<vmem>>) target(%dma_start3A_109 : memref<10240x64xbf16, #tpu.memory_space<vmem_shared>>) offsets(%dma_start3A_106 : memref<128xi32, #tpu.memory_space<vmem>>) semaphore(%arg26 : memref<!tpu.dma_semaphore, #tpu.memory_space<semaphore_mem>>) {add = true}
    %dma_wait3A_110 = arith.constant 153 : i32
    %dma_wait3A_111 = arith.constant 0 : i32
    %dma_wait3A_112 = tpu.memref_slice %arg7[%dma_wait3A_110, %dma_wait3A_111] : memref<160x128xi32, #tpu.memory_space<vmem>> -> memref<1x128xi32, #tpu.memory_space<vmem>>
    %dma_wait3A_113 = tpu.memref_squeeze %dma_wait3A_112 : memref<1x128xi32, #tpu.memory_space<vmem>> -> memref<128xi32, #tpu.memory_space<vmem>>
    %dma_wait3A_114 = arith.constant 0 : i32
    %dma_wait3A_115 = arith.constant 0 : i32
    %dma_wait3A_116 = tpu.memref_slice %arg2[%dma_wait3A_114, %dma_wait3A_115] : memref<20480x64xbf16, #tpu.memory_space<hbm>> -> memref<20480x64xbf16, #tpu.memory_space<hbm>>
    tpu.wait_indirect_dma semaphore(%arg19 : memref<!tpu.dma_semaphore, #tpu.memory_space<semaphore_mem>>) src(%dma_wait3A_116 : memref<20480x64xbf16, #tpu.memory_space<hbm>>) dst(%arg10 : memref<128x64xbf16, #tpu.memory_space<vmem>>)
    %dma_start3A_117 = arith.constant 153 : i32
    %dma_start3A_118 = arith.constant 0 : i32
    %dma_start3A_119 = tpu.memref_slice %arg8[%dma_start3A_117, %dma_start3A_118] : memref<160x128xi32, #tpu.memory_space<vmem>> -> memref<1x128xi32, #tpu.memory_space<vmem>>
    %dma_start3A_120 = tpu.memref_squeeze %dma_start3A_119 : memref<1x128xi32, #tpu.memory_space<vmem>> -> memref<128xi32, #tpu.memory_space<vmem>>
    %dma_start3A_121 = arith.constant 0 : i32
    %dma_start3A_122 = arith.constant 0 : i32
    %dma_start3A_123 = tpu.memref_slice %arg17[%dma_start3A_121, %dma_start3A_122] : memref<10240x64xbf16, #tpu.memory_space<vmem_shared>> -> memref<10240x64xbf16, #tpu.memory_space<vmem_shared>>
    tpu.enqueue_indirect_dma source(%arg10 : memref<128x64xbf16, #tpu.memory_space<vmem>>) target(%dma_start3A_123 : memref<10240x64xbf16, #tpu.memory_space<vmem_shared>>) offsets(%dma_start3A_120 : memref<128xi32, #tpu.memory_space<vmem>>) semaphore(%arg27 : memref<!tpu.dma_semaphore, #tpu.memory_space<semaphore_mem>>) {add = true}
    %dma_wait3A_124 = arith.constant 154 : i32
    %dma_wait3A_125 = arith.constant 0 : i32
    %dma_wait3A_126 = tpu.memref_slice %arg7[%dma_wait3A_124, %dma_wait3A_125] : memref<160x128xi32, #tpu.memory_space<vmem>> -> memref<1x128xi32, #tpu.memory_space<vmem>>
    %dma_wait3A_127 = tpu.memref_squeeze %dma_wait3A_126 : memref<1x128xi32, #tpu.memory_space<vmem>> -> memref<128xi32, #tpu.memory_space<vmem>>
    %dma_wait3A_128 = arith.constant 0 : i32
    %dma_wait3A_129 = arith.constant 0 : i32
    %dma_wait3A_130 = tpu.memref_slice %arg2[%dma_wait3A_128, %dma_wait3A_129] : memref<20480x64xbf16, #tpu.memory_space<hbm>> -> memref<20480x64xbf16, #tpu.memory_space<hbm>>
    tpu.wait_indirect_dma semaphore(%arg20 : memref<!tpu.dma_semaphore, #tpu.memory_space<semaphore_mem>>) src(%dma_wait3A_130 : memref<20480x64xbf16, #tpu.memory_space<hbm>>) dst(%arg11 : memref<128x64xbf16, #tpu.memory_space<vmem>>)
    %dma_start3A_131 = arith.constant 154 : i32
    %dma_start3A_132 = arith.constant 0 : i32
    %dma_start3A_133 = tpu.memref_slice %arg8[%dma_start3A_131, %dma_start3A_132] : memref<160x128xi32, #tpu.memory_space<vmem>> -> memref<1x128xi32, #tpu.memory_space<vmem>>
    %dma_start3A_134 = tpu.memref_squeeze %dma_start3A_133 : memref<1x128xi32, #tpu.memory_space<vmem>> -> memref<128xi32, #tpu.memory_space<vmem>>
    %dma_start3A_135 = arith.constant 0 : i32
    %dma_start3A_136 = arith.constant 0 : i32
    %dma_start3A_137 = tpu.memref_slice %arg17[%dma_start3A_135, %dma_start3A_136] : memref<10240x64xbf16, #tpu.memory_space<vmem_shared>> -> memref<10240x64xbf16, #tpu.memory_space<vmem_shared>>
    tpu.enqueue_indirect_dma source(%arg11 : memref<128x64xbf16, #tpu.memory_space<vmem>>) target(%dma_start3A_137 : memref<10240x64xbf16, #tpu.memory_space<vmem_shared>>) offsets(%dma_start3A_134 : memref<128xi32, #tpu.memory_space<vmem>>) semaphore(%arg28 : memref<!tpu.dma_semaphore, #tpu.memory_space<semaphore_mem>>) {add = true}
    %dma_wait3A_138 = arith.constant 155 : i32
    %dma_wait3A_139 = arith.constant 0 : i32
    %dma_wait3A_140 = tpu.memref_slice %arg7[%dma_wait3A_138, %dma_wait3A_139] : memref<160x128xi32, #tpu.memory_space<vmem>> -> memref<1x128xi32, #tpu.memory_space<vmem>>
    %dma_wait3A_141 = tpu.memref_squeeze %dma_wait3A_140 : memref<1x128xi32, #tpu.memory_space<vmem>> -> memref<128xi32, #tpu.memory_space<vmem>>
    %dma_wait3A_142 = arith.constant 0 : i32
    %dma_wait3A_143 = arith.constant 0 : i32
    %dma_wait3A_144 = tpu.memref_slice %arg2[%dma_wait3A_142, %dma_wait3A_143] : memref<20480x64xbf16, #tpu.memory_space<hbm>> -> memref<20480x64xbf16, #tpu.memory_space<hbm>>
    tpu.wait_indirect_dma semaphore(%arg21 : memref<!tpu.dma_semaphore, #tpu.memory_space<semaphore_mem>>) src(%dma_wait3A_144 : memref<20480x64xbf16, #tpu.memory_space<hbm>>) dst(%arg12 : memref<128x64xbf16, #tpu.memory_space<vmem>>)
    %dma_start3A_145 = arith.constant 155 : i32
    %dma_start3A_146 = arith.constant 0 : i32
    %dma_start3A_147 = tpu.memref_slice %arg8[%dma_start3A_145, %dma_start3A_146] : memref<160x128xi32, #tpu.memory_space<vmem>> -> memref<1x128xi32, #tpu.memory_space<vmem>>
    %dma_start3A_148 = tpu.memref_squeeze %dma_start3A_147 : memref<1x128xi32, #tpu.memory_space<vmem>> -> memref<128xi32, #tpu.memory_space<vmem>>
    %dma_start3A_149 = arith.constant 0 : i32
    %dma_start3A_150 = arith.constant 0 : i32
    %dma_start3A_151 = tpu.memref_slice %arg17[%dma_start3A_149, %dma_start3A_150] : memref<10240x64xbf16, #tpu.memory_space<vmem_shared>> -> memref<10240x64xbf16, #tpu.memory_space<vmem_shared>>
    tpu.enqueue_indirect_dma source(%arg12 : memref<128x64xbf16, #tpu.memory_space<vmem>>) target(%dma_start3A_151 : memref<10240x64xbf16, #tpu.memory_space<vmem_shared>>) offsets(%dma_start3A_148 : memref<128xi32, #tpu.memory_space<vmem>>) semaphore(%arg29 : memref<!tpu.dma_semaphore, #tpu.memory_space<semaphore_mem>>) {add = true}
    %dma_wait3A_152 = arith.constant 156 : i32
    %dma_wait3A_153 = arith.constant 0 : i32
    %dma_wait3A_154 = tpu.memref_slice %arg7[%dma_wait3A_152, %dma_wait3A_153] : memref<160x128xi32, #tpu.memory_space<vmem>> -> memref<1x128xi32, #tpu.memory_space<vmem>>
    %dma_wait3A_155 = tpu.memref_squeeze %dma_wait3A_154 : memref<1x128xi32, #tpu.memory_space<vmem>> -> memref<128xi32, #tpu.memory_space<vmem>>
    %dma_wait3A_156 = arith.constant 0 : i32
    %dma_wait3A_157 = arith.constant 0 : i32
    %dma_wait3A_158 = tpu.memref_slice %arg2[%dma_wait3A_156, %dma_wait3A_157] : memref<20480x64xbf16, #tpu.memory_space<hbm>> -> memref<20480x64xbf16, #tpu.memory_space<hbm>>
    tpu.wait_indirect_dma semaphore(%arg22 : memref<!tpu.dma_semaphore, #tpu.memory_space<semaphore_mem>>) src(%dma_wait3A_158 : memref<20480x64xbf16, #tpu.memory_space<hbm>>) dst(%arg13 : memref<128x64xbf16, #tpu.memory_space<vmem>>)
    %dma_start3A_159 = arith.constant 156 : i32
    %dma_start3A_160 = arith.constant 0 : i32
    %dma_start3A_161 = tpu.memref_slice %arg8[%dma_start3A_159, %dma_start3A_160] : memref<160x128xi32, #tpu.memory_space<vmem>> -> memref<1x128xi32, #tpu.memory_space<vmem>>
    %dma_start3A_162 = tpu.memref_squeeze %dma_start3A_161 : memref<1x128xi32, #tpu.memory_space<vmem>> -> memref<128xi32, #tpu.memory_space<vmem>>
    %dma_start3A_163 = arith.constant 0 : i32
    %dma_start3A_164 = arith.constant 0 : i32
    %dma_start3A_165 = tpu.memref_slice %arg17[%dma_start3A_163, %dma_start3A_164] : memref<10240x64xbf16, #tpu.memory_space<vmem_shared>> -> memref<10240x64xbf16, #tpu.memory_space<vmem_shared>>
    tpu.enqueue_indirect_dma source(%arg13 : memref<128x64xbf16, #tpu.memory_space<vmem>>) target(%dma_start3A_165 : memref<10240x64xbf16, #tpu.memory_space<vmem_shared>>) offsets(%dma_start3A_162 : memref<128xi32, #tpu.memory_space<vmem>>) semaphore(%arg30 : memref<!tpu.dma_semaphore, #tpu.memory_space<semaphore_mem>>) {add = true}
    %dma_wait3A_166 = arith.constant 157 : i32
    %dma_wait3A_167 = arith.constant 0 : i32
    %dma_wait3A_168 = tpu.memref_slice %arg7[%dma_wait3A_166, %dma_wait3A_167] : memref<160x128xi32, #tpu.memory_space<vmem>> -> memref<1x128xi32, #tpu.memory_space<vmem>>
    %dma_wait3A_169 = tpu.memref_squeeze %dma_wait3A_168 : memref<1x128xi32, #tpu.memory_space<vmem>> -> memref<128xi32, #tpu.memory_space<vmem>>
    %dma_wait3A_170 = arith.constant 0 : i32
    %dma_wait3A_171 = arith.constant 0 : i32
    %dma_wait3A_172 = tpu.memref_slice %arg2[%dma_wait3A_170, %dma_wait3A_171] : memref<20480x64xbf16, #tpu.memory_space<hbm>> -> memref<20480x64xbf16, #tpu.memory_space<hbm>>
    tpu.wait_indirect_dma semaphore(%arg23 : memref<!tpu.dma_semaphore, #tpu.memory_space<semaphore_mem>>) src(%dma_wait3A_172 : memref<20480x64xbf16, #tpu.memory_space<hbm>>) dst(%arg14 : memref<128x64xbf16, #tpu.memory_space<vmem>>)
    %dma_start3A_173 = arith.constant 157 : i32
    %dma_start3A_174 = arith.constant 0 : i32
    %dma_start3A_175 = tpu.memref_slice %arg8[%dma_start3A_173, %dma_start3A_174] : memref<160x128xi32, #tpu.memory_space<vmem>> -> memref<1x128xi32, #tpu.memory_space<vmem>>
    %dma_start3A_176 = tpu.memref_squeeze %dma_start3A_175 : memref<1x128xi32, #tpu.memory_space<vmem>> -> memref<128xi32, #tpu.memory_space<vmem>>
    %dma_start3A_177 = arith.constant 0 : i32
    %dma_start3A_178 = arith.constant 0 : i32
    %dma_start3A_179 = tpu.memref_slice %arg17[%dma_start3A_177, %dma_start3A_178] : memref<10240x64xbf16, #tpu.memory_space<vmem_shared>> -> memref<10240x64xbf16, #tpu.memory_space<vmem_shared>>
    tpu.enqueue_indirect_dma source(%arg14 : memref<128x64xbf16, #tpu.memory_space<vmem>>) target(%dma_start3A_179 : memref<10240x64xbf16, #tpu.memory_space<vmem_shared>>) offsets(%dma_start3A_176 : memref<128xi32, #tpu.memory_space<vmem>>) semaphore(%arg31 : memref<!tpu.dma_semaphore, #tpu.memory_space<semaphore_mem>>) {add = true}
    %dma_wait3A_180 = arith.constant 158 : i32
    %dma_wait3A_181 = arith.constant 0 : i32
    %dma_wait3A_182 = tpu.memref_slice %arg7[%dma_wait3A_180, %dma_wait3A_181] : memref<160x128xi32, #tpu.memory_space<vmem>> -> memref<1x128xi32, #tpu.memory_space<vmem>>
    %dma_wait3A_183 = tpu.memref_squeeze %dma_wait3A_182 : memref<1x128xi32, #tpu.memory_space<vmem>> -> memref<128xi32, #tpu.memory_space<vmem>>
    %dma_wait3A_184 = arith.constant 0 : i32
    %dma_wait3A_185 = arith.constant 0 : i32
    %dma_wait3A_186 = tpu.memref_slice %arg2[%dma_wait3A_184, %dma_wait3A_185] : memref<20480x64xbf16, #tpu.memory_space<hbm>> -> memref<20480x64xbf16, #tpu.memory_space<hbm>>
    tpu.wait_indirect_dma semaphore(%arg24 : memref<!tpu.dma_semaphore, #tpu.memory_space<semaphore_mem>>) src(%dma_wait3A_186 : memref<20480x64xbf16, #tpu.memory_space<hbm>>) dst(%arg15 : memref<128x64xbf16, #tpu.memory_space<vmem>>)
    %dma_start3A_187 = arith.constant 158 : i32
    %dma_start3A_188 = arith.constant 0 : i32
    %dma_start3A_189 = tpu.memref_slice %arg8[%dma_start3A_187, %dma_start3A_188] : memref<160x128xi32, #tpu.memory_space<vmem>> -> memref<1x128xi32, #tpu.memory_space<vmem>>
    %dma_start3A_190 = tpu.memref_squeeze %dma_start3A_189 : memref<1x128xi32, #tpu.memory_space<vmem>> -> memref<128xi32, #tpu.memory_space<vmem>>
    %dma_start3A_191 = arith.constant 0 : i32
    %dma_start3A_192 = arith.constant 0 : i32
    %dma_start3A_193 = tpu.memref_slice %arg17[%dma_start3A_191, %dma_start3A_192] : memref<10240x64xbf16, #tpu.memory_space<vmem_shared>> -> memref<10240x64xbf16, #tpu.memory_space<vmem_shared>>
    tpu.enqueue_indirect_dma source(%arg15 : memref<128x64xbf16, #tpu.memory_space<vmem>>) target(%dma_start3A_193 : memref<10240x64xbf16, #tpu.memory_space<vmem_shared>>) offsets(%dma_start3A_190 : memref<128xi32, #tpu.memory_space<vmem>>) semaphore(%arg32 : memref<!tpu.dma_semaphore, #tpu.memory_space<semaphore_mem>>) {add = true}
    %dma_wait3A_194 = arith.constant 159 : i32
    %dma_wait3A_195 = arith.constant 0 : i32
    %dma_wait3A_196 = tpu.memref_slice %arg7[%dma_wait3A_194, %dma_wait3A_195] : memref<160x128xi32, #tpu.memory_space<vmem>> -> memref<1x128xi32, #tpu.memory_space<vmem>>
    %dma_wait3A_197 = tpu.memref_squeeze %dma_wait3A_196 : memref<1x128xi32, #tpu.memory_space<vmem>> -> memref<128xi32, #tpu.memory_space<vmem>>
    %dma_wait3A_198 = arith.constant 0 : i32
    %dma_wait3A_199 = arith.constant 0 : i32
    %dma_wait3A_200 = tpu.memref_slice %arg2[%dma_wait3A_198, %dma_wait3A_199] : memref<20480x64xbf16, #tpu.memory_space<hbm>> -> memref<20480x64xbf16, #tpu.memory_space<hbm>>
    tpu.wait_indirect_dma semaphore(%arg25 : memref<!tpu.dma_semaphore, #tpu.memory_space<semaphore_mem>>) src(%dma_wait3A_200 : memref<20480x64xbf16, #tpu.memory_space<hbm>>) dst(%arg16 : memref<128x64xbf16, #tpu.memory_space<vmem>>)
    %dma_start3A_201 = arith.constant 159 : i32
    %dma_start3A_202 = arith.constant 0 : i32
    %dma_start3A_203 = tpu.memref_slice %arg8[%dma_start3A_201, %dma_start3A_202] : memref<160x128xi32, #tpu.memory_space<vmem>> -> memref<1x128xi32, #tpu.memory_space<vmem>>
    %dma_start3A_204 = tpu.memref_squeeze %dma_start3A_203 : memref<1x128xi32, #tpu.memory_space<vmem>> -> memref<128xi32, #tpu.memory_space<vmem>>
    %dma_start3A_205 = arith.constant 0 : i32
    %dma_start3A_206 = arith.constant 0 : i32
    %dma_start3A_207 = tpu.memref_slice %arg17[%dma_start3A_205, %dma_start3A_206] : memref<10240x64xbf16, #tpu.memory_space<vmem_shared>> -> memref<10240x64xbf16, #tpu.memory_space<vmem_shared>>
    tpu.enqueue_indirect_dma source(%arg16 : memref<128x64xbf16, #tpu.memory_space<vmem>>) target(%dma_start3A_207 : memref<10240x64xbf16, #tpu.memory_space<vmem_shared>>) offsets(%dma_start3A_204 : memref<128xi32, #tpu.memory_space<vmem>>) semaphore(%arg33 : memref<!tpu.dma_semaphore, #tpu.memory_space<semaphore_mem>>) {add = true}
    %dma_wait3A_208 = arith.constant 152 : i32
    %dma_wait3A_209 = arith.constant 0 : i32
    %dma_wait3A_210 = tpu.memref_slice %arg8[%dma_wait3A_208, %dma_wait3A_209] : memref<160x128xi32, #tpu.memory_space<vmem>> -> memref<1x128xi32, #tpu.memory_space<vmem>>
    %dma_wait3A_211 = tpu.memref_squeeze %dma_wait3A_210 : memref<1x128xi32, #tpu.memory_space<vmem>> -> memref<128xi32, #tpu.memory_space<vmem>>
    %dma_wait3A_212 = arith.constant 0 : i32
    %dma_wait3A_213 = arith.constant 0 : i32
    %dma_wait3A_214 = tpu.memref_slice %arg17[%dma_wait3A_212, %dma_wait3A_213] : memref<10240x64xbf16, #tpu.memory_space<vmem_shared>> -> memref<10240x64xbf16, #tpu.memory_space<vmem_shared>>
    tpu.wait_indirect_dma semaphore(%arg26 : memref<!tpu.dma_semaphore, #tpu.memory_space<semaphore_mem>>) src(%arg9 : memref<128x64xbf16, #tpu.memory_space<vmem>>) dst(%dma_wait3A_214 : memref<10240x64xbf16, #tpu.memory_space<vmem_shared>>)
    %dma_wait3A_215 = arith.constant 153 : i32
    %dma_wait3A_216 = arith.constant 0 : i32
    %dma_wait3A_217 = tpu.memref_slice %arg8[%dma_wait3A_215, %dma_wait3A_216] : memref<160x128xi32, #tpu.memory_space<vmem>> -> memref<1x128xi32, #tpu.memory_space<vmem>>
    %dma_wait3A_218 = tpu.memref_squeeze %dma_wait3A_217 : memref<1x128xi32, #tpu.memory_space<vmem>> -> memref<128xi32, #tpu.memory_space<vmem>>
    %dma_wait3A_219 = arith.constant 0 : i32
    %dma_wait3A_220 = arith.constant 0 : i32
    %dma_wait3A_221 = tpu.memref_slice %arg17[%dma_wait3A_219, %dma_wait3A_220] : memref<10240x64xbf16, #tpu.memory_space<vmem_shared>> -> memref<10240x64xbf16, #tpu.memory_space<vmem_shared>>
    tpu.wait_indirect_dma semaphore(%arg27 : memref<!tpu.dma_semaphore, #tpu.memory_space<semaphore_mem>>) src(%arg10 : memref<128x64xbf16, #tpu.memory_space<vmem>>) dst(%dma_wait3A_221 : memref<10240x64xbf16, #tpu.memory_space<vmem_shared>>)
    %dma_wait3A_222 = arith.constant 154 : i32
    %dma_wait3A_223 = arith.constant 0 : i32
    %dma_wait3A_224 = tpu.memref_slice %arg8[%dma_wait3A_222, %dma_wait3A_223] : memref<160x128xi32, #tpu.memory_space<vmem>> -> memref<1x128xi32, #tpu.memory_space<vmem>>
    %dma_wait3A_225 = tpu.memref_squeeze %dma_wait3A_224 : memref<1x128xi32, #tpu.memory_space<vmem>> -> memref<128xi32, #tpu.memory_space<vmem>>
    %dma_wait3A_226 = arith.constant 0 : i32
    %dma_wait3A_227 = arith.constant 0 : i32
    %dma_wait3A_228 = tpu.memref_slice %arg17[%dma_wait3A_226, %dma_wait3A_227] : memref<10240x64xbf16, #tpu.memory_space<vmem_shared>> -> memref<10240x64xbf16, #tpu.memory_space<vmem_shared>>
    tpu.wait_indirect_dma semaphore(%arg28 : memref<!tpu.dma_semaphore, #tpu.memory_space<semaphore_mem>>) src(%arg11 : memref<128x64xbf16, #tpu.memory_space<vmem>>) dst(%dma_wait3A_228 : memref<10240x64xbf16, #tpu.memory_space<vmem_shared>>)
    %dma_wait3A_229 = arith.constant 155 : i32
    %dma_wait3A_230 = arith.constant 0 : i32
    %dma_wait3A_231 = tpu.memref_slice %arg8[%dma_wait3A_229, %dma_wait3A_230] : memref<160x128xi32, #tpu.memory_space<vmem>> -> memref<1x128xi32, #tpu.memory_space<vmem>>
    %dma_wait3A_232 = tpu.memref_squeeze %dma_wait3A_231 : memref<1x128xi32, #tpu.memory_space<vmem>> -> memref<128xi32, #tpu.memory_space<vmem>>
    %dma_wait3A_233 = arith.constant 0 : i32
    %dma_wait3A_234 = arith.constant 0 : i32
    %dma_wait3A_235 = tpu.memref_slice %arg17[%dma_wait3A_233, %dma_wait3A_234] : memref<10240x64xbf16, #tpu.memory_space<vmem_shared>> -> memref<10240x64xbf16, #tpu.memory_space<vmem_shared>>
    tpu.wait_indirect_dma semaphore(%arg29 : memref<!tpu.dma_semaphore, #tpu.memory_space<semaphore_mem>>) src(%arg12 : memref<128x64xbf16, #tpu.memory_space<vmem>>) dst(%dma_wait3A_235 : memref<10240x64xbf16, #tpu.memory_space<vmem_shared>>)
    %dma_wait3A_236 = arith.constant 156 : i32
    %dma_wait3A_237 = arith.constant 0 : i32
    %dma_wait3A_238 = tpu.memref_slice %arg8[%dma_wait3A_236, %dma_wait3A_237] : memref<160x128xi32, #tpu.memory_space<vmem>> -> memref<1x128xi32, #tpu.memory_space<vmem>>
    %dma_wait3A_239 = tpu.memref_squeeze %dma_wait3A_238 : memref<1x128xi32, #tpu.memory_space<vmem>> -> memref<128xi32, #tpu.memory_space<vmem>>
    %dma_wait3A_240 = arith.constant 0 : i32
    %dma_wait3A_241 = arith.constant 0 : i32
    %dma_wait3A_242 = tpu.memref_slice %arg17[%dma_wait3A_240, %dma_wait3A_241] : memref<10240x64xbf16, #tpu.memory_space<vmem_shared>> -> memref<10240x64xbf16, #tpu.memory_space<vmem_shared>>
    tpu.wait_indirect_dma semaphore(%arg30 : memref<!tpu.dma_semaphore, #tpu.memory_space<semaphore_mem>>) src(%arg13 : memref<128x64xbf16, #tpu.memory_space<vmem>>) dst(%dma_wait3A_242 : memref<10240x64xbf16, #tpu.memory_space<vmem_shared>>)
    %dma_wait3A_243 = arith.constant 157 : i32
    %dma_wait3A_244 = arith.constant 0 : i32
    %dma_wait3A_245 = tpu.memref_slice %arg8[%dma_wait3A_243, %dma_wait3A_244] : memref<160x128xi32, #tpu.memory_space<vmem>> -> memref<1x128xi32, #tpu.memory_space<vmem>>
    %dma_wait3A_246 = tpu.memref_squeeze %dma_wait3A_245 : memref<1x128xi32, #tpu.memory_space<vmem>> -> memref<128xi32, #tpu.memory_space<vmem>>
    %dma_wait3A_247 = arith.constant 0 : i32
    %dma_wait3A_248 = arith.constant 0 : i32
    %dma_wait3A_249 = tpu.memref_slice %arg17[%dma_wait3A_247, %dma_wait3A_248] : memref<10240x64xbf16, #tpu.memory_space<vmem_shared>> -> memref<10240x64xbf16, #tpu.memory_space<vmem_shared>>
    tpu.wait_indirect_dma semaphore(%arg31 : memref<!tpu.dma_semaphore, #tpu.memory_space<semaphore_mem>>) src(%arg14 : memref<128x64xbf16, #tpu.memory_space<vmem>>) dst(%dma_wait3A_249 : memref<10240x64xbf16, #tpu.memory_space<vmem_shared>>)
    %dma_wait3A_250 = arith.constant 158 : i32
    %dma_wait3A_251 = arith.constant 0 : i32
    %dma_wait3A_252 = tpu.memref_slice %arg8[%dma_wait3A_250, %dma_wait3A_251] : memref<160x128xi32, #tpu.memory_space<vmem>> -> memref<1x128xi32, #tpu.memory_space<vmem>>
    %dma_wait3A_253 = tpu.memref_squeeze %dma_wait3A_252 : memref<1x128xi32, #tpu.memory_space<vmem>> -> memref<128xi32, #tpu.memory_space<vmem>>
    %dma_wait3A_254 = arith.constant 0 : i32
    %dma_wait3A_255 = arith.constant 0 : i32
    %dma_wait3A_256 = tpu.memref_slice %arg17[%dma_wait3A_254, %dma_wait3A_255] : memref<10240x64xbf16, #tpu.memory_space<vmem_shared>> -> memref<10240x64xbf16, #tpu.memory_space<vmem_shared>>
    tpu.wait_indirect_dma semaphore(%arg32 : memref<!tpu.dma_semaphore, #tpu.memory_space<semaphore_mem>>) src(%arg15 : memref<128x64xbf16, #tpu.memory_space<vmem>>) dst(%dma_wait3A_256 : memref<10240x64xbf16, #tpu.memory_space<vmem_shared>>)
    %dma_wait3A_257 = arith.constant 159 : i32
    %dma_wait3A_258 = arith.constant 0 : i32
    %dma_wait3A_259 = tpu.memref_slice %arg8[%dma_wait3A_257, %dma_wait3A_258] : memref<160x128xi32, #tpu.memory_space<vmem>> -> memref<1x128xi32, #tpu.memory_space<vmem>>
    %dma_wait3A_260 = tpu.memref_squeeze %dma_wait3A_259 : memref<1x128xi32, #tpu.memory_space<vmem>> -> memref<128xi32, #tpu.memory_space<vmem>>
    %dma_wait3A_261 = arith.constant 0 : i32
    %dma_wait3A_262 = arith.constant 0 : i32
    %dma_wait3A_263 = tpu.memref_slice %arg17[%dma_wait3A_261, %dma_wait3A_262] : memref<10240x64xbf16, #tpu.memory_space<vmem_shared>> -> memref<10240x64xbf16, #tpu.memory_space<vmem_shared>>
    tpu.wait_indirect_dma semaphore(%arg33 : memref<!tpu.dma_semaphore, #tpu.memory_space<semaphore_mem>>) src(%arg16 : memref<128x64xbf16, #tpu.memory_space<vmem>>) dst(%dma_wait3A_263 : memref<10240x64xbf16, #tpu.memory_space<vmem_shared>>)
    %barrier3A_264 = arith.constant 0 : index
    tpu.barrier barrier_id(%barrier3A_264)
    "tpu.region"() ({
      %run_scoped3A = tpu.sem_alloc : memref<!tpu.dma_semaphore, #tpu.memory_space<semaphore_mem>>
      %dma_start3A_265 = arith.constant 0 : i32
      %dma_start3A_266 = tpu.memref_slice %arg6[%arg0, %mul3A_0, %dma_start3A_265] : memref<2x10240x64xbf16, #tpu.memory_space<hbm>> -> memref<1x640x64xbf16, #tpu.memory_space<hbm>>
      %dma_start3A_267 = tpu.memref_squeeze %dma_start3A_266 : memref<1x640x64xbf16, #tpu.memory_space<hbm>> -> memref<640x64xbf16, #tpu.memory_space<hbm>>
      %dma_start3A_268 = arith.constant 0 : i32
      %dma_start3A_269 = tpu.memref_slice %arg17[%mul3A_0, %dma_start3A_268] : memref<10240x64xbf16, #tpu.memory_space<vmem_shared>> -> memref<640x64xbf16, #tpu.memory_space<vmem_shared>>
      tpu.enqueue_dma source(%dma_start3A_269 : memref<640x64xbf16, #tpu.memory_space<vmem_shared>>) target(%dma_start3A_267 : memref<640x64xbf16, #tpu.memory_space<hbm>>) target_semaphore(%run_scoped3A : memref<!tpu.dma_semaphore, #tpu.memory_space<semaphore_mem>>)
      %dma_wait3A_270 = arith.constant 0 : i32
      %dma_wait3A_271 = tpu.memref_slice %arg6[%arg0, %mul3A_0, %dma_wait3A_270] : memref<2x10240x64xbf16, #tpu.memory_space<hbm>> -> memref<1x640x64xbf16, #tpu.memory_space<hbm>>
      %dma_wait3A_272 = tpu.memref_squeeze %dma_wait3A_271 : memref<1x640x64xbf16, #tpu.memory_space<hbm>> -> memref<640x64xbf16, #tpu.memory_space<hbm>>
      %dma_wait3A_273 = arith.constant 0 : i32
      %dma_wait3A_274 = tpu.memref_slice %arg17[%mul3A_0, %dma_wait3A_273] : memref<10240x64xbf16, #tpu.memory_space<vmem_shared>> -> memref<640x64xbf16, #tpu.memory_space<vmem_shared>>
      tpu.wait_dma2 semaphore(%run_scoped3A : memref<!tpu.dma_semaphore, #tpu.memory_space<semaphore_mem>>) src(%dma_wait3A_274 : memref<640x64xbf16, #tpu.memory_space<vmem_shared>>) dst(%dma_wait3A_272 : memref<640x64xbf16, #tpu.memory_space<hbm>>)
      tpu.yield
    }) : () -> ()
    return
  }
}

#map = affine_map<(d0, d1) -> (0, 0)>
#map1 = affine_map<(d0, d1) -> (0)>
#map2 = affine_map<(d0, d1) -> (0, 0, 0)>
module attributes {stable_mosaic.version = 14 : i64} {
  func.func @k(%arg0: i32, %arg1: i32, %arg2: memref<2560x128xi32, #tpu.memory_space<hbm>>, %arg3: memref<10240xf32, #tpu.memory_space<hbm>>, %arg4: memref<2x1x10240xf32, #tpu.memory_space<hbm>>, %arg5: memref<80x128xi32, #tpu.memory_space<vmem>>, %arg6: memref<128xf32, #tpu.memory_space<vmem>>, %arg7: memref<10240xf32, #tpu.memory_space<vmem_shared>>, %arg8: memref<!tpu.dma_semaphore, #tpu.memory_space<semaphore_mem>>) attributes {dimension_semantics = [#tpu.dimension_semantics<core_parallel>, #tpu.dimension_semantics<subcore_parallel>], iteration_bounds = array<i64: 2, 16>, scalar_prefetch = 0 : i64, scratch_operands = 4 : i64, tpu.core_type = #tpu.core_type<sc_vector_subcore>, window_params = [{transform_indices = #map}, {transform_indices = #map1}, {transform_indices = #map2}]} {
    %mul3A = arith.constant 16 : i32
    %mul3A_0 = arith.muli %arg0, %mul3A : i32
    %add3A = arith.addi %mul3A_0, %arg1 : i32
    %mul3A_1 = arith.constant 640 : i32
    %mul3A_2 = arith.muli %arg1, %mul3A_1 : i32
    %mul3A_3 = arith.constant 640 : i32
    %mul3A_4 = arith.muli %arg1, %mul3A_3 : i32
    "tpu.region"() ({
      %run_scoped3A_63 = tpu.sem_alloc : memref<!tpu.dma_semaphore, #tpu.memory_space<semaphore_mem>>
      %dma_start3A = tpu.memref_slice %arg7[%mul3A_4] : memref<10240xf32, #tpu.memory_space<vmem_shared>> -> memref<640xf32, #tpu.memory_space<vmem_shared>>
      %dma_start3A_64 = tpu.memref_slice %arg3[%mul3A_2] : memref<10240xf32, #tpu.memory_space<hbm>> -> memref<640xf32, #tpu.memory_space<hbm>>
      tpu.enqueue_dma source(%dma_start3A_64 : memref<640xf32, #tpu.memory_space<hbm>>) target(%dma_start3A : memref<640xf32, #tpu.memory_space<vmem_shared>>) target_semaphore(%run_scoped3A_63 : memref<!tpu.dma_semaphore, #tpu.memory_space<semaphore_mem>>)
      %dma_wait3A = tpu.memref_slice %arg7[%mul3A_4] : memref<10240xf32, #tpu.memory_space<vmem_shared>> -> memref<640xf32, #tpu.memory_space<vmem_shared>>
      %dma_wait3A_65 = tpu.memref_slice %arg3[%mul3A_2] : memref<10240xf32, #tpu.memory_space<hbm>> -> memref<640xf32, #tpu.memory_space<hbm>>
      tpu.wait_dma2 semaphore(%run_scoped3A_63 : memref<!tpu.dma_semaphore, #tpu.memory_space<semaphore_mem>>) src(%dma_wait3A_65 : memref<640xf32, #tpu.memory_space<hbm>>) dst(%dma_wait3A : memref<640xf32, #tpu.memory_space<vmem_shared>>)
      tpu.yield
    }) : () -> ()
    %mul3A_5 = arith.constant 80 : i32
    %mul3A_6 = arith.muli %add3A, %mul3A_5 : i32
    "tpu.region"() ({
      %run_scoped3A_63 = tpu.sem_alloc : memref<!tpu.dma_semaphore, #tpu.memory_space<semaphore_mem>>
      %dma_start3A = arith.constant 0 : i32
      %dma_start3A_64 = tpu.memref_slice %arg2[%mul3A_6, %dma_start3A] : memref<2560x128xi32, #tpu.memory_space<hbm>> -> memref<80x128xi32, #tpu.memory_space<hbm>>
      %dma_start3A_65 = arith.constant 0 : i32
      %dma_start3A_66 = tpu.memref_slice %arg2[%mul3A_6, %dma_start3A_65] : memref<2560x128xi32, #tpu.memory_space<hbm>> -> memref<80x128xi32, #tpu.memory_space<hbm>>
      tpu.enqueue_dma source(%dma_start3A_66 : memref<80x128xi32, #tpu.memory_space<hbm>>) target(%arg5 : memref<80x128xi32, #tpu.memory_space<vmem>>) target_semaphore(%run_scoped3A_63 : memref<!tpu.dma_semaphore, #tpu.memory_space<semaphore_mem>>)
      %dma_wait3A = arith.constant 0 : i32
      %dma_wait3A_67 = tpu.memref_slice %arg2[%mul3A_6, %dma_wait3A] : memref<2560x128xi32, #tpu.memory_space<hbm>> -> memref<80x128xi32, #tpu.memory_space<hbm>>
      %dma_wait3A_68 = arith.constant 0 : i32
      %dma_wait3A_69 = tpu.memref_slice %arg2[%mul3A_6, %dma_wait3A_68] : memref<2560x128xi32, #tpu.memory_space<hbm>> -> memref<80x128xi32, #tpu.memory_space<hbm>>
      tpu.wait_dma2 semaphore(%run_scoped3A_63 : memref<!tpu.dma_semaphore, #tpu.memory_space<semaphore_mem>>) src(%dma_wait3A_69 : memref<80x128xi32, #tpu.memory_space<hbm>>) dst(%arg5 : memref<80x128xi32, #tpu.memory_space<vmem>>)
      tpu.yield
    }) : () -> ()
    %broadcast_in_dim3A = arith.constant 1.000000e+00 : f32
    %broadcast_in_dim3A_7 = vector.broadcast %broadcast_in_dim3A : f32 to vector<16xf32>
    %swap3A = arith.constant 0 : index
    %swap3A_8 = tpu.vector_load %arg6[%swap3A] {strides = array<i32>} : memref<128xf32, #tpu.memory_space<vmem>>, vector<16xf32>,
    %swap3A_9 = vector.shape_cast %swap3A_8 : vector<16xf32> to vector<16xf32>
    %swap3A_10 = vector.shape_cast %broadcast_in_dim3A_7 : vector<16xf32> to vector<16xf32>
    tpu.vector_store %arg6[%swap3A], %swap3A_10 {strides = array<i32>} : memref<128xf32, #tpu.memory_space<vmem>>, vector<16xf32>,
    %broadcast_in_dim3A_11 = arith.constant 1.000000e+00 : f32
    %broadcast_in_dim3A_12 = vector.broadcast %broadcast_in_dim3A_11 : f32 to vector<16xf32>
    %swap3A_13 = arith.constant 16 : index
    %swap3A_14 = tpu.vector_load %arg6[%swap3A_13] {strides = array<i32>} : memref<128xf32, #tpu.memory_space<vmem>>, vector<16xf32>,
    %swap3A_15 = vector.shape_cast %swap3A_14 : vector<16xf32> to vector<16xf32>
    %swap3A_16 = vector.shape_cast %broadcast_in_dim3A_12 : vector<16xf32> to vector<16xf32>
    tpu.vector_store %arg6[%swap3A_13], %swap3A_16 {strides = array<i32>} : memref<128xf32, #tpu.memory_space<vmem>>, vector<16xf32>,
    %broadcast_in_dim3A_17 = arith.constant 1.000000e+00 : f32
    %broadcast_in_dim3A_18 = vector.broadcast %broadcast_in_dim3A_17 : f32 to vector<16xf32>
    %swap3A_19 = arith.constant 32 : index
    %swap3A_20 = tpu.vector_load %arg6[%swap3A_19] {strides = array<i32>} : memref<128xf32, #tpu.memory_space<vmem>>, vector<16xf32>,
    %swap3A_21 = vector.shape_cast %swap3A_20 : vector<16xf32> to vector<16xf32>
    %swap3A_22 = vector.shape_cast %broadcast_in_dim3A_18 : vector<16xf32> to vector<16xf32>
    tpu.vector_store %arg6[%swap3A_19], %swap3A_22 {strides = array<i32>} : memref<128xf32, #tpu.memory_space<vmem>>, vector<16xf32>,
    %broadcast_in_dim3A_23 = arith.constant 1.000000e+00 : f32
    %broadcast_in_dim3A_24 = vector.broadcast %broadcast_in_dim3A_23 : f32 to vector<16xf32>
    %swap3A_25 = arith.constant 48 : index
    %swap3A_26 = tpu.vector_load %arg6[%swap3A_25] {strides = array<i32>} : memref<128xf32, #tpu.memory_space<vmem>>, vector<16xf32>,
    %swap3A_27 = vector.shape_cast %swap3A_26 : vector<16xf32> to vector<16xf32>
    %swap3A_28 = vector.shape_cast %broadcast_in_dim3A_24 : vector<16xf32> to vector<16xf32>
    tpu.vector_store %arg6[%swap3A_25], %swap3A_28 {strides = array<i32>} : memref<128xf32, #tpu.memory_space<vmem>>, vector<16xf32>,
    %broadcast_in_dim3A_29 = arith.constant 1.000000e+00 : f32
    %broadcast_in_dim3A_30 = vector.broadcast %broadcast_in_dim3A_29 : f32 to vector<16xf32>
    %swap3A_31 = arith.constant 64 : index
    %swap3A_32 = tpu.vector_load %arg6[%swap3A_31] {strides = array<i32>} : memref<128xf32, #tpu.memory_space<vmem>>, vector<16xf32>,
    %swap3A_33 = vector.shape_cast %swap3A_32 : vector<16xf32> to vector<16xf32>
    %swap3A_34 = vector.shape_cast %broadcast_in_dim3A_30 : vector<16xf32> to vector<16xf32>
    tpu.vector_store %arg6[%swap3A_31], %swap3A_34 {strides = array<i32>} : memref<128xf32, #tpu.memory_space<vmem>>, vector<16xf32>,
    %broadcast_in_dim3A_35 = arith.constant 1.000000e+00 : f32
    %broadcast_in_dim3A_36 = vector.broadcast %broadcast_in_dim3A_35 : f32 to vector<16xf32>
    %swap3A_37 = arith.constant 80 : index
    %swap3A_38 = tpu.vector_load %arg6[%swap3A_37] {strides = array<i32>} : memref<128xf32, #tpu.memory_space<vmem>>, vector<16xf32>,
    %swap3A_39 = vector.shape_cast %swap3A_38 : vector<16xf32> to vector<16xf32>
    %swap3A_40 = vector.shape_cast %broadcast_in_dim3A_36 : vector<16xf32> to vector<16xf32>
    tpu.vector_store %arg6[%swap3A_37], %swap3A_40 {strides = array<i32>} : memref<128xf32, #tpu.memory_space<vmem>>, vector<16xf32>,
    %broadcast_in_dim3A_41 = arith.constant 1.000000e+00 : f32
    %broadcast_in_dim3A_42 = vector.broadcast %broadcast_in_dim3A_41 : f32 to vector<16xf32>
    %swap3A_43 = arith.constant 96 : index
    %swap3A_44 = tpu.vector_load %arg6[%swap3A_43] {strides = array<i32>} : memref<128xf32, #tpu.memory_space<vmem>>, vector<16xf32>,
    %swap3A_45 = vector.shape_cast %swap3A_44 : vector<16xf32> to vector<16xf32>
    %swap3A_46 = vector.shape_cast %broadcast_in_dim3A_42 : vector<16xf32> to vector<16xf32>
    tpu.vector_store %arg6[%swap3A_43], %swap3A_46 {strides = array<i32>} : memref<128xf32, #tpu.memory_space<vmem>>, vector<16xf32>,
    %broadcast_in_dim3A_47 = arith.constant 1.000000e+00 : f32
    %broadcast_in_dim3A_48 = vector.broadcast %broadcast_in_dim3A_47 : f32 to vector<16xf32>
    %swap3A_49 = arith.constant 112 : index
    %swap3A_50 = tpu.vector_load %arg6[%swap3A_49] {strides = array<i32>} : memref<128xf32, #tpu.memory_space<vmem>>, vector<16xf32>,
    %swap3A_51 = vector.shape_cast %swap3A_50 : vector<16xf32> to vector<16xf32>
    %swap3A_52 = vector.shape_cast %broadcast_in_dim3A_48 : vector<16xf32> to vector<16xf32>
    tpu.vector_store %arg6[%swap3A_49], %swap3A_52 {strides = array<i32>} : memref<128xf32, #tpu.memory_space<vmem>>, vector<16xf32>,
    %barrier3A = arith.constant 0 : index
    tpu.barrier barrier_id(%barrier3A)
    %scan3A = arith.constant 0 : i32
    %scan3A_53 = arith.constant 0 : i32
    %scan3A_54 = arith.constant 10 : i32
    %scan3A_55 = arith.addi %scan3A_53, %scan3A_54 : i32
    %scan3A_56 = arith.constant 1 : i32
    scf.for %scan3A_63 = %scan3A_53 to %scan3A_55 step %scan3A_56  : i32 {
      %mul3A_64 = arith.constant 8 : i32
      %mul3A_65 = arith.muli %mul3A_64, %scan3A_63 : i32
      %add3A_66 = arith.constant 0 : i32
      %add3A_67 = arith.addi %mul3A_65, %add3A_66 : i32
      %dma_start3A = arith.constant 0 : i32
      %dma_start3A_68 = tpu.memref_slice %arg5[%add3A_67, %dma_start3A] : memref<80x128xi32, #tpu.memory_space<vmem>> -> memref<1x128xi32, #tpu.memory_space<vmem>>
      %dma_start3A_69 = tpu.memref_squeeze %dma_start3A_68 : memref<1x128xi32, #tpu.memory_space<vmem>> -> memref<128xi32, #tpu.memory_space<vmem>>
      %dma_start3A_70 = arith.constant 0 : i32
      %dma_start3A_71 = tpu.memref_slice %arg7[%dma_start3A_70] : memref<10240xf32, #tpu.memory_space<vmem_shared>> -> memref<10240xf32, #tpu.memory_space<vmem_shared>>
      tpu.enqueue_indirect_dma source(%arg6 : memref<128xf32, #tpu.memory_space<vmem>>) target(%dma_start3A_71 : memref<10240xf32, #tpu.memory_space<vmem_shared>>) offsets(%dma_start3A_69 : memref<128xi32, #tpu.memory_space<vmem>>) semaphore(%arg8 : memref<!tpu.dma_semaphore, #tpu.memory_space<semaphore_mem>>) {add = true}
      %add3A_72 = arith.constant 1 : i32
      %add3A_73 = arith.addi %mul3A_65, %add3A_72 : i32
      %dma_start3A_74 = arith.constant 0 : i32
      %dma_start3A_75 = tpu.memref_slice %arg5[%add3A_73, %dma_start3A_74] : memref<80x128xi32, #tpu.memory_space<vmem>> -> memref<1x128xi32, #tpu.memory_space<vmem>>
      %dma_start3A_76 = tpu.memref_squeeze %dma_start3A_75 : memref<1x128xi32, #tpu.memory_space<vmem>> -> memref<128xi32, #tpu.memory_space<vmem>>
      %dma_start3A_77 = arith.constant 0 : i32
      %dma_start3A_78 = tpu.memref_slice %arg7[%dma_start3A_77] : memref<10240xf32, #tpu.memory_space<vmem_shared>> -> memref<10240xf32, #tpu.memory_space<vmem_shared>>
      tpu.enqueue_indirect_dma source(%arg6 : memref<128xf32, #tpu.memory_space<vmem>>) target(%dma_start3A_78 : memref<10240xf32, #tpu.memory_space<vmem_shared>>) offsets(%dma_start3A_76 : memref<128xi32, #tpu.memory_space<vmem>>) semaphore(%arg8 : memref<!tpu.dma_semaphore, #tpu.memory_space<semaphore_mem>>) {add = true}
      %add3A_79 = arith.constant 2 : i32
      %add3A_80 = arith.addi %mul3A_65, %add3A_79 : i32
      %dma_start3A_81 = arith.constant 0 : i32
      %dma_start3A_82 = tpu.memref_slice %arg5[%add3A_80, %dma_start3A_81] : memref<80x128xi32, #tpu.memory_space<vmem>> -> memref<1x128xi32, #tpu.memory_space<vmem>>
      %dma_start3A_83 = tpu.memref_squeeze %dma_start3A_82 : memref<1x128xi32, #tpu.memory_space<vmem>> -> memref<128xi32, #tpu.memory_space<vmem>>
      %dma_start3A_84 = arith.constant 0 : i32
      %dma_start3A_85 = tpu.memref_slice %arg7[%dma_start3A_84] : memref<10240xf32, #tpu.memory_space<vmem_shared>> -> memref<10240xf32, #tpu.memory_space<vmem_shared>>
      tpu.enqueue_indirect_dma source(%arg6 : memref<128xf32, #tpu.memory_space<vmem>>) target(%dma_start3A_85 : memref<10240xf32, #tpu.memory_space<vmem_shared>>) offsets(%dma_start3A_83 : memref<128xi32, #tpu.memory_space<vmem>>) semaphore(%arg8 : memref<!tpu.dma_semaphore, #tpu.memory_space<semaphore_mem>>) {add = true}
      %add3A_86 = arith.constant 3 : i32
      %add3A_87 = arith.addi %mul3A_65, %add3A_86 : i32
      %dma_start3A_88 = arith.constant 0 : i32
      %dma_start3A_89 = tpu.memref_slice %arg5[%add3A_87, %dma_start3A_88] : memref<80x128xi32, #tpu.memory_space<vmem>> -> memref<1x128xi32, #tpu.memory_space<vmem>>
      %dma_start3A_90 = tpu.memref_squeeze %dma_start3A_89 : memref<1x128xi32, #tpu.memory_space<vmem>> -> memref<128xi32, #tpu.memory_space<vmem>>
      %dma_start3A_91 = arith.constant 0 : i32
      %dma_start3A_92 = tpu.memref_slice %arg7[%dma_start3A_91] : memref<10240xf32, #tpu.memory_space<vmem_shared>> -> memref<10240xf32, #tpu.memory_space<vmem_shared>>
      tpu.enqueue_indirect_dma source(%arg6 : memref<128xf32, #tpu.memory_space<vmem>>) target(%dma_start3A_92 : memref<10240xf32, #tpu.memory_space<vmem_shared>>) offsets(%dma_start3A_90 : memref<128xi32, #tpu.memory_space<vmem>>) semaphore(%arg8 : memref<!tpu.dma_semaphore, #tpu.memory_space<semaphore_mem>>) {add = true}
      %add3A_93 = arith.constant 4 : i32
      %add3A_94 = arith.addi %mul3A_65, %add3A_93 : i32
      %dma_start3A_95 = arith.constant 0 : i32
      %dma_start3A_96 = tpu.memref_slice %arg5[%add3A_94, %dma_start3A_95] : memref<80x128xi32, #tpu.memory_space<vmem>> -> memref<1x128xi32, #tpu.memory_space<vmem>>
      %dma_start3A_97 = tpu.memref_squeeze %dma_start3A_96 : memref<1x128xi32, #tpu.memory_space<vmem>> -> memref<128xi32, #tpu.memory_space<vmem>>
      %dma_start3A_98 = arith.constant 0 : i32
      %dma_start3A_99 = tpu.memref_slice %arg7[%dma_start3A_98] : memref<10240xf32, #tpu.memory_space<vmem_shared>> -> memref<10240xf32, #tpu.memory_space<vmem_shared>>
      tpu.enqueue_indirect_dma source(%arg6 : memref<128xf32, #tpu.memory_space<vmem>>) target(%dma_start3A_99 : memref<10240xf32, #tpu.memory_space<vmem_shared>>) offsets(%dma_start3A_97 : memref<128xi32, #tpu.memory_space<vmem>>) semaphore(%arg8 : memref<!tpu.dma_semaphore, #tpu.memory_space<semaphore_mem>>) {add = true}
      %add3A_100 = arith.constant 5 : i32
      %add3A_101 = arith.addi %mul3A_65, %add3A_100 : i32
      %dma_start3A_102 = arith.constant 0 : i32
      %dma_start3A_103 = tpu.memref_slice %arg5[%add3A_101, %dma_start3A_102] : memref<80x128xi32, #tpu.memory_space<vmem>> -> memref<1x128xi32, #tpu.memory_space<vmem>>
      %dma_start3A_104 = tpu.memref_squeeze %dma_start3A_103 : memref<1x128xi32, #tpu.memory_space<vmem>> -> memref<128xi32, #tpu.memory_space<vmem>>
      %dma_start3A_105 = arith.constant 0 : i32
      %dma_start3A_106 = tpu.memref_slice %arg7[%dma_start3A_105] : memref<10240xf32, #tpu.memory_space<vmem_shared>> -> memref<10240xf32, #tpu.memory_space<vmem_shared>>
      tpu.enqueue_indirect_dma source(%arg6 : memref<128xf32, #tpu.memory_space<vmem>>) target(%dma_start3A_106 : memref<10240xf32, #tpu.memory_space<vmem_shared>>) offsets(%dma_start3A_104 : memref<128xi32, #tpu.memory_space<vmem>>) semaphore(%arg8 : memref<!tpu.dma_semaphore, #tpu.memory_space<semaphore_mem>>) {add = true}
      %add3A_107 = arith.constant 6 : i32
      %add3A_108 = arith.addi %mul3A_65, %add3A_107 : i32
      %dma_start3A_109 = arith.constant 0 : i32
      %dma_start3A_110 = tpu.memref_slice %arg5[%add3A_108, %dma_start3A_109] : memref<80x128xi32, #tpu.memory_space<vmem>> -> memref<1x128xi32, #tpu.memory_space<vmem>>
      %dma_start3A_111 = tpu.memref_squeeze %dma_start3A_110 : memref<1x128xi32, #tpu.memory_space<vmem>> -> memref<128xi32, #tpu.memory_space<vmem>>
      %dma_start3A_112 = arith.constant 0 : i32
      %dma_start3A_113 = tpu.memref_slice %arg7[%dma_start3A_112] : memref<10240xf32, #tpu.memory_space<vmem_shared>> -> memref<10240xf32, #tpu.memory_space<vmem_shared>>
      tpu.enqueue_indirect_dma source(%arg6 : memref<128xf32, #tpu.memory_space<vmem>>) target(%dma_start3A_113 : memref<10240xf32, #tpu.memory_space<vmem_shared>>) offsets(%dma_start3A_111 : memref<128xi32, #tpu.memory_space<vmem>>) semaphore(%arg8 : memref<!tpu.dma_semaphore, #tpu.memory_space<semaphore_mem>>) {add = true}
      %add3A_114 = arith.constant 7 : i32
      %add3A_115 = arith.addi %mul3A_65, %add3A_114 : i32
      %dma_start3A_116 = arith.constant 0 : i32
      %dma_start3A_117 = tpu.memref_slice %arg5[%add3A_115, %dma_start3A_116] : memref<80x128xi32, #tpu.memory_space<vmem>> -> memref<1x128xi32, #tpu.memory_space<vmem>>
      %dma_start3A_118 = tpu.memref_squeeze %dma_start3A_117 : memref<1x128xi32, #tpu.memory_space<vmem>> -> memref<128xi32, #tpu.memory_space<vmem>>
      %dma_start3A_119 = arith.constant 0 : i32
      %dma_start3A_120 = tpu.memref_slice %arg7[%dma_start3A_119] : memref<10240xf32, #tpu.memory_space<vmem_shared>> -> memref<10240xf32, #tpu.memory_space<vmem_shared>>
      tpu.enqueue_indirect_dma source(%arg6 : memref<128xf32, #tpu.memory_space<vmem>>) target(%dma_start3A_120 : memref<10240xf32, #tpu.memory_space<vmem_shared>>) offsets(%dma_start3A_118 : memref<128xi32, #tpu.memory_space<vmem>>) semaphore(%arg8 : memref<!tpu.dma_semaphore, #tpu.memory_space<semaphore_mem>>) {add = true}
      %add3A_121 = arith.constant 0 : i32
      %add3A_122 = arith.addi %mul3A_65, %add3A_121 : i32
      %dma_wait3A = arith.constant 0 : i32
      %dma_wait3A_123 = tpu.memref_slice %arg5[%add3A_122, %dma_wait3A] : memref<80x128xi32, #tpu.memory_space<vmem>> -> memref<1x128xi32, #tpu.memory_space<vmem>>
      %dma_wait3A_124 = tpu.memref_squeeze %dma_wait3A_123 : memref<1x128xi32, #tpu.memory_space<vmem>> -> memref<128xi32, #tpu.memory_space<vmem>>
      %dma_wait3A_125 = arith.constant 0 : i32
      %dma_wait3A_126 = tpu.memref_slice %arg7[%dma_wait3A_125] : memref<10240xf32, #tpu.memory_space<vmem_shared>> -> memref<10240xf32, #tpu.memory_space<vmem_shared>>
      tpu.wait_indirect_dma semaphore(%arg8 : memref<!tpu.dma_semaphore, #tpu.memory_space<semaphore_mem>>) src(%arg6 : memref<128xf32, #tpu.memory_space<vmem>>) dst(%dma_wait3A_126 : memref<10240xf32, #tpu.memory_space<vmem_shared>>)
      %add3A_127 = arith.constant 1 : i32
      %add3A_128 = arith.addi %mul3A_65, %add3A_127 : i32
      %dma_wait3A_129 = arith.constant 0 : i32
      %dma_wait3A_130 = tpu.memref_slice %arg5[%add3A_128, %dma_wait3A_129] : memref<80x128xi32, #tpu.memory_space<vmem>> -> memref<1x128xi32, #tpu.memory_space<vmem>>
      %dma_wait3A_131 = tpu.memref_squeeze %dma_wait3A_130 : memref<1x128xi32, #tpu.memory_space<vmem>> -> memref<128xi32, #tpu.memory_space<vmem>>
      %dma_wait3A_132 = arith.constant 0 : i32
      %dma_wait3A_133 = tpu.memref_slice %arg7[%dma_wait3A_132] : memref<10240xf32, #tpu.memory_space<vmem_shared>> -> memref<10240xf32, #tpu.memory_space<vmem_shared>>
      tpu.wait_indirect_dma semaphore(%arg8 : memref<!tpu.dma_semaphore, #tpu.memory_space<semaphore_mem>>) src(%arg6 : memref<128xf32, #tpu.memory_space<vmem>>) dst(%dma_wait3A_133 : memref<10240xf32, #tpu.memory_space<vmem_shared>>)
      %add3A_134 = arith.constant 2 : i32
      %add3A_135 = arith.addi %mul3A_65, %add3A_134 : i32
      %dma_wait3A_136 = arith.constant 0 : i32
      %dma_wait3A_137 = tpu.memref_slice %arg5[%add3A_135, %dma_wait3A_136] : memref<80x128xi32, #tpu.memory_space<vmem>> -> memref<1x128xi32, #tpu.memory_space<vmem>>
      %dma_wait3A_138 = tpu.memref_squeeze %dma_wait3A_137 : memref<1x128xi32, #tpu.memory_space<vmem>> -> memref<128xi32, #tpu.memory_space<vmem>>
      %dma_wait3A_139 = arith.constant 0 : i32
      %dma_wait3A_140 = tpu.memref_slice %arg7[%dma_wait3A_139] : memref<10240xf32, #tpu.memory_space<vmem_shared>> -> memref<10240xf32, #tpu.memory_space<vmem_shared>>
      tpu.wait_indirect_dma semaphore(%arg8 : memref<!tpu.dma_semaphore, #tpu.memory_space<semaphore_mem>>) src(%arg6 : memref<128xf32, #tpu.memory_space<vmem>>) dst(%dma_wait3A_140 : memref<10240xf32, #tpu.memory_space<vmem_shared>>)
      %add3A_141 = arith.constant 3 : i32
      %add3A_142 = arith.addi %mul3A_65, %add3A_141 : i32
      %dma_wait3A_143 = arith.constant 0 : i32
      %dma_wait3A_144 = tpu.memref_slice %arg5[%add3A_142, %dma_wait3A_143] : memref<80x128xi32, #tpu.memory_space<vmem>> -> memref<1x128xi32, #tpu.memory_space<vmem>>
      %dma_wait3A_145 = tpu.memref_squeeze %dma_wait3A_144 : memref<1x128xi32, #tpu.memory_space<vmem>> -> memref<128xi32, #tpu.memory_space<vmem>>
      %dma_wait3A_146 = arith.constant 0 : i32
      %dma_wait3A_147 = tpu.memref_slice %arg7[%dma_wait3A_146] : memref<10240xf32, #tpu.memory_space<vmem_shared>> -> memref<10240xf32, #tpu.memory_space<vmem_shared>>
      tpu.wait_indirect_dma semaphore(%arg8 : memref<!tpu.dma_semaphore, #tpu.memory_space<semaphore_mem>>) src(%arg6 : memref<128xf32, #tpu.memory_space<vmem>>) dst(%dma_wait3A_147 : memref<10240xf32, #tpu.memory_space<vmem_shared>>)
      %add3A_148 = arith.constant 4 : i32
      %add3A_149 = arith.addi %mul3A_65, %add3A_148 : i32
      %dma_wait3A_150 = arith.constant 0 : i32
      %dma_wait3A_151 = tpu.memref_slice %arg5[%add3A_149, %dma_wait3A_150] : memref<80x128xi32, #tpu.memory_space<vmem>> -> memref<1x128xi32, #tpu.memory_space<vmem>>
      %dma_wait3A_152 = tpu.memref_squeeze %dma_wait3A_151 : memref<1x128xi32, #tpu.memory_space<vmem>> -> memref<128xi32, #tpu.memory_space<vmem>>
      %dma_wait3A_153 = arith.constant 0 : i32
      %dma_wait3A_154 = tpu.memref_slice %arg7[%dma_wait3A_153] : memref<10240xf32, #tpu.memory_space<vmem_shared>> -> memref<10240xf32, #tpu.memory_space<vmem_shared>>
      tpu.wait_indirect_dma semaphore(%arg8 : memref<!tpu.dma_semaphore, #tpu.memory_space<semaphore_mem>>) src(%arg6 : memref<128xf32, #tpu.memory_space<vmem>>) dst(%dma_wait3A_154 : memref<10240xf32, #tpu.memory_space<vmem_shared>>)
      %add3A_155 = arith.constant 5 : i32
      %add3A_156 = arith.addi %mul3A_65, %add3A_155 : i32
      %dma_wait3A_157 = arith.constant 0 : i32
      %dma_wait3A_158 = tpu.memref_slice %arg5[%add3A_156, %dma_wait3A_157] : memref<80x128xi32, #tpu.memory_space<vmem>> -> memref<1x128xi32, #tpu.memory_space<vmem>>
      %dma_wait3A_159 = tpu.memref_squeeze %dma_wait3A_158 : memref<1x128xi32, #tpu.memory_space<vmem>> -> memref<128xi32, #tpu.memory_space<vmem>>
      %dma_wait3A_160 = arith.constant 0 : i32
      %dma_wait3A_161 = tpu.memref_slice %arg7[%dma_wait3A_160] : memref<10240xf32, #tpu.memory_space<vmem_shared>> -> memref<10240xf32, #tpu.memory_space<vmem_shared>>
      tpu.wait_indirect_dma semaphore(%arg8 : memref<!tpu.dma_semaphore, #tpu.memory_space<semaphore_mem>>) src(%arg6 : memref<128xf32, #tpu.memory_space<vmem>>) dst(%dma_wait3A_161 : memref<10240xf32, #tpu.memory_space<vmem_shared>>)
      %add3A_162 = arith.constant 6 : i32
      %add3A_163 = arith.addi %mul3A_65, %add3A_162 : i32
      %dma_wait3A_164 = arith.constant 0 : i32
      %dma_wait3A_165 = tpu.memref_slice %arg5[%add3A_163, %dma_wait3A_164] : memref<80x128xi32, #tpu.memory_space<vmem>> -> memref<1x128xi32, #tpu.memory_space<vmem>>
      %dma_wait3A_166 = tpu.memref_squeeze %dma_wait3A_165 : memref<1x128xi32, #tpu.memory_space<vmem>> -> memref<128xi32, #tpu.memory_space<vmem>>
      %dma_wait3A_167 = arith.constant 0 : i32
      %dma_wait3A_168 = tpu.memref_slice %arg7[%dma_wait3A_167] : memref<10240xf32, #tpu.memory_space<vmem_shared>> -> memref<10240xf32, #tpu.memory_space<vmem_shared>>
      tpu.wait_indirect_dma semaphore(%arg8 : memref<!tpu.dma_semaphore, #tpu.memory_space<semaphore_mem>>) src(%arg6 : memref<128xf32, #tpu.memory_space<vmem>>) dst(%dma_wait3A_168 : memref<10240xf32, #tpu.memory_space<vmem_shared>>)
      %add3A_169 = arith.constant 7 : i32
      %add3A_170 = arith.addi %mul3A_65, %add3A_169 : i32
      %dma_wait3A_171 = arith.constant 0 : i32
      %dma_wait3A_172 = tpu.memref_slice %arg5[%add3A_170, %dma_wait3A_171] : memref<80x128xi32, #tpu.memory_space<vmem>> -> memref<1x128xi32, #tpu.memory_space<vmem>>
      %dma_wait3A_173 = tpu.memref_squeeze %dma_wait3A_172 : memref<1x128xi32, #tpu.memory_space<vmem>> -> memref<128xi32, #tpu.memory_space<vmem>>
      %dma_wait3A_174 = arith.constant 0 : i32
      %dma_wait3A_175 = tpu.memref_slice %arg7[%dma_wait3A_174] : memref<10240xf32, #tpu.memory_space<vmem_shared>> -> memref<10240xf32, #tpu.memory_space<vmem_shared>>
      tpu.wait_indirect_dma semaphore(%arg8 : memref<!tpu.dma_semaphore, #tpu.memory_space<semaphore_mem>>) src(%arg6 : memref<128xf32, #tpu.memory_space<vmem>>) dst(%dma_wait3A_175 : memref<10240xf32, #tpu.memory_space<vmem_shared>>)
    }
    %scan3A_57 = arith.constant 10 : i32
    %barrier3A_58 = arith.constant 0 : index
    tpu.barrier barrier_id(%barrier3A_58)
    %mul3A_59 = arith.constant 640 : i32
    %mul3A_60 = arith.muli %arg1, %mul3A_59 : i32
    %mul3A_61 = arith.constant 640 : i32
    %mul3A_62 = arith.muli %arg1, %mul3A_61 : i32
    %run_scoped3A = arith.constant 0 : i32
    "tpu.region"() ({
      %run_scoped3A_63 = tpu.sem_alloc : memref<!tpu.dma_semaphore, #tpu.memory_space<semaphore_mem>>
      %dma_start3A = tpu.memref_slice %arg4[%arg0, %run_scoped3A, %mul3A_62] : memref<2x1x10240xf32, #tpu.memory_space<hbm>> -> memref<1x1x640xf32, #tpu.memory_space<hbm>>
      %dma_start3A_64 = tpu.memref_squeeze %dma_start3A : memref<1x1x640xf32, #tpu.memory_space<hbm>> -> memref<640xf32, #tpu.memory_space<hbm>>
      %dma_start3A_65 = tpu.memref_slice %arg7[%mul3A_60] : memref<10240xf32, #tpu.memory_space<vmem_shared>> -> memref<640xf32, #tpu.memory_space<vmem_shared>>
      tpu.enqueue_dma source(%dma_start3A_65 : memref<640xf32, #tpu.memory_space<vmem_shared>>) target(%dma_start3A_64 : memref<640xf32, #tpu.memory_space<hbm>>) target_semaphore(%run_scoped3A_63 : memref<!tpu.dma_semaphore, #tpu.memory_space<semaphore_mem>>)
      %dma_wait3A = tpu.memref_slice %arg4[%arg0, %run_scoped3A, %mul3A_62] : memref<2x1x10240xf32, #tpu.memory_space<hbm>> -> memref<1x1x640xf32, #tpu.memory_space<hbm>>
      %dma_wait3A_66 = tpu.memref_squeeze %dma_wait3A : memref<1x1x640xf32, #tpu.memory_space<hbm>> -> memref<640xf32, #tpu.memory_space<hbm>>
      %dma_wait3A_67 = tpu.memref_slice %arg7[%mul3A_60] : memref<10240xf32, #tpu.memory_space<vmem_shared>> -> memref<640xf32, #tpu.memory_space<vmem_shared>>
      tpu.wait_dma2 semaphore(%run_scoped3A_63 : memref<!tpu.dma_semaphore, #tpu.memory_space<semaphore_mem>>) src(%dma_wait3A_67 : memref<640xf32, #tpu.memory_space<vmem_shared>>) dst(%dma_wait3A_66 : memref<640xf32, #tpu.memory_space<hbm>>)
      tpu.yield
    }) : () -> ()
    return
  }
}

module attributes {stable_mosaic.version = 14 : i64} {
  func.func @body(%arg0: i32, %arg1: memref<5120x128xf32, #tpu.memory_space<vmem>>, %arg2: memref<128x128xf32, #tpu.memory_space<vmem>>, %arg3: memref<2x1x5120xf32, #tpu.memory_space<vmem>>, %arg4: memref<2x5120x64xbf16, #tpu.memory_space<vmem>>) attributes {dimension_semantics = [#tpu.dimension_semantics<arbitrary>], iteration_bounds = array<i64: 2>, scalar_prefetch = 0 : i64, scratch_operands = 0 : i64, tpu.core_type = #tpu.core_type<tc>, window_params = [{transform_indices = @transform_0, window_bounds = array<i64: 5120, 128>}, {pipeline_mode = #tpu.pipeline_mode<synchronous>, transform_indices = @transform_1, window_bounds = array<i64: 128, 128>}, {transform_indices = @transform_2, window_bounds = array<i64: 2, 1, 5120>}, {transform_indices = @transform_3, window_bounds = array<i64: 2, 5120, 64>}]} {
    %get3A = arith.constant 0 : index
    %get3A_0 = arith.constant 0 : index
    %get3A_1 = arith.constant 0 : index
    %get3A_2 = vector.load %arg3[%get3A, %get3A_0, %get3A_1] : memref<2x1x5120xf32, #tpu.memory_space<vmem>>, vector<1x1x5120xf32>
    %get3A_3 = vector.shape_cast %get3A_2 : vector<1x1x5120xf32> to vector<5120xf32>
    %get3A_4 = arith.constant 1 : index
    %get3A_5 = arith.constant 0 : index
    %get3A_6 = arith.constant 0 : index
    %get3A_7 = vector.load %arg3[%get3A_4, %get3A_5, %get3A_6] : memref<2x1x5120xf32, #tpu.memory_space<vmem>>, vector<1x1x5120xf32>
    %get3A_8 = vector.shape_cast %get3A_7 : vector<1x1x5120xf32> to vector<5120xf32>
    %add3A = arith.addf %get3A_3, %get3A_8 : vector<5120xf32>
    %add3A_9 = arith.constant 1.000000e+00 : f32
    %add3A_10 = vector.broadcast %add3A_9 : f32 to vector<5120xf32>
    %add3A_11 = arith.addf %add3A, %add3A_10 : vector<5120xf32>
    %rsqrt3A = math.rsqrt %add3A_11 : vector<5120xf32>
    %get3A_12 = arith.constant 0 : index
    %get3A_13 = arith.constant 0 : index
    %get3A_14 = vector.load %arg1[%get3A_12, %get3A_13] : memref<5120x128xf32, #tpu.memory_space<vmem>>, vector<5120x128xf32>
    %get3A_15 = arith.constant 0 : index
    %get3A_16 = arith.constant 0 : index
    %get3A_17 = vector.load %arg2[%get3A_15, %get3A_16] : memref<128x128xf32, #tpu.memory_space<vmem>>, vector<128x128xf32>
    %dot_general3A = arith.constant dense<0.000000e+00> : vector<5120x128xf32>
    %dot_general3A_18 = tpu.matmul %get3A_14, %get3A_17, %dot_general3A {dimension_numbers = #tpu.dot_dimension_numbers<[1], [0], [0], [1], [0, 0, 1, 1], [], []>, transpose_lhs_hint = false} : vector<5120x128xf32>, vector<128x128xf32>, vector<5120x128xf32> -> vector<5120x128xf32>
    %broadcast_in_dim3A = vector.shape_cast %rsqrt3A : vector<5120xf32> to vector<5120x1xf32>
    %mul3A = vector.broadcast %broadcast_in_dim3A : vector<5120x1xf32> to vector<5120x128xf32>
    %mul3A_19 = arith.mulf %dot_general3A_18, %mul3A : vector<5120x128xf32>
    %slice3A = vector.extract_strided_slice %mul3A_19 {offsets = [0, 0], sizes = [5120, 64], strides = [1, 1]} : vector<5120x128xf32> to vector<5120x64xf32>
    %slice3A_20 = vector.extract_strided_slice %mul3A_19 {offsets = [0, 64], sizes = [5120, 64], strides = [1, 1]} : vector<5120x128xf32> to vector<5120x64xf32>
    %stack3A = vector.shape_cast %slice3A : vector<5120x64xf32> to vector<1x5120x64xf32>
    %stack3A_21 = vector.shape_cast %slice3A_20 : vector<5120x64xf32> to vector<1x5120x64xf32>
    %stack3A_22 = tpu.concatenate %stack3A, %stack3A_21 in 0 : vector<1x5120x64xf32>, vector<1x5120x64xf32> -> vector<2x5120x64xf32>
    %convert_element_type3A = arith.truncf %stack3A_22 : vector<2x5120x64xf32> to vector<2x5120x64xbf16>
    %swap3A = arith.constant 0 : index
    %swap3A_23 = arith.constant 0 : index
    %swap3A_24 = arith.constant 0 : index
    %swap3A_25 = vector.load %arg4[%swap3A, %swap3A_23, %swap3A_24] : memref<2x5120x64xbf16, #tpu.memory_space<vmem>>, vector<2x5120x64xbf16>
    tpu.vector_store %arg4[%swap3A, %swap3A_23, %swap3A_24], %convert_element_type3A {strides = array<i32>} : memref<2x5120x64xbf16, #tpu.memory_space<vmem>>, vector<2x5120x64xbf16>,
    return
  }
  func.func @transform_0(%arg0: i32) -> (i32, i32) {
    %c0_i32 = arith.constant 0 : i32
    %c0_i32_0 = arith.constant 0 : i32
    return %arg0, %c0_i32 : i32, i32
  }
  func.func @transform_1(%arg0: i32) -> (i32, i32) {
    %c0_i32 = arith.constant 0 : i32
    %c0_i32_0 = arith.constant 0 : i32
    %c0_i32_1 = arith.constant 0 : i32
    return %c0_i32, %c0_i32_0 : i32, i32
  }
  func.func @transform_2(%arg0: i32) -> (i32, i32, i32) {
    %c0_i32 = arith.constant 0 : i32
    %c0_i32_0 = arith.constant 0 : i32
    %c0_i32_1 = arith.constant 0 : i32
    return %c0_i32, %c0_i32_0, %arg0 : i32, i32, i32
  }
  func.func @transform_3(%arg0: i32) -> (i32, i32, i32) {
    %c0_i32 = arith.constant 0 : i32
    %c0_i32_0 = arith.constant 0 : i32
    %c0_i32_1 = arith.constant 0 : i32
    return %c0_i32, %arg0, %c0_i32_0 : i32, i32, i32
  }
}

module attributes {stable_mosaic.version = 14 : i64} {
  func.func @body(%arg0: i32, %arg1: memref<2x5120x64xbf16, #tpu.memory_space<vmem>>, %arg2: memref<2x5120x64xbf16, #tpu.memory_space<vmem>>, %arg3: memref<2x1x5120xf32, #tpu.memory_space<vmem>>, %arg4: memref<128xf32, #tpu.memory_space<vmem>>, %arg5: memref<128x128xf32, #tpu.memory_space<vmem>>, %arg6: memref<2x5120x64xbf16, #tpu.memory_space<vmem>>) attributes {dimension_semantics = [#tpu.dimension_semantics<arbitrary>], iteration_bounds = array<i64: 2>, scalar_prefetch = 0 : i64, scratch_operands = 0 : i64, tpu.core_type = #tpu.core_type<tc>, window_params = [{transform_indices = @transform_0, window_bounds = array<i64: 2, 5120, 64>}, {transform_indices = @transform_1, window_bounds = array<i64: 2, 5120, 64>}, {transform_indices = @transform_2, window_bounds = array<i64: 2, 1, 5120>}, {pipeline_mode = #tpu.pipeline_mode<synchronous>, transform_indices = @transform_3, window_bounds = array<i64: 128>}, {pipeline_mode = #tpu.pipeline_mode<synchronous>, transform_indices = @transform_4, window_bounds = array<i64: 128, 128>}, {transform_indices = @transform_5, window_bounds = array<i64: 2, 5120, 64>}]} {
    %get3A = arith.constant 0 : index
    %get3A_0 = arith.constant 0 : index
    %get3A_1 = arith.constant 0 : index
    %get3A_2 = vector.load %arg3[%get3A, %get3A_0, %get3A_1] : memref<2x1x5120xf32, #tpu.memory_space<vmem>>, vector<1x1x5120xf32>
    %get3A_3 = vector.shape_cast %get3A_2 : vector<1x1x5120xf32> to vector<5120xf32>
    %get3A_4 = arith.constant 1 : index
    %get3A_5 = arith.constant 0 : index
    %get3A_6 = arith.constant 0 : index
    %get3A_7 = vector.load %arg3[%get3A_4, %get3A_5, %get3A_6] : memref<2x1x5120xf32, #tpu.memory_space<vmem>>, vector<1x1x5120xf32>
    %get3A_8 = vector.shape_cast %get3A_7 : vector<1x1x5120xf32> to vector<5120xf32>
    %add3A = arith.addf %get3A_3, %get3A_8 : vector<5120xf32>
    %add3A_9 = arith.constant 1.000000e+00 : f32
    %add3A_10 = vector.broadcast %add3A_9 : f32 to vector<5120xf32>
    %add3A_11 = arith.addf %add3A, %add3A_10 : vector<5120xf32>
    %rsqrt3A = math.rsqrt %add3A_11 : vector<5120xf32>
    %get3A_12 = arith.constant 0 : index
    %get3A_13 = arith.constant 0 : index
    %get3A_14 = arith.constant 0 : index
    %get3A_15 = vector.load %arg1[%get3A_12, %get3A_13, %get3A_14] : memref<2x5120x64xbf16, #tpu.memory_space<vmem>>, vector<1x5120x64xbf16>
    %get3A_16 = vector.shape_cast %get3A_15 : vector<1x5120x64xbf16> to vector<5120x64xbf16>
    %convert_element_type3A = arith.extf %get3A_16 : vector<5120x64xbf16> to vector<5120x64xf32>
    %get3A_17 = arith.constant 0 : index
    %get3A_18 = arith.constant 0 : index
    %get3A_19 = arith.constant 0 : index
    %get3A_20 = vector.load %arg2[%get3A_17, %get3A_18, %get3A_19] : memref<2x5120x64xbf16, #tpu.memory_space<vmem>>, vector<1x5120x64xbf16>
    %get3A_21 = vector.shape_cast %get3A_20 : vector<1x5120x64xbf16> to vector<5120x64xbf16>
    %convert_element_type3A_22 = arith.extf %get3A_21 : vector<5120x64xbf16> to vector<5120x64xf32>
    %add3A_23 = arith.addf %convert_element_type3A, %convert_element_type3A_22 : vector<5120x64xf32>
    %get3A_24 = arith.constant 1 : index
    %get3A_25 = arith.constant 0 : index
    %get3A_26 = arith.constant 0 : index
    %get3A_27 = vector.load %arg1[%get3A_24, %get3A_25, %get3A_26] : memref<2x5120x64xbf16, #tpu.memory_space<vmem>>, vector<1x5120x64xbf16>
    %get3A_28 = vector.shape_cast %get3A_27 : vector<1x5120x64xbf16> to vector<5120x64xbf16>
    %convert_element_type3A_29 = arith.extf %get3A_28 : vector<5120x64xbf16> to vector<5120x64xf32>
    %get3A_30 = arith.constant 1 : index
    %get3A_31 = arith.constant 0 : index
    %get3A_32 = arith.constant 0 : index
    %get3A_33 = vector.load %arg2[%get3A_30, %get3A_31, %get3A_32] : memref<2x5120x64xbf16, #tpu.memory_space<vmem>>, vector<1x5120x64xbf16>
    %get3A_34 = vector.shape_cast %get3A_33 : vector<1x5120x64xbf16> to vector<5120x64xbf16>
    %convert_element_type3A_35 = arith.extf %get3A_34 : vector<5120x64xbf16> to vector<5120x64xf32>
    %add3A_36 = arith.addf %convert_element_type3A_29, %convert_element_type3A_35 : vector<5120x64xf32>
    %concatenate3A = tpu.concatenate %add3A_23, %add3A_36 in 1 : vector<5120x64xf32>, vector<5120x64xf32> -> vector<5120x128xf32>
    %broadcast_in_dim3A = vector.shape_cast %rsqrt3A : vector<5120xf32> to vector<5120x1xf32>
    %mul3A = vector.broadcast %broadcast_in_dim3A : vector<5120x1xf32> to vector<5120x128xf32>
    %mul3A_37 = arith.mulf %concatenate3A, %mul3A : vector<5120x128xf32>
    %get3A_38 = arith.constant 0 : index
    %get3A_39 = vector.load %arg4[%get3A_38] : memref<128xf32, #tpu.memory_space<vmem>>, vector<128xf32>
    %broadcast_in_dim3A_40 = vector.shape_cast %get3A_39 : vector<128xf32> to vector<1x128xf32>
    %add3A_41 = vector.broadcast %broadcast_in_dim3A_40 : vector<1x128xf32> to vector<5120x128xf32>
    %add3A_42 = arith.addf %mul3A_37, %add3A_41 : vector<5120x128xf32>
    %max3A = arith.constant 0.000000e+00 : f32
    %max3A_43 = vector.broadcast %max3A : f32 to vector<5120x128xf32>
    %max3A_44 = arith.maximumf %add3A_42, %max3A_43 : vector<5120x128xf32>
    %get3A_45 = arith.constant 0 : index
    %get3A_46 = arith.constant 0 : index
    %get3A_47 = vector.load %arg5[%get3A_45, %get3A_46] : memref<128x128xf32, #tpu.memory_space<vmem>>, vector<128x128xf32>
    %dot_general3A = arith.constant dense<0.000000e+00> : vector<5120x128xf32>
    %dot_general3A_48 = tpu.matmul %max3A_44, %get3A_47, %dot_general3A {dimension_numbers = #tpu.dot_dimension_numbers<[1], [0], [0], [1], [0, 0, 1, 1], [], []>, transpose_lhs_hint = false} : vector<5120x128xf32>, vector<128x128xf32>, vector<5120x128xf32> -> vector<5120x128xf32>
    %broadcast_in_dim3A_49 = vector.shape_cast %rsqrt3A : vector<5120xf32> to vector<5120x1xf32>
    %mul3A_50 = vector.broadcast %broadcast_in_dim3A_49 : vector<5120x1xf32> to vector<5120x128xf32>
    %mul3A_51 = arith.mulf %dot_general3A_48, %mul3A_50 : vector<5120x128xf32>
    %slice3A = vector.extract_strided_slice %mul3A_51 {offsets = [0, 0], sizes = [5120, 64], strides = [1, 1]} : vector<5120x128xf32> to vector<5120x64xf32>
    %slice3A_52 = vector.extract_strided_slice %mul3A_51 {offsets = [0, 64], sizes = [5120, 64], strides = [1, 1]} : vector<5120x128xf32> to vector<5120x64xf32>
    %stack3A = vector.shape_cast %slice3A : vector<5120x64xf32> to vector<1x5120x64xf32>
    %stack3A_53 = vector.shape_cast %slice3A_52 : vector<5120x64xf32> to vector<1x5120x64xf32>
    %stack3A_54 = tpu.concatenate %stack3A, %stack3A_53 in 0 : vector<1x5120x64xf32>, vector<1x5120x64xf32> -> vector<2x5120x64xf32>
    %convert_element_type3A_55 = arith.truncf %stack3A_54 : vector<2x5120x64xf32> to vector<2x5120x64xbf16>
    %swap3A = arith.constant 0 : index
    %swap3A_56 = arith.constant 0 : index
    %swap3A_57 = arith.constant 0 : index
    %swap3A_58 = vector.load %arg6[%swap3A, %swap3A_56, %swap3A_57] : memref<2x5120x64xbf16, #tpu.memory_space<vmem>>, vector<2x5120x64xbf16>
    tpu.vector_store %arg6[%swap3A, %swap3A_56, %swap3A_57], %convert_element_type3A_55 {strides = array<i32>} : memref<2x5120x64xbf16, #tpu.memory_space<vmem>>, vector<2x5120x64xbf16>,
    return
  }
  func.func @transform_0(%arg0: i32) -> (i32, i32, i32) {
    %c0_i32 = arith.constant 0 : i32
    %c0_i32_0 = arith.constant 0 : i32
    %c0_i32_1 = arith.constant 0 : i32
    return %c0_i32, %arg0, %c0_i32_0 : i32, i32, i32
  }
  func.func @transform_1(%arg0: i32) -> (i32, i32, i32) {
    %c0_i32 = arith.constant 0 : i32
    %c0_i32_0 = arith.constant 0 : i32
    %c0_i32_1 = arith.constant 0 : i32
    return %c0_i32, %arg0, %c0_i32_0 : i32, i32, i32
  }
  func.func @transform_2(%arg0: i32) -> (i32, i32, i32) {
    %c0_i32 = arith.constant 0 : i32
    %c0_i32_0 = arith.constant 0 : i32
    %c0_i32_1 = arith.constant 0 : i32
    return %c0_i32, %c0_i32_0, %arg0 : i32, i32, i32
  }
  func.func @transform_3(%arg0: i32) -> i32 {
    %c0_i32 = arith.constant 0 : i32
    %c0_i32_0 = arith.constant 0 : i32
    return %c0_i32 : i32
  }
  func.func @transform_4(%arg0: i32) -> (i32, i32) {
    %c0_i32 = arith.constant 0 : i32
    %c0_i32_0 = arith.constant 0 : i32
    %c0_i32_1 = arith.constant 0 : i32
    return %c0_i32, %c0_i32_0 : i32, i32
  }
  func.func @transform_5(%arg0: i32) -> (i32, i32, i32) {
    %c0_i32 = arith.constant 0 : i32
    %c0_i32_0 = arith.constant 0 : i32
    %c0_i32_1 = arith.constant 0 : i32
    return %c0_i32, %arg0, %c0_i32_0 : i32, i32, i32
  }
}

module attributes {stable_mosaic.version = 14 : i64} {
  func.func @body(%arg0: i32, %arg1: memref<2x5120x64xbf16, #tpu.memory_space<vmem>>, %arg2: memref<2x5120x64xbf16, #tpu.memory_space<vmem>>, %arg3: memref<2x1x5120xf32, #tpu.memory_space<vmem>>, %arg4: memref<128xf32, #tpu.memory_space<vmem>>, %arg5: memref<5120xf32, #tpu.memory_space<vmem>>, %arg6: memref<512x128xf32, #tpu.memory_space<vmem>>, %arg7: memref<512xf32, #tpu.memory_space<vmem>>, %arg8: memref<512xf32, #tpu.memory_space<vmem>>, %arg9: memref<128x128xf32, #tpu.memory_space<vmem>>, %arg10: memref<128xf32, #tpu.memory_space<vmem>>, %arg11: memref<128x128xf32, #tpu.memory_space<vmem>>, %arg12: memref<128xf32, #tpu.memory_space<vmem>>, %arg13: memref<128x10xf32, #tpu.memory_space<vmem>>, %arg14: memref<128x10xf32, #tpu.memory_space<vmem>>, %arg15: memref<128x128xf32, #tpu.memory_space<vmem>>, %arg16: memref<1x128xf32, #tpu.memory_space<vmem>>) attributes {dimension_semantics = [#tpu.dimension_semantics<arbitrary>], iteration_bounds = array<i64: 2>, scalar_prefetch = 0 : i64, scratch_operands = 2 : i64, tpu.core_type = #tpu.core_type<tc>, window_params = [{transform_indices = @transform_0, window_bounds = array<i64: 2, 5120, 64>}, {transform_indices = @transform_1, window_bounds = array<i64: 2, 5120, 64>}, {transform_indices = @transform_2, window_bounds = array<i64: 2, 1, 5120>}, {pipeline_mode = #tpu.pipeline_mode<synchronous>, transform_indices = @transform_3, window_bounds = array<i64: 128>}, {transform_indices = @transform_4, window_bounds = array<i64: 5120>}, {pipeline_mode = #tpu.pipeline_mode<synchronous>, transform_indices = @transform_5, window_bounds = array<i64: 512, 128>}, {pipeline_mode = #tpu.pipeline_mode<synchronous>, transform_indices = @transform_6, window_bounds = array<i64: 512>}, {pipeline_mode = #tpu.pipeline_mode<synchronous>, transform_indices = @transform_7, window_bounds = array<i64: 512>}, {pipeline_mode = #tpu.pipeline_mode<synchronous>, transform_indices = @transform_8, window_bounds = array<i64: 128, 128>}, {pipeline_mode = #tpu.pipeline_mode<synchronous>, transform_indices = @transform_9, window_bounds = array<i64: 128>}, {pipeline_mode = #tpu.pipeline_mode<synchronous>, transform_indices = @transform_10, window_bounds = array<i64: 128, 128>}, {pipeline_mode = #tpu.pipeline_mode<synchronous>, transform_indices = @transform_11, window_bounds = array<i64: 128>}, {pipeline_mode = #tpu.pipeline_mode<synchronous>, transform_indices = @transform_12, window_bounds = array<i64: 128, 10>}, {pipeline_mode = #tpu.pipeline_mode<synchronous>, transform_indices = @transform_13, window_bounds = array<i64: 128, 10>}]} {
    %eq3A = arith.constant 0 : i32
    %eq3A_0 = arith.cmpi eq, %arg0, %eq3A : i32
    %convert_element_type3A = arith.extui %eq3A_0 : i1 to i32
    %cond3A = arith.constant 0 : i32
    %cond3A_1 = arith.cmpi ne, %convert_element_type3A, %cond3A : i32
    scf.if %cond3A_1 {
      %broadcast_in_dim3A_77 = arith.constant 0.000000e+00 : f32
      %broadcast_in_dim3A_78 = vector.broadcast %broadcast_in_dim3A_77 : f32 to vector<128x128xf32>
      %swap3A_79 = arith.constant 0 : index
      %swap3A_80 = arith.constant 0 : index
      %swap3A_81 = vector.load %arg15[%swap3A_79, %swap3A_80] : memref<128x128xf32, #tpu.memory_space<vmem>>, vector<128x128xf32>
      tpu.vector_store %arg15[%swap3A_79, %swap3A_80], %broadcast_in_dim3A_78 {strides = array<i32>} : memref<128x128xf32, #tpu.memory_space<vmem>>, vector<128x128xf32>,
      %broadcast_in_dim3A_82 = arith.constant 0.000000e+00 : f32
      %broadcast_in_dim3A_83 = vector.broadcast %broadcast_in_dim3A_82 : f32 to vector<1x128xf32>
      %swap3A_84 = arith.constant 0 : index
      %swap3A_85 = arith.constant 0 : index
      %swap3A_86 = vector.load %arg16[%swap3A_84, %swap3A_85] : memref<1x128xf32, #tpu.memory_space<vmem>>, vector<1x128xf32>
      tpu.vector_store %arg16[%swap3A_84, %swap3A_85], %broadcast_in_dim3A_83 {strides = array<i32>} : memref<1x128xf32, #tpu.memory_space<vmem>>, vector<1x128xf32>,
    } else {
    }
    %get3A = arith.constant 0 : index
    %get3A_2 = arith.constant 0 : index
    %get3A_3 = arith.constant 0 : index
    %get3A_4 = vector.load %arg3[%get3A, %get3A_2, %get3A_3] : memref<2x1x5120xf32, #tpu.memory_space<vmem>>, vector<1x1x5120xf32>
    %get3A_5 = vector.shape_cast %get3A_4 : vector<1x1x5120xf32> to vector<5120xf32>
    %get3A_6 = arith.constant 1 : index
    %get3A_7 = arith.constant 0 : index
    %get3A_8 = arith.constant 0 : index
    %get3A_9 = vector.load %arg3[%get3A_6, %get3A_7, %get3A_8] : memref<2x1x5120xf32, #tpu.memory_space<vmem>>, vector<1x1x5120xf32>
    %get3A_10 = vector.shape_cast %get3A_9 : vector<1x1x5120xf32> to vector<5120xf32>
    %add3A = arith.addf %get3A_5, %get3A_10 : vector<5120xf32>
    %add3A_11 = arith.constant 1.000000e+00 : f32
    %add3A_12 = vector.broadcast %add3A_11 : f32 to vector<5120xf32>
    %add3A_13 = arith.addf %add3A, %add3A_12 : vector<5120xf32>
    %rsqrt3A = math.rsqrt %add3A_13 : vector<5120xf32>
    %get3A_14 = arith.constant 0 : index
    %get3A_15 = arith.constant 0 : index
    %get3A_16 = arith.constant 0 : index
    %get3A_17 = vector.load %arg1[%get3A_14, %get3A_15, %get3A_16] : memref<2x5120x64xbf16, #tpu.memory_space<vmem>>, vector<1x5120x64xbf16>
    %get3A_18 = vector.shape_cast %get3A_17 : vector<1x5120x64xbf16> to vector<5120x64xbf16>
    %convert_element_type3A_19 = arith.extf %get3A_18 : vector<5120x64xbf16> to vector<5120x64xf32>
    %get3A_20 = arith.constant 0 : index
    %get3A_21 = arith.constant 0 : index
    %get3A_22 = arith.constant 0 : index
    %get3A_23 = vector.load %arg2[%get3A_20, %get3A_21, %get3A_22] : memref<2x5120x64xbf16, #tpu.memory_space<vmem>>, vector<1x5120x64xbf16>
    %get3A_24 = vector.shape_cast %get3A_23 : vector<1x5120x64xbf16> to vector<5120x64xbf16>
    %convert_element_type3A_25 = arith.extf %get3A_24 : vector<5120x64xbf16> to vector<5120x64xf32>
    %add3A_26 = arith.addf %convert_element_type3A_19, %convert_element_type3A_25 : vector<5120x64xf32>
    %get3A_27 = arith.constant 1 : index
    %get3A_28 = arith.constant 0 : index
    %get3A_29 = arith.constant 0 : index
    %get3A_30 = vector.load %arg1[%get3A_27, %get3A_28, %get3A_29] : memref<2x5120x64xbf16, #tpu.memory_space<vmem>>, vector<1x5120x64xbf16>
    %get3A_31 = vector.shape_cast %get3A_30 : vector<1x5120x64xbf16> to vector<5120x64xbf16>
    %convert_element_type3A_32 = arith.extf %get3A_31 : vector<5120x64xbf16> to vector<5120x64xf32>
    %get3A_33 = arith.constant 1 : index
    %get3A_34 = arith.constant 0 : index
    %get3A_35 = arith.constant 0 : index
    %get3A_36 = vector.load %arg2[%get3A_33, %get3A_34, %get3A_35] : memref<2x5120x64xbf16, #tpu.memory_space<vmem>>, vector<1x5120x64xbf16>
    %get3A_37 = vector.shape_cast %get3A_36 : vector<1x5120x64xbf16> to vector<5120x64xbf16>
    %convert_element_type3A_38 = arith.extf %get3A_37 : vector<5120x64xbf16> to vector<5120x64xf32>
    %add3A_39 = arith.addf %convert_element_type3A_32, %convert_element_type3A_38 : vector<5120x64xf32>
    %concatenate3A = tpu.concatenate %add3A_26, %add3A_39 in 1 : vector<5120x64xf32>, vector<5120x64xf32> -> vector<5120x128xf32>
    %broadcast_in_dim3A = vector.shape_cast %rsqrt3A : vector<5120xf32> to vector<5120x1xf32>
    %mul3A = vector.broadcast %broadcast_in_dim3A : vector<5120x1xf32> to vector<5120x128xf32>
    %mul3A_40 = arith.mulf %concatenate3A, %mul3A : vector<5120x128xf32>
    %get3A_41 = arith.constant 0 : index
    %get3A_42 = vector.load %arg4[%get3A_41] : memref<128xf32, #tpu.memory_space<vmem>>, vector<128xf32>
    %broadcast_in_dim3A_43 = vector.shape_cast %get3A_42 : vector<128xf32> to vector<1x128xf32>
    %add3A_44 = vector.broadcast %broadcast_in_dim3A_43 : vector<1x128xf32> to vector<5120x128xf32>
    %add3A_45 = arith.addf %mul3A_40, %add3A_44 : vector<5120x128xf32>
    %max3A = arith.constant 0.000000e+00 : f32
    %max3A_46 = vector.broadcast %max3A : f32 to vector<5120x128xf32>
    %max3A_47 = arith.maximumf %add3A_45, %max3A_46 : vector<5120x128xf32>
    %iota3A = tpu.iota {dimensions = array<i32: 0>} : vector<128x5120xi32>
    %convert_element_type3A_48 = arith.sitofp %iota3A : vector<128x5120xi32> to vector<128x5120xf32>
    %get3A_49 = arith.constant 0 : index
    %get3A_50 = vector.load %arg5[%get3A_49] : memref<5120xf32, #tpu.memory_space<vmem>>, vector<5120xf32>
    %broadcast_in_dim3A_51 = vector.shape_cast %get3A_50 : vector<5120xf32> to vector<1x5120xf32>
    %eq3A_52 = vector.broadcast %broadcast_in_dim3A_51 : vector<1x5120xf32> to vector<128x5120xf32>
    %eq3A_53 = arith.cmpf oeq, %convert_element_type3A_48, %eq3A_52 : vector<128x5120xf32>
    %convert_element_type3A_54 = arith.extui %eq3A_53 : vector<128x5120xi1> to vector<128x5120xi32>
    %convert_element_type3A_55 = arith.sitofp %convert_element_type3A_54 : vector<128x5120xi32> to vector<128x5120xf32>
    %get3A_56 = arith.constant 0 : index
    %get3A_57 = arith.constant 0 : index
    %get3A_58 = vector.load %arg15[%get3A_56, %get3A_57] : memref<128x128xf32, #tpu.memory_space<vmem>>, vector<128x128xf32>
    %dot_general3A = arith.constant dense<0.000000e+00> : vector<128x128xf32>
    %dot_general3A_59 = tpu.matmul %convert_element_type3A_55, %max3A_47, %dot_general3A {dimension_numbers = #tpu.dot_dimension_numbers<[1], [0], [0], [1], [0, 0, 1, 1], [], []>, transpose_lhs_hint = false} : vector<128x5120xf32>, vector<5120x128xf32>, vector<128x128xf32> -> vector<128x128xf32>
    %add3A_60 = arith.addf %get3A_58, %dot_general3A_59 : vector<128x128xf32>
    %swap3A = arith.constant 0 : index
    %swap3A_61 = arith.constant 0 : index
    %swap3A_62 = vector.load %arg15[%swap3A, %swap3A_61] : memref<128x128xf32, #tpu.memory_space<vmem>>, vector<128x128xf32>
    tpu.vector_store %arg15[%swap3A, %swap3A_61], %add3A_60 {strides = array<i32>} : memref<128x128xf32, #tpu.memory_space<vmem>>, vector<128x128xf32>,
    %get3A_63 = arith.constant 0 : index
    %get3A_64 = arith.constant 0 : index
    %get3A_65 = vector.load %arg16[%get3A_63, %get3A_64] : memref<1x128xf32, #tpu.memory_space<vmem>>, vector<1x128xf32>
    %reduce_sum3A = arith.constant dense<0.000000e+00> : vector<128xf32>
    %reduce_sum3A_66 = vector.multi_reduction <add>, %convert_element_type3A_55, %reduce_sum3A [1] : vector<128x5120xf32> to vector<128xf32>
    %broadcast_in_dim3A_67 = vector.shape_cast %reduce_sum3A_66 : vector<128xf32> to vector<1x128xf32>
    %add3A_68 = arith.addf %get3A_65, %broadcast_in_dim3A_67 : vector<1x128xf32>
    %swap3A_69 = arith.constant 0 : index
    %swap3A_70 = arith.constant 0 : index
    %swap3A_71 = vector.load %arg16[%swap3A_69, %swap3A_70] : memref<1x128xf32, #tpu.memory_space<vmem>>, vector<1x128xf32>
    tpu.vector_store %arg16[%swap3A_69, %swap3A_70], %add3A_68 {strides = array<i32>} : memref<1x128xf32, #tpu.memory_space<vmem>>, vector<1x128xf32>,
    %eq3A_72 = arith.constant 1 : i32
    %eq3A_73 = arith.cmpi eq, %arg0, %eq3A_72 : i32
    %convert_element_type3A_74 = arith.extui %eq3A_73 : i1 to i32
    %cond3A_75 = arith.constant 0 : i32
    %cond3A_76 = arith.cmpi ne, %convert_element_type3A_74, %cond3A_75 : i32
    scf.if %cond3A_76 {
      %get3A_77 = arith.constant 0 : index
      %get3A_78 = arith.constant 0 : index
      %get3A_79 = vector.load %arg16[%get3A_77, %get3A_78] : memref<1x128xf32, #tpu.memory_space<vmem>>, vector<1x128xf32>
      %get3A_80 = vector.shape_cast %get3A_79 : vector<1x128xf32> to vector<128xf32>
      %max3A_81 = arith.constant 1.000000e+00 : f32
      %max3A_82 = vector.broadcast %max3A_81 : f32 to vector<128xf32>
      %max3A_83 = arith.maximumf %get3A_80, %max3A_82 : vector<128xf32>
      %get3A_84 = arith.constant 0 : index
      %get3A_85 = arith.constant 0 : index
      %get3A_86 = vector.load %arg15[%get3A_84, %get3A_85] : memref<128x128xf32, #tpu.memory_space<vmem>>, vector<128x128xf32>
      %broadcast_in_dim3A_87 = vector.shape_cast %max3A_83 : vector<128xf32> to vector<128x1xf32>
      %div3A = vector.broadcast %broadcast_in_dim3A_87 : vector<128x1xf32> to vector<128x128xf32>
      %div3A_88 = arith.divf %get3A_86, %div3A : vector<128x128xf32>
      %get3A_89 = arith.constant 0 : index
      %get3A_90 = arith.constant 0 : index
      %get3A_91 = vector.load %arg6[%get3A_89, %get3A_90] : memref<512x128xf32, #tpu.memory_space<vmem>>, vector<512x128xf32>
      %dot_general3A_92 = arith.constant dense<0.000000e+00> : vector<128x512xf32>
      %dot_general3A_93 = tpu.matmul %div3A_88, %get3A_91, %dot_general3A_92 {dimension_numbers = #tpu.dot_dimension_numbers<[1], [1], [0], [0], [0, 0, 1, 0], [], []>, transpose_lhs_hint = false} : vector<128x128xf32>, vector<512x128xf32>, vector<128x512xf32> -> vector<128x512xf32>
      %get3A_94 = arith.constant 0 : index
      %get3A_95 = vector.load %arg7[%get3A_94] : memref<512xf32, #tpu.memory_space<vmem>>, vector<512xf32>
      %broadcast_in_dim3A_96 = vector.shape_cast %get3A_95 : vector<512xf32> to vector<1x512xf32>
      %add3A_97 = vector.broadcast %broadcast_in_dim3A_96 : vector<1x512xf32> to vector<128x512xf32>
      %add3A_98 = arith.addf %dot_general3A_93, %add3A_97 : vector<128x512xf32>
      %get3A_99 = arith.constant 0 : index
      %get3A_100 = vector.load %arg8[%get3A_99] : memref<512xf32, #tpu.memory_space<vmem>>, vector<512xf32>
      %broadcast_in_dim3A_101 = vector.shape_cast %get3A_100 : vector<512xf32> to vector<1x512xf32>
      %add3A_102 = vector.broadcast %broadcast_in_dim3A_101 : vector<1x512xf32> to vector<128x512xf32>
      %add3A_103 = arith.addf %add3A_98, %add3A_102 : vector<128x512xf32>
      %slice3A = vector.extract_strided_slice %add3A_103 {offsets = [0, 0], sizes = [128, 128], strides = [1, 1]} : vector<128x512xf32> to vector<128x128xf32>
      %logistic3A = arith.negf %slice3A : vector<128x128xf32>
      %logistic3A_104 = math.exp %logistic3A : vector<128x128xf32>
      %logistic3A_105 = arith.constant 1.000000e+00 : f32
      %logistic3A_106 = vector.broadcast %logistic3A_105 : f32 to vector<128x128xf32>
      %logistic3A_107 = arith.addf %logistic3A_106, %logistic3A_104 : vector<128x128xf32>
      %logistic3A_108 = arith.divf %logistic3A_106, %logistic3A_107 : vector<128x128xf32>
      %slice3A_109 = vector.extract_strided_slice %add3A_103 {offsets = [0, 256], sizes = [128, 128], strides = [1, 1]} : vector<128x512xf32> to vector<128x128xf32>
      %tanh3A = math.tanh %slice3A_109 : vector<128x128xf32>
      %slice3A_110 = vector.extract_strided_slice %add3A_103 {offsets = [0, 384], sizes = [128, 128], strides = [1, 1]} : vector<128x512xf32> to vector<128x128xf32>
      %logistic3A_111 = arith.negf %slice3A_110 : vector<128x128xf32>
      %logistic3A_112 = math.exp %logistic3A_111 : vector<128x128xf32>
      %logistic3A_113 = arith.constant 1.000000e+00 : f32
      %logistic3A_114 = vector.broadcast %logistic3A_113 : f32 to vector<128x128xf32>
      %logistic3A_115 = arith.addf %logistic3A_114, %logistic3A_112 : vector<128x128xf32>
      %logistic3A_116 = arith.divf %logistic3A_114, %logistic3A_115 : vector<128x128xf32>
      %mul3A_117 = arith.mulf %logistic3A_108, %tanh3A : vector<128x128xf32>
      %tanh3A_118 = math.tanh %mul3A_117 : vector<128x128xf32>
      %mul3A_119 = arith.mulf %logistic3A_116, %tanh3A_118 : vector<128x128xf32>
      %get3A_120 = arith.constant 0 : index
      %get3A_121 = arith.constant 0 : index
      %get3A_122 = vector.load %arg9[%get3A_120, %get3A_121] : memref<128x128xf32, #tpu.memory_space<vmem>>, vector<128x128xf32>
      %dot_general3A_123 = arith.constant dense<0.000000e+00> : vector<128x128xf32>
      %dot_general3A_124 = tpu.matmul %mul3A_119, %get3A_122, %dot_general3A_123 {dimension_numbers = #tpu.dot_dimension_numbers<[1], [1], [0], [0], [0, 0, 1, 0], [], []>, transpose_lhs_hint = false} : vector<128x128xf32>, vector<128x128xf32>, vector<128x128xf32> -> vector<128x128xf32>
      %get3A_125 = arith.constant 0 : index
      %get3A_126 = vector.load %arg10[%get3A_125] : memref<128xf32, #tpu.memory_space<vmem>>, vector<128xf32>
      %broadcast_in_dim3A_127 = vector.shape_cast %get3A_126 : vector<128xf32> to vector<1x128xf32>
      %add3A_128 = vector.broadcast %broadcast_in_dim3A_127 : vector<1x128xf32> to vector<128x128xf32>
      %add3A_129 = arith.addf %dot_general3A_124, %add3A_128 : vector<128x128xf32>
      %slice3A_130 = vector.extract_strided_slice %add3A_129 {offsets = [0, 0], sizes = [128, 10], strides = [1, 1]} : vector<128x128xf32> to vector<128x10xf32>
      %swap3A_131 = arith.constant 0 : index
      %swap3A_132 = arith.constant 0 : index
      %swap3A_133 = vector.load %arg13[%swap3A_131, %swap3A_132] : memref<128x10xf32, #tpu.memory_space<vmem>>, vector<128x10xf32>
      tpu.vector_store %arg13[%swap3A_131, %swap3A_132], %slice3A_130 {strides = array<i32>} : memref<128x10xf32, #tpu.memory_space<vmem>>, vector<128x10xf32>,
      %get3A_134 = arith.constant 0 : index
      %get3A_135 = arith.constant 0 : index
      %get3A_136 = vector.load %arg11[%get3A_134, %get3A_135] : memref<128x128xf32, #tpu.memory_space<vmem>>, vector<128x128xf32>
      %dot_general3A_137 = arith.constant dense<0.000000e+00> : vector<128x128xf32>
      %dot_general3A_138 = tpu.matmul %mul3A_119, %get3A_136, %dot_general3A_137 {dimension_numbers = #tpu.dot_dimension_numbers<[1], [1], [0], [0], [0, 0, 1, 0], [], []>, transpose_lhs_hint = false} : vector<128x128xf32>, vector<128x128xf32>, vector<128x128xf32> -> vector<128x128xf32>
      %get3A_139 = arith.constant 0 : index
      %get3A_140 = vector.load %arg12[%get3A_139] : memref<128xf32, #tpu.memory_space<vmem>>, vector<128xf32>
      %broadcast_in_dim3A_141 = vector.shape_cast %get3A_140 : vector<128xf32> to vector<1x128xf32>
      %add3A_142 = vector.broadcast %broadcast_in_dim3A_141 : vector<1x128xf32> to vector<128x128xf32>
      %add3A_143 = arith.addf %dot_general3A_138, %add3A_142 : vector<128x128xf32>
      %max3A_144 = arith.constant 0.000000e+00 : f32
      %max3A_145 = vector.broadcast %max3A_144 : f32 to vector<128x128xf32>
      %max3A_146 = arith.maximumf %add3A_143, %max3A_145 : vector<128x128xf32>
      %abs3A = math.absf %add3A_143 : vector<128x128xf32>
      %neg3A = arith.constant 0.000000e+00 : f32
      %neg3A_147 = vector.broadcast %neg3A : f32 to vector<128x128xf32>
      %neg3A_148 = arith.subf %neg3A_147, %abs3A : vector<128x128xf32>
      %exp3A = math.exp %neg3A_148 : vector<128x128xf32>
      %log1p3A = math.log1p %exp3A : vector<128x128xf32>
      %add3A_149 = arith.addf %max3A_146, %log1p3A : vector<128x128xf32>
      %slice3A_150 = vector.extract_strided_slice %add3A_149 {offsets = [0, 0], sizes = [128, 10], strides = [1, 1]} : vector<128x128xf32> to vector<128x10xf32>
      %swap3A_151 = arith.constant 0 : index
      %swap3A_152 = arith.constant 0 : index
      %swap3A_153 = vector.load %arg14[%swap3A_151, %swap3A_152] : memref<128x10xf32, #tpu.memory_space<vmem>>, vector<128x10xf32>
      tpu.vector_store %arg14[%swap3A_151, %swap3A_152], %slice3A_150 {strides = array<i32>} : memref<128x10xf32, #tpu.memory_space<vmem>>, vector<128x10xf32>,
    } else {
    }
    return
  }
  func.func @transform_0(%arg0: i32) -> (i32, i32, i32) {
    %c0_i32 = arith.constant 0 : i32
    %c0_i32_0 = arith.constant 0 : i32
    %c0_i32_1 = arith.constant 0 : i32
    return %c0_i32, %arg0, %c0_i32_0 : i32, i32, i32
  }
  func.func @transform_1(%arg0: i32) -> (i32, i32, i32) {
    %c0_i32 = arith.constant 0 : i32
    %c0_i32_0 = arith.constant 0 : i32
    %c0_i32_1 = arith.constant 0 : i32
    return %c0_i32, %arg0, %c0_i32_0 : i32, i32, i32
  }
  func.func @transform_2(%arg0: i32) -> (i32, i32, i32) {
    %c0_i32 = arith.constant 0 : i32
    %c0_i32_0 = arith.constant 0 : i32
    %c0_i32_1 = arith.constant 0 : i32
    return %c0_i32, %c0_i32_0, %arg0 : i32, i32, i32
  }
  func.func @transform_3(%arg0: i32) -> i32 {
    %c0_i32 = arith.constant 0 : i32
    %c0_i32_0 = arith.constant 0 : i32
    return %c0_i32 : i32
  }
  func.func @transform_4(%arg0: i32) -> i32 {
    %c0_i32 = arith.constant 0 : i32
    return %arg0 : i32
  }
  func.func @transform_5(%arg0: i32) -> (i32, i32) {
    %c0_i32 = arith.constant 0 : i32
    %c0_i32_0 = arith.constant 0 : i32
    %c0_i32_1 = arith.constant 0 : i32
    return %c0_i32, %c0_i32_0 : i32, i32
  }
  func.func @transform_6(%arg0: i32) -> i32 {
    %c0_i32 = arith.constant 0 : i32
    %c0_i32_0 = arith.constant 0 : i32
    return %c0_i32 : i32
  }
  func.func @transform_7(%arg0: i32) -> i32 {
    %c0_i32 = arith.constant 0 : i32
    %c0_i32_0 = arith.constant 0 : i32
    return %c0_i32 : i32
  }
  func.func @transform_8(%arg0: i32) -> (i32, i32) {
    %c0_i32 = arith.constant 0 : i32
    %c0_i32_0 = arith.constant 0 : i32
    %c0_i32_1 = arith.constant 0 : i32
    return %c0_i32, %c0_i32_0 : i32, i32
  }
  func.func @transform_9(%arg0: i32) -> i32 {
    %c0_i32 = arith.constant 0 : i32
    %c0_i32_0 = arith.constant 0 : i32
    return %c0_i32 : i32
  }
  func.func @transform_10(%arg0: i32) -> (i32, i32) {
    %c0_i32 = arith.constant 0 : i32
    %c0_i32_0 = arith.constant 0 : i32
    %c0_i32_1 = arith.constant 0 : i32
    return %c0_i32, %c0_i32_0 : i32, i32
  }
  func.func @transform_11(%arg0: i32) -> i32 {
    %c0_i32 = arith.constant 0 : i32
    %c0_i32_0 = arith.constant 0 : i32
    return %c0_i32 : i32
  }
  func.func @transform_12(%arg0: i32) -> (i32, i32) {
    %c0_i32 = arith.constant 0 : i32
    %c0_i32_0 = arith.constant 0 : i32
    %c0_i32_1 = arith.constant 0 : i32
    return %c0_i32, %c0_i32_0 : i32, i32
  }
  func.func @transform_13(%arg0: i32) -> (i32, i32) {
    %c0_i32 = arith.constant 0 : i32
    %c0_i32_0 = arith.constant 0 : i32
    %c0_i32_1 = arith.constant 0 : i32
    return %c0_i32, %c0_i32_0 : i32, i32
  }
}

</mosaic_0001>

<sc_bundles>
// kernel: kernel.11.cloned.1.call-start
scs
__scs_entry_jumppad:
0x0: {  	(pc) =	sbr.rel $0x88, $3  }
0x1: {  	(tag) =	ssettag $0x0;
	lr =	simm.s32 $0x1  }
0x2: {  	[smem:$0x3F93] =	sst lr;
	_ =	strace $0xD0000000  }
0x3: {  	_ = 	snop  }
0x4: {  	_ = 	snop  }
0x5: {  	_ = 	snop  }
0x6: {  	_ = 	snop  }
0x7: {  	_ = 	snop  }
__scs_overlays_trampoline_lowered:
0x8: {  	[smem:$0x3FA2] =	sst s0  }
0x9: {  	[smem:$0x3FA3] =	sst s1  }
0xa: {  	[smem:$0x3FA4] =	sst s2  }
0xb: {  	[smem:$0x3FA5] =	sst s3  }
0xc: {  	[smem:$0x3FA6] =	sst s4  }
0xd: {  	[smem:$0x3FA7] =	sst s5  }
0xe: {  	[smem:$0x3FA8] =	sst s6  }
0xf: {  	[smem:$0x3FA9] =	sst s7  }
0x10: {  	[smem:$0x3FAA] =	sst s8  }
0x11: {  	[smem:$0x3FAB] =	sst s9;
	s0 =	simm.s32 @!p0 $0x0  }
0x12: {  	s1 =	sld [smem:$0x3F91];
	s0 =	simm.s32 @p0 $0x1  }
0x13: {  	[smem:$0x3FAC] =	sst s0;
	s0 =	simm.s32 @!p1 $0x0  }
0x14: {  	s2 =	sld [smem:$0x3F90];
	s0 =	simm.s32 @p1 $0x1  }
0x15: {  	[smem:$0x3FAD] =	sst s0;
	s0 =	simm.s32 @!p2 $0x0  }
0x16: {  	s3 =	sld [smem:$0x3FDB];
	s0 =	simm.s32 @p2 $0x1  }
0x17: {  	s4 =	simm.s32 $0x1BF5;
	[smem:$0x3FAF] =	sst s0  }
0x18: {  	s0 =	sld [smem:$0x3F92];
	_ =	swait.ge [sflag:s4], $0x0  }
0x19: {  	s7 =	sld [smem:$0x3F93]  }
0x1a: {  	s8 =	sadd.s32 $0xFFFFE003, lr  }
0x1b: {  	s9 =	sadd.s32 $0xFFFFFEF7, lr;
	s5 =	simm.s32 $0xFFFFFFFF;
	p2 =	slt.u32 s8, $0xFFFFF086  }
0x1c: {  	p1 =	slt.u32 s9, $0xF7A;
	s5 =	simm.s32 @!p2 $0x0  }
0x1d: {  	s5 =	simm.s32 @p1 $0x1;
	p0 =	seq.s32 s7, s2  }
0x1e: {  	s7 =	smul.u32 @!p0 $0xF7A, s2;
	p2 =	seq.s32 @!p0 s5, $0x0  }
0x1f: {  	s9 =	smul.u32 $0xF7A, s1;
	s8 =	simm.s32 @!p0 $0x1BF5;
	p2 =	por !p2, p0  }
0x20: {  	[sflag:s8] =	ssyncset.s32 @!p0 $0xFFFFF086;
	s6 =	sadd.s32 @!p0 s3, s7;
	s7 =	simm.s32 @!p0 $0x108  }
0x21: {  	s3 =	sadd.s32 s3, s9;
	s6 =	sadd.s32 @!p0 $0x88, s6;
	s7 =	simm.s32 @p2 $0x1082  }
0x22: {  	[simem:s7], [sflag:s8] =	dma.local @!p0 [hbm:s6], $0xF7A  }
0x23: {  	s9 =	sor.u32 $0xD0000000, s2;
	s6 =	simm.s32 $0x108;
	_ =	swait.ge @!p0 [sflag:s8], $0x0  }
0x24: {  	s3 =	sadd.s32 $0x88, s3;
	s6 =	simm.s32 @!p1 $0x1082;
	[sflag:s4] =	ssyncset.s32 $0xFFFFF086  }
0x25: {  	[simem:s6], [sflag:s4] =	dma.local [hbm:s3], $0xF7A  }
0x26: {  	[smem:$0x3F93] =	sst s1;
	(tag) =	ssettag s2;
	_ =	strace s9  }
0x27: {  	s1 =	sld [smem:$0x3FA3]  }
0x28: {  	s2 =	sld [smem:$0x3FA4]  }
0x29: {  	s4 =	sld [smem:$0x3FA6]  }
0x2a: {  	p0 =	seq.s32 s5, $0x0;
	s5 =	sld [smem:$0x3FA7]  }
0x2b: {  	s6 =	sld [smem:$0x3FA8]  }
0x2c: {  	s7 =	sld [smem:$0x3FA9]  }
0x2d: {  	s3 =	simm.s32 $0x108;
	s8 =	sld [smem:$0x3FAA]  }
0x2e: {  	s3 =	simm.s32 @!p0 $0x1082;
	s9 =	sld [smem:$0x3FAB]  }
0x2f: {  	lr =	sadd.s32 s0, s3;
	s0 =	sld [smem:$0x3FA2]  }
0x30: {  	s3 =	sld [smem:$0x3FA5]  }
0x31: {  	[smem:$0x3FAE] =	sst s10  }
0x32: {  	s10 =	sld [smem:$0x3FAC];
	_ =	sdelay $0x3  }
0x33: {  	p0 =	seq.s32 s10, $0x1;
	s10 =	sld [smem:$0x3FAE];
	_ =	sdelay $0x3  }
0x34: {  	[smem:$0x3FAE] =	sst s10  }
0x35: {  	s10 =	sld [smem:$0x3FAD];
	_ =	sdelay $0x3  }
0x36: {  	p1 =	seq.s32 s10, $0x1;
	s10 =	sld [smem:$0x3FAE];
	_ =	sdelay $0x3  }
0x37: {  	[smem:$0x3FAE] =	sst s10  }
0x38: {  	s10 =	sld [smem:$0x3FAF]  }
0x39: {  	_ = 	snop;
	(pc) =	sbr.ind lr, $3  }
0x3a: {  	_ = 	snop  }
0x3b: {  	_ = 	snop  }
0x3c: {  	p2 =	seq.s32 s10, $0x1;
	s10 =	sld [smem:$0x3FAE]  }
0x3d: {  	_ =	shalt  }
0x3e: {  	_ =	shalt  }
0x3f: {  	_ =	shalt  }
0x40: {  	_ =	shalt  }
0x41: {  	_ =	shalt  }
0x42: {  	_ =	shalt  }
0x43: {  	_ =	shalt  }
0x44: {  	_ =	shalt  }
0x45: {  	_ =	shalt  }
0x46: {  	_ =	shalt  }
0x47: {  	_ =	shalt  }
0x48: {  	_ =	shalt  }
0x49: {  	_ =	shalt  }
0x4a: {  	_ =	shalt  }
0x4b: {  	_ =	shalt  }
0x4c: {  	_ =	shalt  }
0x4d: {  	_ =	shalt  }
0x4e: {  	_ =	shalt  }
0x4f: {  	_ =	shalt  }
0x50: {  	_ =	shalt  }
0x51: {  	_ =	shalt  }
0x52: {  	_ =	shalt  }
0x53: {  	_ =	shalt  }
0x54: {  	_ =	shalt  }
0x55: {  	_ =	shalt  }
0x56: {  	_ =	shalt  }
0x57: {  	_ =	shalt  }
0x58: {  	_ =	shalt  }
0x59: {  	_ =	shalt  }
0x5a: {  	_ =	shalt  }
0x5b: {  	_ =	shalt  }
0x5c: {  	_ =	shalt  }
0x5d: {  	_ =	shalt  }
0x5e: {  	_ =	shalt  }
0x5f: {  	_ =	shalt  }
0x60: {  	_ =	shalt  }
0x61: {  	_ =	shalt  }
0x62: {  	_ =	shalt  }
0x63: {  	_ =	shalt  }
0x64: {  	_ =	shalt  }
0x65: {  	_ =	shalt  }
0x66: {  	_ =	shalt  }
0x67: {  	_ =	shalt  }
0x68: {  	_ =	shalt  }
0x69: {  	_ =	shalt  }
0x6a: {  	_ =	shalt  }
0x6b: {  	_ =	shalt  }
0x6c: {  	_ =	shalt  }
0x6d: {  	_ =	shalt  }
0x6e: {  	_ =	shalt  }
0x6f: {  	_ =	shalt  }
0x70: {  	_ =	shalt  }
0x71: {  	_ =	shalt  }
0x72: {  	_ =	shalt  }
0x73: {  	_ =	shalt  }
0x74: {  	_ =	shalt  }
0x75: {  	_ =	shalt  }
0x76: {  	_ =	shalt  }
0x77: {  	_ =	shalt  }
0x78: {  	_ =	shalt  }
0x79: {  	_ =	shalt  }
0x7a: {  	_ =	shalt  }
0x7b: {  	_ =	shalt  }
0x7c: {  	_ =	shalt  }
0x7d: {  	_ =	shalt  }
0x7e: {  	_ =	shalt  }
0x7f: {  	_ =	shalt  }
0x80: {  	_ =	shalt  }
0x81: {  	_ =	shalt  }
0x82: {  	_ =	shalt  }
0x83: {  	_ =	shalt  }
0x84: {  	_ =	shalt  }
0x85: {  	_ =	shalt  }
0x86: {  	_ =	shalt  }
0x87: {  	_ =	shalt  }
.Lfunc_end0:
.L_simem_size_0:
called_computation.1_lowered:
.L_overlay_start_0:
0x88: {  	s2 =	sld [smem:$0x3FD9]  }
0x89: {  	s3 =	sld [smem:$0x3FFE];
	_ =	sdelay $0x1  }
0x8a: {  	s1 =	srdreg.scid  }
0x8b: {  	s0 =	sand.u32 $0x1, s1  }
0x8c: {  	s16 =	sshll.u32 s0, $0xA;
	s2 =	sadd.s32 s3, s2  }
0x8d: {  	s2 =	sadd.s32 s2, s16  }
0x8e: {  	[smem:$0x3FBA] =	sst s2  }
0x8f: {  	_ = 	snop  }
0x90: {  	(tm) =	ssettm $0x1  }
0x91: {  	s17 =	sld [smem:$0x3FFB];
	_ =	sdelay $0x3  }
0x92: {  	_ =	strace s17  }
0x93: {  	s2 =	sld [smem:$0x3FFC];
	_ =	sdelay $0x3  }
0x94: {  	_ =	strace s2  }
0x95: {  	s2 =	sld [smem:$0x3FFD];
	_ =	sdelay $0x3  }
0x96: {  	_ =	strace s2  }
0x97: {  	_ =	strace $0x8FFFFFFF  }
0x98: {  	s18 =	sld [smem:$0x3FDB];
	_ =	sdelay $0x1  }
0x99: {  	s19 =	simm.s32 $_scs_section_size  }
0x9a: {  	s4 =	simm.s32 $_size__tile_overlayer_lowered;
	s5 =	simm.s32 $_tile_overlayer_lowered  }
0x9b: {  	s22 =	simm.s32 $0x1BFF;
	s21 =	sshll.u32 s5, $0x1;
	s2 =	sadd.s32 s19, s18  }
0x9c: {  	s6 =	simm.s32 $0x0;
	s20 =	sshll.u32 s4, $0x1;
	s4 =	sadd.s32 s21, s2  }
0x9d: {  	[timem:s6], [sflag:s22] =	dma.local [hbm:s4], s20  }
0x9e: {  	_ =	swait.ge [sflag:s22], s20  }
0x9f: {  	s3 =	ssub.s32 $0x0, s20;
	[sflag:s22] =	ssyncset.done $0x0  }
0xa0: {  	[sflag:s22] =	ssyncadd.s32 s3;
	_ =	sdelay $0x1  }
0xa1: {  	s23 =	simm.s32 $0x1B8B  }
0xa2: {  	_ =	swait.ge [sflag:s23], $0x1  }
0xa3: {  	[sflag:s23] =	ssyncset.done $0x0  }
0xa4: {  	s25 =	simm.s32 $0x1B8E;
	s24 =	sld [smem:$0x3FFE];
	[sflag:s23] =	ssyncadd.s32 $0xFFFFFFFF  }
0xa5: {  	s26 =	simm.s32 $execute0_lowered;
	[smem:$0x3FD2] =	sst s25  }
0xa6: {  	s4 =	sshll.u32 s26, $0x1;
	_ =	strace $0x80000049;
	[dreg:$0x1] =	wrdreg $0xFFFFFFFF  }
0xa7: {  	s28 =	simm.s32 $_size_execute0_lowered;
	s2 =	sadd.s32 s2, s4;
	[dreg:$0x0] =	wrdreg $0x0  }
0xa8: {  	s4 =	sshll.u32 s28, $0x1;
	[dreg:$0x2] =	wrdreg s2  }
0xa9: {  	[dreg:$0x3] =	wrdreg s4  }
0xaa: {  	[dreg:$0x4] =	wrdreg $0xC0  }
0xab: {  	_ =	task [dreg:s6], $0x5FFFF  }
0xac: {  	[dreg:$0x1] =	wrdreg $0xFFFFFFFF  }
0xad: {  	[dreg:$0x0] =	wrdreg $0x60  }
0xae: {  	[dreg:$0x2] =	wrdreg s24  }
0xaf: {  	[dreg:$0x3] =	wrdreg $0x120000  }
0xb0: {  	[dreg:$0x4] =	wrdreg $0x9  }
0xb1: {  	_ =	task.clear_ibuf [dreg:s6], $0x5FFFF;
	_ =	strace $0x90000049  }
0xb2: {  	s29 =	simm.s32 $0x9;
	_ =	strace $0x8000004B  }
0xb3: {  	_ =	swait.ge [sflag:s29], $0x1  }
0xb4: {  	[sflag:s29] =	ssyncadd.s32 $0xFFFFFFFF  }
0xb5: {  	_ =	strace $0x9000004B  }
0xb6: {  	_ =	sfence  }
0xb7: {  	s30 =	sld [smem:$0x0];
	_ =	sdelay $0x2  }
0xb8: {  	s31 =	sshll.u32 s1, $0xD;
	s1 =	sshrl.u32 s1, $0x2  }
0xb9: {  	s3 =	sand.u32 $0x4000, s31;
	s1 =	sadd.s32 s1, s30  }
0xba: {  	s0 =	sor.u32 s3, s0;
	s1 =	sshll.u32 s1, $0x11  }
0xbb: {  	s0 =	sor.u32 s1, s0  }
0xbc: {  	s0 =	sadd.s32 $0x8F2B, s0  }
0xbd: {  	[sflag:s0] =	ssyncadd.remote.s32 $0x1  }
0xbe: {  	_ =	sfence.sel $0xFFFF  }
0xbf: {  	[dreg:$0x0] =	wrdreg $0xFFFFFFFF;
	(pc) =	sbr.abs _section_cstart, $3  }
0xc0: {  	[dreg:$0x1] =	wrdreg $0xFFFFFFFF  }
0xc1: {  	_ =	task.clear_ibuf [dreg:s6], $0x2FFFF;
	_ =	strace $0x9FFFFFFF  }
0xc2: {  	(tm) =	ssettm $0x7FFFFFFF  }
0xc3: {  	_ =	shalt  }
tec
execute0_lowered:
.L_overlay_start_1:
0x0: {  	(tag) =	ssettag $0x1  }
0x1: {  	s0 =	rddreg [dreg:$0x0];
	s1 =	srdreg.scid  }
0x2: {  	s9 =	stileid.u32;
	s2 =	rddreg [dreg:$0x1]  }
0x3: {  	s5 =	simm.s32 $0x0;
	s15 =	simm.s32 $0x80;
	s16 =	simm.s32 $0xA000  }
0x4: {  	s17 =	simm.s32 $0xB000;
	s19 =	simm.s32 $0xC000;
	s28 =	simm.s32 $0x10000  }
0x5: {  	s30 =	simm.s32 $0x11000;
	s31 =	simm.s32 $0x1;
	s12 =	simm.s32 $0x4  }
0x6: {  	s18 =	simm.s32 $0x5;
	s20 =	simm.s32 $0x6;
	s29 =	simm.s32 $0xA  }
0x7: {  	s10 =	simm.s32 $0xF;
	s11 =	simm.s32 $0x10;
	s3 =	smul.u32 $0x5000, s9  }
0x8: {  	s14 =	simm.s32 $0x0;
	s1 =	sand.u32 $0x1, s1;
	s21 =	smul.u32 $0xA000, s9  }
0x9: {  	[smem:$0x7FF] =	sst s5;
	s24 =	sshll.u32 s9, $0x6;
	s4 =	smul.u32 $0x50000, s1  }
0xa: {  	s9 =	simm.s32 $0xE;
	_ =	strace $0x8000004A;
	s7 =	smul.u32 $0xA0000, s1  }
0xb: {  	s1 =	ssub.s32 $0x2, s1;
	[dreg:$0x5] =	wrdreg s24;
	s8 =	sshrl.u32 s21, $0x4  }
0xc: {  	s22 =	sshrl.u32 s1, $0x1;
	s5 =	sshrl.u32 s21, $0x1;
	s6 =	sadd.s32 s3, s4  }
0xd: {  	s4 =	sadd.s32 $0x2B400, s0;
	s3 =	sshrl.u32 s3, $0x3;
	s7 =	sadd.s32 s21, s7  }
0xe: {  	s8 =	sadd.s32 s8, s0;
	s1 =	ssub.s32 s1, s22;
	s23 =	sadd.s32 s5, s2  }
0xf: {  	s5 =	sor.u32 $0x1C11, s24;
	s21 =	simm.s32 $0xD000;
	s22 =	simm.s32 $0x7  }
0x10: {  	s24 =	simm.s32 $0x8;
	s6 =	sshrl.u32 s6, $0x3;
	s3 =	sadd.s32 s3, s0  }
0x11: {  	s7 =	sshrl.u32 s7, $0x4;
	s25 =	sadd.s32 $0xD400, s8;
	[dreg:$0x7] =	wrdreg s5  }
0x12: {  	s26 =	smax.u32 s1, $0x1;
	s13 =	sshrl.u32 s23, $0x3;
	s23 =	simm.s32 $0xE000  }
0x13: {  	s1 =	simm.s32 $0x2;
	s5 =	simm.s32 $0xB;
	[dreg:$0x6] =	wrdreg s25  }
0x14: {  	s8 =	simm.s32 $0xD;
	s6 =	sadd.s32 s6, s0;
	[dreg:$0x9] =	wrdreg s26  }
0x15: {  	s0 =	sadd.s32 s7, s0;
	s3 =	sadd.s32 $0x2400, s3;
	[dreg:$0xa] =	wrdreg s13  }
0x16: {  	s25 =	simm.s32 $0xF000;
	s6 =	sadd.s32 $0x17400, s6;
	[dreg:$0x4] =	wrdreg s3  }
0x17: {  	s26 =	simm.s32 $0x9;
	s0 =	sadd.s32 $0x3F400, s0;
	[dreg:$0x3] =	wrdreg s6  }
0x18: {  	[dreg:$0x8] =	wrdreg s0;
	s0 =	simm.s32 $0x3;
	s6 =	simm.s32 $0xC  }
.LBB2_1:
0x19: {  	[dreg:$0xb] =	wrdreg s14  }
0x1a: {  	s7 =	simm.s32 $0x0;
	s14 =	rddreg [dreg:$0x3]  }
0x1b: {  	[tilespmem:s7], [sflag:$0x11] =	stream.linear.gather [hbm4b:s14+s7], $0x5000, $0x38;
	[tilespmem:$0x17000] =	vst v63  }
0x1c: {  	s3 =	smov.u32 s13;
	s13 =	rddreg [dreg:$0x4];
	s14 =	simm.s32 $0x5000  }
0x1d: {  	[tilespmem:s14], [sflag:$0x11] =	stream.linear.gather [hbm4b:s13+s7], $0x5000, $0x38;
	[tilespmem:$0x17000] =	vst v63  }
0x1e: {  	s13 =	rddreg [dreg:$0x6]  }
0x1f: {  	s14 =	rddreg [dreg:$0x7]  }
0x20: {  	[spmem:s3], [sflag:s14] =	dma.local [hbm:s13], $0xA00  }
0x21: {  	s14 =	simm.s32 $0x11  }
0x22: {  	_ =	swait.ge [sflag:s14], $0x5000  }
0x23: {  	[sflag:s14] =	ssyncset.done $0x0  }
0x24: {  	[sflag:s14] =	ssyncadd.s32 $0xFFFFB000  }
0x25: {  	_ =	swait.ge [sflag:s14], $0x5000  }
0x26: {  	[sflag:s14] =	ssyncset.done $0x0  }
0x27: {  	[sflag:s14] =	ssyncadd.s32 $0xFFFFB000  }
0x28: {  	_ =	swait.ge [sflag:s14], $0xA00  }
0x29: {  	[sflag:s14] =	ssyncset.done $0x0  }
0x2a: {  	[sflag:s14] =	ssyncadd.s32 $0xFFFFF600  }
0x2b: {  	[bflag:$0x0] =	sbarrier.arrive $0xFFFF  }
0x2c: {  	[tilespmem:s16], [sflag:$0x1] =	stream.indirect.gather [hbm4b:s4+s15], $0x20, s7, s15, $0xb8;
	[tilespmem:$0x17000] =	vst v63  }
0x2d: {  	_ = 	snop  }
0x2e: {  	[tilespmem:s17], [sflag:$0x2] =	stream.indirect.gather [hbm4b:s4+s15], $0x20, s15, s15, $0xb8;
	[tilespmem:$0x17000] =	vst v63  }
0x2f: {  	s7 =	simm.s32 $0x100  }
0x30: {  	[tilespmem:s19], [sflag:$0x3] =	stream.indirect.gather [hbm4b:s4+s15], $0x20, s7, s15, $0xb8;
	[tilespmem:$0x17000] =	vst v63  }
0x31: {  	s13 =	simm.s32 $0x180  }
0x32: {  	[tilespmem:s21], [sflag:$0x4] =	stream.indirect.gather [hbm4b:s4+s15], $0x20, s13, s15, $0xb8;
	[tilespmem:$0x17000] =	vst v63  }
0x33: {  	s14 =	simm.s32 $0x200  }
0x34: {  	[tilespmem:s23], [sflag:$0x5] =	stream.indirect.gather [hbm4b:s4+s15], $0x20, s14, s15, $0xb8;
	[tilespmem:$0x17000] =	vst v63  }
0x35: {  	s7 =	simm.s32 $0x280  }
0x36: {  	[tilespmem:s25], [sflag:$0x6] =	stream.indirect.gather [hbm4b:s4+s15], $0x20, s7, s15, $0xb8;
	[tilespmem:$0x17000] =	vst v63  }
0x37: {  	s13 =	simm.s32 $0x300  }
0x38: {  	[tilespmem:s28], [sflag:$0x7] =	stream.indirect.gather [hbm4b:s4+s15], $0x20, s13, s15, $0xb8;
	[tilespmem:$0x17000] =	vst v63  }
0x39: {  	s14 =	simm.s32 $0x380  }
0x3a: {  	[tilespmem:s30], [sflag:$0x8] =	stream.indirect.gather [hbm4b:s4+s15], $0x20, s14, s15, $0xb8;
	[tilespmem:$0x17000] =	vst v63  }
0x3b: {  	_ =	swait.ge [sflag:s31], $0x1000  }
0x3c: {  	[sflag:s31] =	ssyncset.done $0x0  }
0x3d: {  	s3 =	simm.s32 $0x5000;
	[sflag:s31] =	ssyncadd.s32 $0xFFFFF000  }
0x3e: {  	[spmem:s2] =	stream.indirect.scatter.add.bf16 [tilespmem:s16], [sflag:$0x9], $0x20, s3, s15, $0xb8;
	[tilespmem:$0x17000] =	vst v63  }
0x3f: {  	_ =	swait.ge [sflag:s1], $0x1000  }
0x40: {  	[sflag:s1] =	ssyncset.done $0x0  }
0x41: {  	s13 =	simm.s32 $0x5080;
	[sflag:s1] =	ssyncadd.s32 $0xFFFFF000  }
0x42: {  	[spmem:s2] =	stream.indirect.scatter.add.bf16 [tilespmem:s17], [sflag:$0xA], $0x20, s13, s15, $0xb8;
	[tilespmem:$0x17000] =	vst v63  }
0x43: {  	_ =	swait.ge [sflag:s0], $0x1000  }
0x44: {  	[sflag:s0] =	ssyncset.done $0x0  }
0x45: {  	s14 =	simm.s32 $0x5100;
	[sflag:s0] =	ssyncadd.s32 $0xFFFFF000  }
0x46: {  	[spmem:s2] =	stream.indirect.scatter.add.bf16 [tilespmem:s19], [sflag:$0xB], $0x20, s14, s15, $0xb8;
	[tilespmem:$0x17000] =	vst v63  }
0x47: {  	_ =	swait.ge [sflag:s12], $0x1000  }
0x48: {  	[sflag:s12] =	ssyncset.done $0x0  }
0x49: {  	s3 =	simm.s32 $0x5180;
	[sflag:s12] =	ssyncadd.s32 $0xFFFFF000  }
0x4a: {  	[spmem:s2] =	stream.indirect.scatter.add.bf16 [tilespmem:s21], [sflag:$0xC], $0x20, s3, s15, $0xb8;
	[tilespmem:$0x17000] =	vst v63  }
0x4b: {  	_ =	swait.ge [sflag:s18], $0x1000  }
0x4c: {  	[sflag:s18] =	ssyncset.done $0x0  }
0x4d: {  	s13 =	simm.s32 $0x5200;
	[sflag:s18] =	ssyncadd.s32 $0xFFFFF000  }
0x4e: {  	[spmem:s2] =	stream.indirect.scatter.add.bf16 [tilespmem:s23], [sflag:$0xD], $0x20, s13, s15, $0xb8;
	[tilespmem:$0x17000] =	vst v63  }
0x4f: {  	_ =	swait.ge [sflag:s20], $0x1000  }
0x50: {  	[sflag:s20] =	ssyncset.done $0x0  }
0x51: {  	s14 =	simm.s32 $0x5280;
	[sflag:s20] =	ssyncadd.s32 $0xFFFFF000  }
0x52: {  	[spmem:s2] =	stream.indirect.scatter.add.bf16 [tilespmem:s25], [sflag:$0xE], $0x20, s14, s15, $0xb8;
	[tilespmem:$0x17000] =	vst v63  }
0x53: {  	_ =	swait.ge [sflag:s22], $0x1000  }
0x54: {  	[sflag:s22] =	ssyncset.done $0x0  }
0x55: {  	s3 =	simm.s32 $0x5300;
	[sflag:s22] =	ssyncadd.s32 $0xFFFFF000  }
0x56: {  	[spmem:s2] =	stream.indirect.scatter.add.bf16 [tilespmem:s28], [sflag:$0xF], $0x20, s3, s15, $0xb8;
	[tilespmem:$0x17000] =	vst v63  }
0x57: {  	_ =	swait.ge [sflag:s24], $0x1000  }
0x58: {  	[sflag:s24] =	ssyncset.done $0x0  }
0x59: {  	s13 =	simm.s32 $0x5380;
	[sflag:s24] =	ssyncadd.s32 $0xFFFFF000  }
0x5a: {  	[spmem:s2] =	stream.indirect.scatter.add.bf16 [tilespmem:s30], [sflag:$0x10], $0x20, s13, s15, $0xb8;
	[tilespmem:$0x17000] =	vst v63  }
0x5b: {  	_ =	swait.ge [sflag:s26], $0x1000  }
0x5c: {  	[sflag:s26] =	ssyncset.done $0x0  }
0x5d: {  	s14 =	simm.s32 $0x400;
	[sflag:s26] =	ssyncadd.s32 $0xFFFFF000  }
0x5e: {  	[tilespmem:s16], [sflag:$0x1] =	stream.indirect.gather [hbm4b:s4+s15], $0x20, s14, s15, $0xb8;
	[tilespmem:$0x17000] =	vst v63  }
0x5f: {  	_ =	swait.ge [sflag:s29], $0x1000  }
0x60: {  	[sflag:s29] =	ssyncset.done $0x0  }
0x61: {  	s3 =	simm.s32 $0x480;
	[sflag:s29] =	ssyncadd.s32 $0xFFFFF000  }
0x62: {  	[tilespmem:s17], [sflag:$0x2] =	stream.indirect.gather [hbm4b:s4+s15], $0x20, s3, s15, $0xb8;
	[tilespmem:$0x17000] =	vst v63  }
0x63: {  	_ =	swait.ge [sflag:s5], $0x1000  }
0x64: {  	[sflag:s5] =	ssyncset.done $0x0  }
0x65: {  	s13 =	simm.s32 $0x500;
	[sflag:s5] =	ssyncadd.s32 $0xFFFFF000  }
0x66: {  	[tilespmem:s19], [sflag:$0x3] =	stream.indirect.gather [hbm4b:s4+s15], $0x20, s13, s15, $0xb8;
	[tilespmem:$0x17000] =	vst v63  }
0x67: {  	_ =	swait.ge [sflag:s6], $0x1000  }
0x68: {  	[sflag:s6] =	ssyncset.done $0x0  }
0x69: {  	s14 =	simm.s32 $0x580;
	[sflag:s6] =	ssyncadd.s32 $0xFFFFF000  }
0x6a: {  	[tilespmem:s21], [sflag:$0x4] =	stream.indirect.gather [hbm4b:s4+s15], $0x20, s14, s15, $0xb8;
	[tilespmem:$0x17000] =	vst v63  }
0x6b: {  	_ =	swait.ge [sflag:s8], $0x1000  }
0x6c: {  	[sflag:s8] =	ssyncset.done $0x0  }
0x6d: {  	s3 =	simm.s32 $0x600;
	[sflag:s8] =	ssyncadd.s32 $0xFFFFF000  }
0x6e: {  	[tilespmem:s23], [sflag:$0x5] =	stream.indirect.gather [hbm4b:s4+s15], $0x20, s3, s15, $0xb8;
	[tilespmem:$0x17000] =	vst v63  }
0x6f: {  	_ =	swait.ge [sflag:s9], $0x1000  }
0x70: {  	[sflag:s9] =	ssyncset.done $0x0  }
0x71: {  	s13 =	simm.s32 $0x680;
	[sflag:s9] =	ssyncadd.s32 $0xFFFFF000  }
0x72: {  	[tilespmem:s25], [sflag:$0x6] =	stream.indirect.gather [hbm4b:s4+s15], $0x20, s13, s15, $0xb8;
	[tilespmem:$0x17000] =	vst v63  }
0x73: {  	_ =	swait.ge [sflag:s10], $0x1000  }
0x74: {  	[sflag:s10] =	ssyncset.done $0x0  }
0x75: {  	s14 =	simm.s32 $0x700;
	[sflag:s10] =	ssyncadd.s32 $0xFFFFF000  }
0x76: {  	[tilespmem:s28], [sflag:$0x7] =	stream.indirect.gather [hbm4b:s4+s15], $0x20, s14, s15, $0xb8;
	[tilespmem:$0x17000] =	vst v63  }
0x77: {  	_ =	swait.ge [sflag:s11], $0x1000  }
0x78: {  	[sflag:s11] =	ssyncset.done $0x0  }
0x79: {  	s7 =	simm.s32 $0x1000;
	s13 =	simm.s32 $0x780;
	[sflag:s11] =	ssyncadd.s32 $0xFFFFF000  }
.LBB2_2:
0x7a: {  	[tilespmem:s30], [sflag:$0x8] =	stream.indirect.gather [hbm4b:s4+s15], $0x20, s13, s15, $0xb8;
	[tilespmem:$0x17000] =	vst v63  }
0x7b: {  	s13 =	smov.u32 s7  }
0x7c: {  	p0 =	sne.s32 s7, $0x12000;
	s7 =	sadd.s32 $0x1000, s7;
	_ =	swait.ge [sflag:s31], $0x1000  }
0x7d: {  	s13 =	sshra.s32 s13, $0x2;
	[sflag:s31] =	ssyncset.done $0x0  }
0x7e: {  	s14 =	sadd.s32 $0x5000, s13;
	[sflag:s31] =	ssyncadd.s32 $0xFFFFF000  }
0x7f: {  	[spmem:s2] =	stream.indirect.scatter.add.bf16 [tilespmem:s16], [sflag:$0x9], $0x20, s14, s15, $0xb8;
	[tilespmem:$0x17000] =	vst v63  }
0x80: {  	_ =	swait.ge [sflag:s1], $0x1000  }
0x81: {  	[sflag:s1] =	ssyncset.done $0x0  }
0x82: {  	s14 =	sadd.s32 $0x5080, s13;
	[sflag:s1] =	ssyncadd.s32 $0xFFFFF000  }
0x83: {  	[spmem:s2] =	stream.indirect.scatter.add.bf16 [tilespmem:s17], [sflag:$0xA], $0x20, s14, s15, $0xb8;
	[tilespmem:$0x17000] =	vst v63  }
0x84: {  	_ =	swait.ge [sflag:s0], $0x1000  }
0x85: {  	[sflag:s0] =	ssyncset.done $0x0  }
0x86: {  	s14 =	sadd.s32 $0x5100, s13;
	[sflag:s0] =	ssyncadd.s32 $0xFFFFF000  }
0x87: {  	[spmem:s2] =	stream.indirect.scatter.add.bf16 [tilespmem:s19], [sflag:$0xB], $0x20, s14, s15, $0xb8;
	[tilespmem:$0x17000] =	vst v63  }
0x88: {  	_ =	swait.ge [sflag:s12], $0x1000  }
0x89: {  	[sflag:s12] =	ssyncset.done $0x0  }
0x8a: {  	s14 =	sadd.s32 $0x5180, s13;
	[sflag:s12] =	ssyncadd.s32 $0xFFFFF000  }
0x8b: {  	[spmem:s2] =	stream.indirect.scatter.add.bf16 [tilespmem:s21], [sflag:$0xC], $0x20, s14, s15, $0xb8;
	[tilespmem:$0x17000] =	vst v63  }
0x8c: {  	_ =	swait.ge [sflag:s18], $0x1000  }
0x8d: {  	[sflag:s18] =	ssyncset.done $0x0  }
0x8e: {  	s14 =	sadd.s32 $0x5200, s13;
	[sflag:s18] =	ssyncadd.s32 $0xFFFFF000  }
0x8f: {  	[spmem:s2] =	stream.indirect.scatter.add.bf16 [tilespmem:s23], [sflag:$0xD], $0x20, s14, s15, $0xb8;
	[tilespmem:$0x17000] =	vst v63  }
0x90: {  	_ =	swait.ge [sflag:s20], $0x1000  }
0x91: {  	[sflag:s20] =	ssyncset.done $0x0  }
0x92: {  	s14 =	sadd.s32 $0x5280, s13;
	[sflag:s20] =	ssyncadd.s32 $0xFFFFF000  }
0x93: {  	[spmem:s2] =	stream.indirect.scatter.add.bf16 [tilespmem:s25], [sflag:$0xE], $0x20, s14, s15, $0xb8;
	[tilespmem:$0x17000] =	vst v63  }
0x94: {  	_ =	swait.ge [sflag:s22], $0x1000  }
0x95: {  	[sflag:s22] =	ssyncset.done $0x0  }
0x96: {  	s14 =	sadd.s32 $0x5300, s13;
	[sflag:s22] =	ssyncadd.s32 $0xFFFFF000  }
0x97: {  	[spmem:s2] =	stream.indirect.scatter.add.bf16 [tilespmem:s28], [sflag:$0xF], $0x20, s14, s15, $0xb8;
	[tilespmem:$0x17000] =	vst v63  }
0x98: {  	_ =	swait.ge [sflag:s24], $0x1000  }
0x99: {  	[sflag:s24] =	ssyncset.done $0x0  }
0x9a: {  	s14 =	sadd.s32 $0x5380, s13;
	[sflag:s24] =	ssyncadd.s32 $0xFFFFF000  }
0x9b: {  	[spmem:s2] =	stream.indirect.scatter.add.bf16 [tilespmem:s30], [sflag:$0x10], $0x20, s14, s15, $0xb8;
	[tilespmem:$0x17000] =	vst v63  }
0x9c: {  	_ =	swait.ge [sflag:s26], $0x1000  }
0x9d: {  	[sflag:s26] =	ssyncset.done $0x0  }
0x9e: {  	s14 =	sadd.s32 $0x400, s13;
	[sflag:s26] =	ssyncadd.s32 $0xFFFFF000  }
0x9f: {  	[tilespmem:s16], [sflag:$0x1] =	stream.indirect.gather [hbm4b:s4+s15], $0x20, s14, s15, $0xb8;
	[tilespmem:$0x17000] =	vst v63  }
0xa0: {  	_ =	swait.ge [sflag:s29], $0x1000  }
0xa1: {  	[sflag:s29] =	ssyncset.done $0x0  }
0xa2: {  	s14 =	sadd.s32 $0x480, s13;
	[sflag:s29] =	ssyncadd.s32 $0xFFFFF000  }
0xa3: {  	[tilespmem:s17], [sflag:$0x2] =	stream.indirect.gather [hbm4b:s4+s15], $0x20, s14, s15, $0xb8;
	[tilespmem:$0x17000] =	vst v63  }
0xa4: {  	_ =	swait.ge [sflag:s5], $0x1000  }
0xa5: {  	[sflag:s5] =	ssyncset.done $0x0  }
0xa6: {  	s14 =	sadd.s32 $0x500, s13;
	[sflag:s5] =	ssyncadd.s32 $0xFFFFF000  }
0xa7: {  	[tilespmem:s19], [sflag:$0x3] =	stream.indirect.gather [hbm4b:s4+s15], $0x20, s14, s15, $0xb8;
	[tilespmem:$0x17000] =	vst v63  }
0xa8: {  	_ =	swait.ge [sflag:s6], $0x1000  }
0xa9: {  	[sflag:s6] =	ssyncset.done $0x0  }
0xaa: {  	s14 =	sadd.s32 $0x580, s13;
	[sflag:s6] =	ssyncadd.s32 $0xFFFFF000  }
0xab: {  	[tilespmem:s21], [sflag:$0x4] =	stream.indirect.gather [hbm4b:s4+s15], $0x20, s14, s15, $0xb8;
	[tilespmem:$0x17000] =	vst v63  }
0xac: {  	_ =	swait.ge [sflag:s8], $0x1000  }
0xad: {  	[sflag:s8] =	ssyncset.done $0x0  }
0xae: {  	s14 =	sadd.s32 $0x600, s13;
	[sflag:s8] =	ssyncadd.s32 $0xFFFFF000  }
0xaf: {  	[tilespmem:s23], [sflag:$0x5] =	stream.indirect.gather [hbm4b:s4+s15], $0x20, s14, s15, $0xb8;
	[tilespmem:$0x17000] =	vst v63  }
0xb0: {  	_ =	swait.ge [sflag:s9], $0x1000  }
0xb1: {  	[sflag:s9] =	ssyncset.done $0x0  }
0xb2: {  	s14 =	sadd.s32 $0x680, s13;
	[sflag:s9] =	ssyncadd.s32 $0xFFFFF000  }
0xb3: {  	[tilespmem:s25], [sflag:$0x6] =	stream.indirect.gather [hbm4b:s4+s15], $0x20, s14, s15, $0xb8;
	[tilespmem:$0x17000] =	vst v63  }
0xb4: {  	_ =	swait.ge [sflag:s10], $0x1000  }
0xb5: {  	[sflag:s10] =	ssyncset.done $0x0  }
.Ltmp0:
0xb6: {  	s14 =	sadd.s32 $0x700, s13;
	[sflag:s10] =	ssyncadd.s32 $0xFFFFF000;
	(pc) =	sbr.rel @p0 .LBB2_2-.Ltmp0, $4  }
0xb7: {  	[tilespmem:s28], [sflag:$0x7] =	stream.indirect.gather [hbm4b:s4+s15], $0x20, s14, s15, $0xb8;
	[tilespmem:$0x17000] =	vst v63  }
0xb8: {  	_ =	swait.ge [sflag:s11], $0x1000  }
0xb9: {  	[sflag:s11] =	ssyncset.done $0x0  }
0xba: {  	s13 =	sadd.s32 $0x780, s13;
	[sflag:s11] =	ssyncadd.s32 $0xFFFFF000  }
0xbb: {  	[tilespmem:s30], [sflag:$0x8] =	stream.indirect.gather [hbm4b:s4+s15], $0x20, s13, s15, $0xb8;
	[tilespmem:$0x17000] =	vst v63  }
0xbc: {  	_ =	swait.ge [sflag:s31], $0x1000  }
0xbd: {  	[sflag:s31] =	ssyncset.done $0x0  }
0xbe: {  	s3 =	simm.s32 $0x9C00;
	[sflag:s31] =	ssyncadd.s32 $0xFFFFF000  }
0xbf: {  	[spmem:s2] =	stream.indirect.scatter.add.bf16 [tilespmem:s16], [sflag:$0x9], $0x20, s3, s15, $0xb8;
	[tilespmem:$0x17000] =	vst v63  }
0xc0: {  	_ =	swait.ge [sflag:s1], $0x1000  }
0xc1: {  	[sflag:s1] =	ssyncset.done $0x0  }
0xc2: {  	s14 =	simm.s32 $0x9C80;
	[sflag:s1] =	ssyncadd.s32 $0xFFFFF000  }
0xc3: {  	[spmem:s2] =	stream.indirect.scatter.add.bf16 [tilespmem:s17], [sflag:$0xA], $0x20, s14, s15, $0xb8;
	[tilespmem:$0x17000] =	vst v63  }
0xc4: {  	_ =	swait.ge [sflag:s0], $0x1000  }
0xc5: {  	[sflag:s0] =	ssyncset.done $0x0  }
0xc6: {  	s7 =	simm.s32 $0x9D00;
	[sflag:s0] =	ssyncadd.s32 $0xFFFFF000  }
0xc7: {  	[spmem:s2] =	stream.indirect.scatter.add.bf16 [tilespmem:s19], [sflag:$0xB], $0x20, s7, s15, $0xb8;
	[tilespmem:$0x17000] =	vst v63  }
0xc8: {  	_ =	swait.ge [sflag:s12], $0x1000  }
0xc9: {  	[sflag:s12] =	ssyncset.done $0x0  }
0xca: {  	s13 =	simm.s32 $0x9D80;
	[sflag:s12] =	ssyncadd.s32 $0xFFFFF000  }
0xcb: {  	[spmem:s2] =	stream.indirect.scatter.add.bf16 [tilespmem:s21], [sflag:$0xC], $0x20, s13, s15, $0xb8;
	[tilespmem:$0x17000] =	vst v63  }
0xcc: {  	_ =	swait.ge [sflag:s18], $0x1000  }
0xcd: {  	[sflag:s18] =	ssyncset.done $0x0  }
0xce: {  	s14 =	simm.s32 $0x9E00;
	[sflag:s18] =	ssyncadd.s32 $0xFFFFF000  }
0xcf: {  	[spmem:s2] =	stream.indirect.scatter.add.bf16 [tilespmem:s23], [sflag:$0xD], $0x20, s14, s15, $0xb8;
	[tilespmem:$0x17000] =	vst v63  }
0xd0: {  	_ =	swait.ge [sflag:s20], $0x1000  }
0xd1: {  	[sflag:s20] =	ssyncset.done $0x0  }
0xd2: {  	s7 =	simm.s32 $0x9E80;
	[sflag:s20] =	ssyncadd.s32 $0xFFFFF000  }
0xd3: {  	[spmem:s2] =	stream.indirect.scatter.add.bf16 [tilespmem:s25], [sflag:$0xE], $0x20, s7, s15, $0xb8;
	[tilespmem:$0x17000] =	vst v63  }
0xd4: {  	_ =	swait.ge [sflag:s22], $0x1000  }
0xd5: {  	[sflag:s22] =	ssyncset.done $0x0  }
0xd6: {  	s13 =	simm.s32 $0x9F00;
	[sflag:s22] =	ssyncadd.s32 $0xFFFFF000  }
0xd7: {  	[spmem:s2] =	stream.indirect.scatter.add.bf16 [tilespmem:s28], [sflag:$0xF], $0x20, s13, s15, $0xb8;
	[tilespmem:$0x17000] =	vst v63  }
0xd8: {  	_ =	swait.ge [sflag:s24], $0x1000  }
0xd9: {  	[sflag:s24] =	ssyncset.done $0x0  }
0xda: {  	s14 =	simm.s32 $0x9F80;
	[sflag:s24] =	ssyncadd.s32 $0xFFFFF000  }
0xdb: {  	[spmem:s2] =	stream.indirect.scatter.add.bf16 [tilespmem:s30], [sflag:$0x10], $0x20, s14, s15, $0xb8;
	[tilespmem:$0x17000] =	vst v63  }
0xdc: {  	_ =	swait.ge [sflag:s26], $0x1000  }
0xdd: {  	[sflag:s26] =	ssyncset.done $0x0  }
0xde: {  	[sflag:s26] =	ssyncadd.s32 $0xFFFFF000  }
0xdf: {  	_ =	swait.ge [sflag:s29], $0x1000  }
0xe0: {  	[sflag:s29] =	ssyncset.done $0x0  }
0xe1: {  	[sflag:s29] =	ssyncadd.s32 $0xFFFFF000  }
0xe2: {  	_ =	swait.ge [sflag:s5], $0x1000  }
0xe3: {  	[sflag:s5] =	ssyncset.done $0x0  }
0xe4: {  	[sflag:s5] =	ssyncadd.s32 $0xFFFFF000  }
0xe5: {  	_ =	swait.ge [sflag:s6], $0x1000  }
0xe6: {  	[sflag:s6] =	ssyncset.done $0x0  }
0xe7: {  	[sflag:s6] =	ssyncadd.s32 $0xFFFFF000  }
0xe8: {  	_ =	swait.ge [sflag:s8], $0x1000  }
0xe9: {  	[sflag:s8] =	ssyncset.done $0x0  }
0xea: {  	[sflag:s8] =	ssyncadd.s32 $0xFFFFF000  }
0xeb: {  	_ =	swait.ge [sflag:s9], $0x1000  }
0xec: {  	[sflag:s9] =	ssyncset.done $0x0  }
0xed: {  	[sflag:s9] =	ssyncadd.s32 $0xFFFFF000  }
0xee: {  	_ =	swait.ge [sflag:s10], $0x1000  }
0xef: {  	[sflag:s10] =	ssyncset.done $0x0  }
0xf0: {  	[sflag:s10] =	ssyncadd.s32 $0xFFFFF000  }
0xf1: {  	_ =	swait.ge [sflag:s11], $0x1000  }
0xf2: {  	[sflag:s11] =	ssyncset.done $0x0  }
0xf3: {  	[sflag:s11] =	ssyncadd.s32 $0xFFFFF000  }
0xf4: {  	[bflag:$0x0] =	sbarrier.arrive $0xFFFF  }
0xf5: {  	s7 =	rddreg [dreg:$0x5]  }
0xf6: {  	s3 =	rddreg [dreg:$0x8]  }
0xf7: {  	s14 =	rddreg [dreg:$0xa];
	s7 =	sor.u32 $0x1C12, s7  }
0xf8: {  	[hbm:s3], [sflag:s7] =	dma.local [spmem:s14], $0xA00  }
0xf9: {  	s3 =	simm.s32 $0x12  }
0xfa: {  	_ =	swait.ge [sflag:s3], $0xA00  }
0xfb: {  	s13 =	smov.u32 s14;
	s14 =	rddreg [dreg:$0xb]  }
0xfc: {  	s7 =	rddreg [dreg:$0x9];
	s14 =	sadd.s32 $0x1, s14  }
0xfd: {  	p0 =	sne.s32 s14, s7  }
.Ltmp1:
0xfe: {  	_ = 	snop;
	(pc) =	sbr.rel @p0 .LBB2_1-.Ltmp1, $3  }
0xff: {  	_ =	sdelay $0x1  }
0x100: {  	[sflag:s3] =	ssyncset.done $0x0  }
0x101: {  	[sflag:s3] =	ssyncadd.s32 $0xFFFFF600  }
0x102: {  	_ =	sfence.sel $0x180000  }
0x103: {  	[bflag:$0x0] =	sbarrier.arrive $0xFFFF  }
0x104: {  	_ =	strace $0x9000004A  }
0x105: {  	s0 =	stileid.u32;
	[bflag:$0x2] =	sbarrier.arrive $0xFFFF  }
0x106: {  	p0 =	sne.s32 s0, $0x0;
	s0 =	rddreg [dreg:$0x2]  }
0x107: {  	s0 =	sadd.s32 @!p0 $0x100000, s0  }
0x108: {  	[sflag:s0] =	ssyncadd.tile.s32 @!p0 $0x1;
	_ =	shalt  }
.Lfunc_end2:
_tile_overlayer_lowered:
.L_overlay_start_2:
0x109: {  	(tag) =	ssettag $0x2  }
0x10a: {  	s0 =	rddreg [dreg:$0x0];
	s2 =	stileid.u32  }
0x10b: {  	s1 =	rddreg [dreg:$0x1];
	p0 =	sne.s32 s2, $0x0  }
0x10c: {  	s3 =	rddreg [dreg:$0x2];
	[bflag:$0x3] =	sbarrier.arrive $0xFFFF;
	s2 =	simm.s32 @!p0 $0x1C12  }
0x10d: {  	[timem:s3], [sflag:s2] =	dma.local @!p0 [hbm:s0], s1  }
0x10e: {  	s0 =	simm.s32 @!p0 $0x12  }
0x10f: {  	_ =	swait.ge @!p0 [sflag:s0], s1  }
0x110: {  	s1 =	ssub.s32 @!p0 $0x0, s1;
	[sflag:s0] =	ssyncset.done @!p0 $0x0  }
0x111: {  	[sflag:s0] =	ssyncadd.s32 @!p0 s1  }
0x112: {  	[bflag:$0x3] =	sbarrier.arrive $0xFFFF  }
0x113: {  	_ =	shalt  }

// kernel: kernel.14.cloned.1.call-start
scs
__scs_entry_jumppad:
0x0: {  	(pc) =	sbr.rel $0x88, $3  }
0x1: {  	(tag) =	ssettag $0x0;
	lr =	simm.s32 $0x1  }
0x2: {  	[smem:$0x3F93] =	sst lr;
	_ =	strace $0xD0000000  }
0x3: {  	_ = 	snop  }
0x4: {  	_ = 	snop  }
0x5: {  	_ = 	snop  }
0x6: {  	_ = 	snop  }
0x7: {  	_ = 	snop  }
__scs_overlays_trampoline_lowered:
0x8: {  	[smem:$0x3FA2] =	sst s0  }
0x9: {  	[smem:$0x3FA3] =	sst s1  }
0xa: {  	[smem:$0x3FA4] =	sst s2  }
0xb: {  	[smem:$0x3FA5] =	sst s3  }
0xc: {  	[smem:$0x3FA6] =	sst s4  }
0xd: {  	[smem:$0x3FA7] =	sst s5  }
0xe: {  	[smem:$0x3FA8] =	sst s6  }
0xf: {  	[smem:$0x3FA9] =	sst s7  }
0x10: {  	[smem:$0x3FAA] =	sst s8  }
0x11: {  	[smem:$0x3FAB] =	sst s9;
	s0 =	simm.s32 @!p0 $0x0  }
0x12: {  	s1 =	sld [smem:$0x3F91];
	s0 =	simm.s32 @p0 $0x1  }
0x13: {  	[smem:$0x3FAC] =	sst s0;
	s0 =	simm.s32 @!p1 $0x0  }
0x14: {  	s2 =	sld [smem:$0x3F90];
	s0 =	simm.s32 @p1 $0x1  }
0x15: {  	[smem:$0x3FAD] =	sst s0;
	s0 =	simm.s32 @!p2 $0x0  }
0x16: {  	s3 =	sld [smem:$0x3FDB];
	s0 =	simm.s32 @p2 $0x1  }
0x17: {  	s4 =	simm.s32 $0x1BF5;
	[smem:$0x3FAF] =	sst s0  }
0x18: {  	s0 =	sld [smem:$0x3F92];
	_ =	swait.ge [sflag:s4], $0x0  }
0x19: {  	s7 =	sld [smem:$0x3F93]  }
0x1a: {  	s8 =	sadd.s32 $0xFFFFE003, lr  }
0x1b: {  	s9 =	sadd.s32 $0xFFFFFEF7, lr;
	s5 =	simm.s32 $0xFFFFFFFF;
	p2 =	slt.u32 s8, $0xFFFFF086  }
0x1c: {  	p1 =	slt.u32 s9, $0xF7A;
	s5 =	simm.s32 @!p2 $0x0  }
0x1d: {  	s5 =	simm.s32 @p1 $0x1;
	p0 =	seq.s32 s7, s2  }
0x1e: {  	s7 =	smul.u32 @!p0 $0xF7A, s2;
	p2 =	seq.s32 @!p0 s5, $0x0  }
0x1f: {  	s9 =	smul.u32 $0xF7A, s1;
	s8 =	simm.s32 @!p0 $0x1BF5;
	p2 =	por !p2, p0  }
0x20: {  	[sflag:s8] =	ssyncset.s32 @!p0 $0xFFFFF086;
	s6 =	sadd.s32 @!p0 s3, s7;
	s7 =	simm.s32 @!p0 $0x108  }
0x21: {  	s3 =	sadd.s32 s3, s9;
	s6 =	sadd.s32 @!p0 $0x88, s6;
	s7 =	simm.s32 @p2 $0x1082  }
0x22: {  	[simem:s7], [sflag:s8] =	dma.local @!p0 [hbm:s6], $0xF7A  }
0x23: {  	s9 =	sor.u32 $0xD0000000, s2;
	s6 =	simm.s32 $0x108;
	_ =	swait.ge @!p0 [sflag:s8], $0x0  }
0x24: {  	s3 =	sadd.s32 $0x88, s3;
	s6 =	simm.s32 @!p1 $0x1082;
	[sflag:s4] =	ssyncset.s32 $0xFFFFF086  }
0x25: {  	[simem:s6], [sflag:s4] =	dma.local [hbm:s3], $0xF7A  }
0x26: {  	[smem:$0x3F93] =	sst s1;
	(tag) =	ssettag s2;
	_ =	strace s9  }
0x27: {  	s1 =	sld [smem:$0x3FA3]  }
0x28: {  	s2 =	sld [smem:$0x3FA4]  }
0x29: {  	s4 =	sld [smem:$0x3FA6]  }
0x2a: {  	p0 =	seq.s32 s5, $0x0;
	s5 =	sld [smem:$0x3FA7]  }
0x2b: {  	s6 =	sld [smem:$0x3FA8]  }
0x2c: {  	s7 =	sld [smem:$0x3FA9]  }
0x2d: {  	s3 =	simm.s32 $0x108;
	s8 =	sld [smem:$0x3FAA]  }
0x2e: {  	s3 =	simm.s32 @!p0 $0x1082;
	s9 =	sld [smem:$0x3FAB]  }
0x2f: {  	lr =	sadd.s32 s0, s3;
	s0 =	sld [smem:$0x3FA2]  }
0x30: {  	s3 =	sld [smem:$0x3FA5]  }
0x31: {  	[smem:$0x3FAE] =	sst s10  }
0x32: {  	s10 =	sld [smem:$0x3FAC];
	_ =	sdelay $0x3  }
0x33: {  	p0 =	seq.s32 s10, $0x1;
	s10 =	sld [smem:$0x3FAE];
	_ =	sdelay $0x3  }
0x34: {  	[smem:$0x3FAE] =	sst s10  }
0x35: {  	s10 =	sld [smem:$0x3FAD];
	_ =	sdelay $0x3  }
0x36: {  	p1 =	seq.s32 s10, $0x1;
	s10 =	sld [smem:$0x3FAE];
	_ =	sdelay $0x3  }
0x37: {  	[smem:$0x3FAE] =	sst s10  }
0x38: {  	s10 =	sld [smem:$0x3FAF]  }
0x39: {  	_ = 	snop;
	(pc) =	sbr.ind lr, $3  }
0x3a: {  	_ = 	snop  }
0x3b: {  	_ = 	snop  }
0x3c: {  	p2 =	seq.s32 s10, $0x1;
	s10 =	sld [smem:$0x3FAE]  }
0x3d: {  	_ =	shalt  }
0x3e: {  	_ =	shalt  }
0x3f: {  	_ =	shalt  }
0x40: {  	_ =	shalt  }
0x41: {  	_ =	shalt  }
0x42: {  	_ =	shalt  }
0x43: {  	_ =	shalt  }
0x44: {  	_ =	shalt  }
0x45: {  	_ =	shalt  }
0x46: {  	_ =	shalt  }
0x47: {  	_ =	shalt  }
0x48: {  	_ =	shalt  }
0x49: {  	_ =	shalt  }
0x4a: {  	_ =	shalt  }
0x4b: {  	_ =	shalt  }
0x4c: {  	_ =	shalt  }
0x4d: {  	_ =	shalt  }
0x4e: {  	_ =	shalt  }
0x4f: {  	_ =	shalt  }
0x50: {  	_ =	shalt  }
0x51: {  	_ =	shalt  }
0x52: {  	_ =	shalt  }
0x53: {  	_ =	shalt  }
0x54: {  	_ =	shalt  }
0x55: {  	_ =	shalt  }
0x56: {  	_ =	shalt  }
0x57: {  	_ =	shalt  }
0x58: {  	_ =	shalt  }
0x59: {  	_ =	shalt  }
0x5a: {  	_ =	shalt  }
0x5b: {  	_ =	shalt  }
0x5c: {  	_ =	shalt  }
0x5d: {  	_ =	shalt  }
0x5e: {  	_ =	shalt  }
0x5f: {  	_ =	shalt  }
0x60: {  	_ =	shalt  }
0x61: {  	_ =	shalt  }
0x62: {  	_ =	shalt  }
0x63: {  	_ =	shalt  }
0x64: {  	_ =	shalt  }
0x65: {  	_ =	shalt  }
0x66: {  	_ =	shalt  }
0x67: {  	_ =	shalt  }
0x68: {  	_ =	shalt  }
0x69: {  	_ =	shalt  }
0x6a: {  	_ =	shalt  }
0x6b: {  	_ =	shalt  }
0x6c: {  	_ =	shalt  }
0x6d: {  	_ =	shalt  }
0x6e: {  	_ =	shalt  }
0x6f: {  	_ =	shalt  }
0x70: {  	_ =	shalt  }
0x71: {  	_ =	shalt  }
0x72: {  	_ =	shalt  }
0x73: {  	_ =	shalt  }
0x74: {  	_ =	shalt  }
0x75: {  	_ =	shalt  }
0x76: {  	_ =	shalt  }
0x77: {  	_ =	shalt  }
0x78: {  	_ =	shalt  }
0x79: {  	_ =	shalt  }
0x7a: {  	_ =	shalt  }
0x7b: {  	_ =	shalt  }
0x7c: {  	_ =	shalt  }
0x7d: {  	_ =	shalt  }
0x7e: {  	_ =	shalt  }
0x7f: {  	_ =	shalt  }
0x80: {  	_ =	shalt  }
0x81: {  	_ =	shalt  }
0x82: {  	_ =	shalt  }
0x83: {  	_ =	shalt  }
0x84: {  	_ =	shalt  }
0x85: {  	_ =	shalt  }
0x86: {  	_ =	shalt  }
0x87: {  	_ =	shalt  }
.Lfunc_end0:
.L_simem_size_0:
called_computation.2_lowered:
.L_overlay_start_0:
0x88: {  	s2 =	sld [smem:$0x3FD9]  }
0x89: {  	s3 =	sld [smem:$0x3FFE];
	_ =	sdelay $0x1  }
0x8a: {  	s1 =	srdreg.scid  }
0x8b: {  	s0 =	sand.u32 $0x1, s1  }
0x8c: {  	s16 =	sshll.u32 s0, $0xA;
	s2 =	sadd.s32 s3, s2  }
0x8d: {  	s2 =	sadd.s32 s2, s16  }
0x8e: {  	[smem:$0x3FBA] =	sst s2  }
0x8f: {  	_ = 	snop  }
0x90: {  	(tm) =	ssettm $0x1  }
0x91: {  	s17 =	sld [smem:$0x3FFB];
	_ =	sdelay $0x3  }
0x92: {  	_ =	strace s17  }
0x93: {  	s2 =	sld [smem:$0x3FFC];
	_ =	sdelay $0x3  }
0x94: {  	_ =	strace s2  }
0x95: {  	s2 =	sld [smem:$0x3FFD];
	_ =	sdelay $0x3  }
0x96: {  	_ =	strace s2  }
0x97: {  	_ =	strace $0x8FFFFFFF  }
0x98: {  	s18 =	sld [smem:$0x3FDB];
	_ =	sdelay $0x1  }
0x99: {  	s19 =	simm.s32 $_scs_section_size  }
0x9a: {  	s4 =	simm.s32 $_size__tile_overlayer_lowered;
	s5 =	simm.s32 $_tile_overlayer_lowered  }
0x9b: {  	s22 =	simm.s32 $0x1BFF;
	s21 =	sshll.u32 s5, $0x1;
	s2 =	sadd.s32 s19, s18  }
0x9c: {  	s6 =	simm.s32 $0x0;
	s20 =	sshll.u32 s4, $0x1;
	s4 =	sadd.s32 s21, s2  }
0x9d: {  	[timem:s6], [sflag:s22] =	dma.local [hbm:s4], s20  }
0x9e: {  	_ =	swait.ge [sflag:s22], s20  }
0x9f: {  	s3 =	ssub.s32 $0x0, s20;
	[sflag:s22] =	ssyncset.done $0x0  }
0xa0: {  	[sflag:s22] =	ssyncadd.s32 s3;
	_ =	sdelay $0x1  }
0xa1: {  	s23 =	simm.s32 $0x1B8B  }
0xa2: {  	_ =	swait.ge [sflag:s23], $0x1  }
0xa3: {  	[sflag:s23] =	ssyncset.done $0x0  }
0xa4: {  	s25 =	simm.s32 $0x1B8E;
	s24 =	sld [smem:$0x3FFE];
	[sflag:s23] =	ssyncadd.s32 $0xFFFFFFFF  }
0xa5: {  	s26 =	simm.s32 $execute0_lowered;
	[smem:$0x3FD2] =	sst s25  }
0xa6: {  	s4 =	sshll.u32 s26, $0x1;
	_ =	strace $0x8000004C;
	[dreg:$0x1] =	wrdreg $0xFFFFFFFF  }
0xa7: {  	s28 =	simm.s32 $_size_execute0_lowered;
	s2 =	sadd.s32 s2, s4;
	[dreg:$0x0] =	wrdreg $0x0  }
0xa8: {  	s4 =	sshll.u32 s28, $0x1;
	[dreg:$0x2] =	wrdreg s2  }
0xa9: {  	[dreg:$0x3] =	wrdreg s4  }
0xaa: {  	[dreg:$0x4] =	wrdreg $0xC0  }
0xab: {  	_ =	task [dreg:s6], $0x5FFFF  }
0xac: {  	[dreg:$0x1] =	wrdreg $0xFFFFFFFF  }
0xad: {  	[dreg:$0x0] =	wrdreg $0x60  }
0xae: {  	[dreg:$0x2] =	wrdreg s24  }
0xaf: {  	[dreg:$0x3] =	wrdreg $0x120000  }
0xb0: {  	[dreg:$0x4] =	wrdreg $0x9  }
0xb1: {  	_ =	task.clear_ibuf [dreg:s6], $0x5FFFF;
	_ =	strace $0x9000004C  }
0xb2: {  	s29 =	simm.s32 $0x9;
	_ =	strace $0x8000004E  }
0xb3: {  	_ =	swait.ge [sflag:s29], $0x1  }
0xb4: {  	[sflag:s29] =	ssyncadd.s32 $0xFFFFFFFF  }
0xb5: {  	_ =	strace $0x9000004E  }
0xb6: {  	_ =	sfence  }
0xb7: {  	s30 =	sld [smem:$0x0];
	_ =	sdelay $0x2  }
0xb8: {  	s31 =	sshll.u32 s1, $0xD;
	s1 =	sshrl.u32 s1, $0x2  }
0xb9: {  	s3 =	sand.u32 $0x4000, s31;
	s1 =	sadd.s32 s1, s30  }
0xba: {  	s0 =	sor.u32 s3, s0;
	s1 =	sshll.u32 s1, $0x11  }
0xbb: {  	s0 =	sor.u32 s1, s0  }
0xbc: {  	s0 =	sadd.s32 $0x8F2B, s0  }
0xbd: {  	[sflag:s0] =	ssyncadd.remote.s32 $0x1  }
0xbe: {  	_ =	sfence.sel $0xFFFF  }
0xbf: {  	[dreg:$0x0] =	wrdreg $0xFFFFFFFF;
	(pc) =	sbr.abs _section_cstart, $3  }
0xc0: {  	[dreg:$0x1] =	wrdreg $0xFFFFFFFF  }
0xc1: {  	_ =	task.clear_ibuf [dreg:s6], $0x2FFFF;
	_ =	strace $0x9FFFFFFF  }
0xc2: {  	(tm) =	ssettm $0x7FFFFFFF  }
0xc3: {  	_ =	shalt  }
tec
execute0_lowered:
.L_overlay_start_1:
0x0: {  	(tag) =	ssettag $0x1  }
0x1: {  	s0 =	rddreg [dreg:$0x0];
	s1 =	srdreg.scid  }
0x2: {  	s9 =	stileid.u32;
	s2 =	rddreg [dreg:$0x1]  }
0x3: {  	s5 =	simm.s32 $0x0;
	s15 =	simm.s32 $0x80;
	s16 =	simm.s32 $0xA000  }
0x4: {  	s17 =	simm.s32 $0xB000;
	s19 =	simm.s32 $0xC000;
	s28 =	simm.s32 $0x10000  }
0x5: {  	s30 =	simm.s32 $0x11000;
	s31 =	simm.s32 $0x1;
	s12 =	simm.s32 $0x4  }
0x6: {  	s18 =	simm.s32 $0x5;
	s20 =	simm.s32 $0x6;
	s29 =	simm.s32 $0xA  }
0x7: {  	s10 =	simm.s32 $0xF;
	s11 =	simm.s32 $0x10;
	s3 =	smul.u32 $0x5000, s9  }
0x8: {  	s14 =	simm.s32 $0x0;
	s1 =	sand.u32 $0x1, s1;
	s21 =	smul.u32 $0xA000, s9  }
0x9: {  	[smem:$0x7FF] =	sst s5;
	s24 =	sshll.u32 s9, $0x6;
	s4 =	smul.u32 $0x50000, s1  }
0xa: {  	s9 =	simm.s32 $0xE;
	_ =	strace $0x8000004D;
	s7 =	smul.u32 $0xA0000, s1  }
0xb: {  	s1 =	ssub.s32 $0x2, s1;
	[dreg:$0x5] =	wrdreg s24;
	s8 =	sshrl.u32 s21, $0x4  }
0xc: {  	s22 =	sshrl.u32 s1, $0x1;
	s5 =	sshrl.u32 s21, $0x1;
	s6 =	sadd.s32 s3, s4  }
0xd: {  	s4 =	sadd.s32 $0x2B400, s0;
	s3 =	sshrl.u32 s3, $0x3;
	s7 =	sadd.s32 s21, s7  }
0xe: {  	s8 =	sadd.s32 s8, s0;
	s1 =	ssub.s32 s1, s22;
	s23 =	sadd.s32 s5, s2  }
0xf: {  	s5 =	sor.u32 $0x1C11, s24;
	s21 =	simm.s32 $0xD000;
	s22 =	simm.s32 $0x7  }
0x10: {  	s24 =	simm.s32 $0x8;
	s6 =	sshrl.u32 s6, $0x3;
	s3 =	sadd.s32 s3, s0  }
0x11: {  	s7 =	sshrl.u32 s7, $0x4;
	s25 =	sadd.s32 $0xD400, s8;
	[dreg:$0x7] =	wrdreg s5  }
0x12: {  	s26 =	smax.u32 s1, $0x1;
	s13 =	sshrl.u32 s23, $0x3;
	s23 =	simm.s32 $0xE000  }
0x13: {  	s1 =	simm.s32 $0x2;
	s5 =	simm.s32 $0xB;
	[dreg:$0x6] =	wrdreg s25  }
0x14: {  	s8 =	simm.s32 $0xD;
	s6 =	sadd.s32 s6, s0;
	[dreg:$0x9] =	wrdreg s26  }
0x15: {  	s0 =	sadd.s32 s7, s0;
	s3 =	sadd.s32 $0x2400, s3;
	[dreg:$0xa] =	wrdreg s13  }
0x16: {  	s25 =	simm.s32 $0xF000;
	s6 =	sadd.s32 $0x17400, s6;
	[dreg:$0x4] =	wrdreg s3  }
0x17: {  	s26 =	simm.s32 $0x9;
	s0 =	sadd.s32 $0x3F400, s0;
	[dreg:$0x3] =	wrdreg s6  }
0x18: {  	[dreg:$0x8] =	wrdreg s0;
	s0 =	simm.s32 $0x3;
	s6 =	simm.s32 $0xC  }
.LBB2_1:
0x19: {  	[dreg:$0xb] =	wrdreg s14  }
0x1a: {  	s7 =	simm.s32 $0x0;
	s14 =	rddreg [dreg:$0x3]  }
0x1b: {  	[tilespmem:s7], [sflag:$0x11] =	stream.linear.gather [hbm4b:s14+s7], $0x5000, $0x38;
	[tilespmem:$0x17000] =	vst v63  }
0x1c: {  	s3 =	smov.u32 s13;
	s13 =	rddreg [dreg:$0x4];
	s14 =	simm.s32 $0x5000  }
0x1d: {  	[tilespmem:s14], [sflag:$0x11] =	stream.linear.gather [hbm4b:s13+s7], $0x5000, $0x38;
	[tilespmem:$0x17000] =	vst v63  }
0x1e: {  	s13 =	rddreg [dreg:$0x6]  }
0x1f: {  	s14 =	rddreg [dreg:$0x7]  }
0x20: {  	[spmem:s3], [sflag:s14] =	dma.local [hbm:s13], $0xA00  }
0x21: {  	s14 =	simm.s32 $0x11  }
0x22: {  	_ =	swait.ge [sflag:s14], $0x5000  }
0x23: {  	[sflag:s14] =	ssyncset.done $0x0  }
0x24: {  	[sflag:s14] =	ssyncadd.s32 $0xFFFFB000  }
0x25: {  	_ =	swait.ge [sflag:s14], $0x5000  }
0x26: {  	[sflag:s14] =	ssyncset.done $0x0  }
0x27: {  	[sflag:s14] =	ssyncadd.s32 $0xFFFFB000  }
0x28: {  	_ =	swait.ge [sflag:s14], $0xA00  }
0x29: {  	[sflag:s14] =	ssyncset.done $0x0  }
0x2a: {  	[sflag:s14] =	ssyncadd.s32 $0xFFFFF600  }
0x2b: {  	[bflag:$0x0] =	sbarrier.arrive $0xFFFF  }
0x2c: {  	[tilespmem:s16], [sflag:$0x1] =	stream.indirect.gather [hbm4b:s4+s15], $0x20, s7, s15, $0xb8;
	[tilespmem:$0x17000] =	vst v63  }
0x2d: {  	_ = 	snop  }
0x2e: {  	[tilespmem:s17], [sflag:$0x2] =	stream.indirect.gather [hbm4b:s4+s15], $0x20, s15, s15, $0xb8;
	[tilespmem:$0x17000] =	vst v63  }
0x2f: {  	s7 =	simm.s32 $0x100  }
0x30: {  	[tilespmem:s19], [sflag:$0x3] =	stream.indirect.gather [hbm4b:s4+s15], $0x20, s7, s15, $0xb8;
	[tilespmem:$0x17000] =	vst v63  }
0x31: {  	s13 =	simm.s32 $0x180  }
0x32: {  	[tilespmem:s21], [sflag:$0x4] =	stream.indirect.gather [hbm4b:s4+s15], $0x20, s13, s15, $0xb8;
	[tilespmem:$0x17000] =	vst v63  }
0x33: {  	s14 =	simm.s32 $0x200  }
0x34: {  	[tilespmem:s23], [sflag:$0x5] =	stream.indirect.gather [hbm4b:s4+s15], $0x20, s14, s15, $0xb8;
	[tilespmem:$0x17000] =	vst v63  }
0x35: {  	s7 =	simm.s32 $0x280  }
0x36: {  	[tilespmem:s25], [sflag:$0x6] =	stream.indirect.gather [hbm4b:s4+s15], $0x20, s7, s15, $0xb8;
	[tilespmem:$0x17000] =	vst v63  }
0x37: {  	s13 =	simm.s32 $0x300  }
0x38: {  	[tilespmem:s28], [sflag:$0x7] =	stream.indirect.gather [hbm4b:s4+s15], $0x20, s13, s15, $0xb8;
	[tilespmem:$0x17000] =	vst v63  }
0x39: {  	s14 =	simm.s32 $0x380  }
0x3a: {  	[tilespmem:s30], [sflag:$0x8] =	stream.indirect.gather [hbm4b:s4+s15], $0x20, s14, s15, $0xb8;
	[tilespmem:$0x17000] =	vst v63  }
0x3b: {  	_ =	swait.ge [sflag:s31], $0x1000  }
0x3c: {  	[sflag:s31] =	ssyncset.done $0x0  }
0x3d: {  	s3 =	simm.s32 $0x5000;
	[sflag:s31] =	ssyncadd.s32 $0xFFFFF000  }
0x3e: {  	[spmem:s2] =	stream.indirect.scatter.add.bf16 [tilespmem:s16], [sflag:$0x9], $0x20, s3, s15, $0xb8;
	[tilespmem:$0x17000] =	vst v63  }
0x3f: {  	_ =	swait.ge [sflag:s1], $0x1000  }
0x40: {  	[sflag:s1] =	ssyncset.done $0x0  }
0x41: {  	s13 =	simm.s32 $0x5080;
	[sflag:s1] =	ssyncadd.s32 $0xFFFFF000  }
0x42: {  	[spmem:s2] =	stream.indirect.scatter.add.bf16 [tilespmem:s17], [sflag:$0xA], $0x20, s13, s15, $0xb8;
	[tilespmem:$0x17000] =	vst v63  }
0x43: {  	_ =	swait.ge [sflag:s0], $0x1000  }
0x44: {  	[sflag:s0] =	ssyncset.done $0x0  }
0x45: {  	s14 =	simm.s32 $0x5100;
	[sflag:s0] =	ssyncadd.s32 $0xFFFFF000  }
0x46: {  	[spmem:s2] =	stream.indirect.scatter.add.bf16 [tilespmem:s19], [sflag:$0xB], $0x20, s14, s15, $0xb8;
	[tilespmem:$0x17000] =	vst v63  }
0x47: {  	_ =	swait.ge [sflag:s12], $0x1000  }
0x48: {  	[sflag:s12] =	ssyncset.done $0x0  }
0x49: {  	s3 =	simm.s32 $0x5180;
	[sflag:s12] =	ssyncadd.s32 $0xFFFFF000  }
0x4a: {  	[spmem:s2] =	stream.indirect.scatter.add.bf16 [tilespmem:s21], [sflag:$0xC], $0x20, s3, s15, $0xb8;
	[tilespmem:$0x17000] =	vst v63  }
0x4b: {  	_ =	swait.ge [sflag:s18], $0x1000  }
0x4c: {  	[sflag:s18] =	ssyncset.done $0x0  }
0x4d: {  	s13 =	simm.s32 $0x5200;
	[sflag:s18] =	ssyncadd.s32 $0xFFFFF000  }
0x4e: {  	[spmem:s2] =	stream.indirect.scatter.add.bf16 [tilespmem:s23], [sflag:$0xD], $0x20, s13, s15, $0xb8;
	[tilespmem:$0x17000] =	vst v63  }
0x4f: {  	_ =	swait.ge [sflag:s20], $0x1000  }
0x50: {  	[sflag:s20] =	ssyncset.done $0x0  }
0x51: {  	s14 =	simm.s32 $0x5280;
	[sflag:s20] =	ssyncadd.s32 $0xFFFFF000  }
0x52: {  	[spmem:s2] =	stream.indirect.scatter.add.bf16 [tilespmem:s25], [sflag:$0xE], $0x20, s14, s15, $0xb8;
	[tilespmem:$0x17000] =	vst v63  }
0x53: {  	_ =	swait.ge [sflag:s22], $0x1000  }
0x54: {  	[sflag:s22] =	ssyncset.done $0x0  }
0x55: {  	s3 =	simm.s32 $0x5300;
	[sflag:s22] =	ssyncadd.s32 $0xFFFFF000  }
0x56: {  	[spmem:s2] =	stream.indirect.scatter.add.bf16 [tilespmem:s28], [sflag:$0xF], $0x20, s3, s15, $0xb8;
	[tilespmem:$0x17000] =	vst v63  }
0x57: {  	_ =	swait.ge [sflag:s24], $0x1000  }
0x58: {  	[sflag:s24] =	ssyncset.done $0x0  }
0x59: {  	s13 =	simm.s32 $0x5380;
	[sflag:s24] =	ssyncadd.s32 $0xFFFFF000  }
0x5a: {  	[spmem:s2] =	stream.indirect.scatter.add.bf16 [tilespmem:s30], [sflag:$0x10], $0x20, s13, s15, $0xb8;
	[tilespmem:$0x17000] =	vst v63  }
0x5b: {  	_ =	swait.ge [sflag:s26], $0x1000  }
0x5c: {  	[sflag:s26] =	ssyncset.done $0x0  }
0x5d: {  	s14 =	simm.s32 $0x400;
	[sflag:s26] =	ssyncadd.s32 $0xFFFFF000  }
0x5e: {  	[tilespmem:s16], [sflag:$0x1] =	stream.indirect.gather [hbm4b:s4+s15], $0x20, s14, s15, $0xb8;
	[tilespmem:$0x17000] =	vst v63  }
0x5f: {  	_ =	swait.ge [sflag:s29], $0x1000  }
0x60: {  	[sflag:s29] =	ssyncset.done $0x0  }
0x61: {  	s3 =	simm.s32 $0x480;
	[sflag:s29] =	ssyncadd.s32 $0xFFFFF000  }
0x62: {  	[tilespmem:s17], [sflag:$0x2] =	stream.indirect.gather [hbm4b:s4+s15], $0x20, s3, s15, $0xb8;
	[tilespmem:$0x17000] =	vst v63  }
0x63: {  	_ =	swait.ge [sflag:s5], $0x1000  }
0x64: {  	[sflag:s5] =	ssyncset.done $0x0  }
0x65: {  	s13 =	simm.s32 $0x500;
	[sflag:s5] =	ssyncadd.s32 $0xFFFFF000  }
0x66: {  	[tilespmem:s19], [sflag:$0x3] =	stream.indirect.gather [hbm4b:s4+s15], $0x20, s13, s15, $0xb8;
	[tilespmem:$0x17000] =	vst v63  }
0x67: {  	_ =	swait.ge [sflag:s6], $0x1000  }
0x68: {  	[sflag:s6] =	ssyncset.done $0x0  }
0x69: {  	s14 =	simm.s32 $0x580;
	[sflag:s6] =	ssyncadd.s32 $0xFFFFF000  }
0x6a: {  	[tilespmem:s21], [sflag:$0x4] =	stream.indirect.gather [hbm4b:s4+s15], $0x20, s14, s15, $0xb8;
	[tilespmem:$0x17000] =	vst v63  }
0x6b: {  	_ =	swait.ge [sflag:s8], $0x1000  }
0x6c: {  	[sflag:s8] =	ssyncset.done $0x0  }
0x6d: {  	s3 =	simm.s32 $0x600;
	[sflag:s8] =	ssyncadd.s32 $0xFFFFF000  }
0x6e: {  	[tilespmem:s23], [sflag:$0x5] =	stream.indirect.gather [hbm4b:s4+s15], $0x20, s3, s15, $0xb8;
	[tilespmem:$0x17000] =	vst v63  }
0x6f: {  	_ =	swait.ge [sflag:s9], $0x1000  }
0x70: {  	[sflag:s9] =	ssyncset.done $0x0  }
0x71: {  	s13 =	simm.s32 $0x680;
	[sflag:s9] =	ssyncadd.s32 $0xFFFFF000  }
0x72: {  	[tilespmem:s25], [sflag:$0x6] =	stream.indirect.gather [hbm4b:s4+s15], $0x20, s13, s15, $0xb8;
	[tilespmem:$0x17000] =	vst v63  }
0x73: {  	_ =	swait.ge [sflag:s10], $0x1000  }
0x74: {  	[sflag:s10] =	ssyncset.done $0x0  }
0x75: {  	s14 =	simm.s32 $0x700;
	[sflag:s10] =	ssyncadd.s32 $0xFFFFF000  }
0x76: {  	[tilespmem:s28], [sflag:$0x7] =	stream.indirect.gather [hbm4b:s4+s15], $0x20, s14, s15, $0xb8;
	[tilespmem:$0x17000] =	vst v63  }
0x77: {  	_ =	swait.ge [sflag:s11], $0x1000  }
0x78: {  	[sflag:s11] =	ssyncset.done $0x0  }
0x79: {  	s7 =	simm.s32 $0x1000;
	s13 =	simm.s32 $0x780;
	[sflag:s11] =	ssyncadd.s32 $0xFFFFF000  }
.LBB2_2:
0x7a: {  	[tilespmem:s30], [sflag:$0x8] =	stream.indirect.gather [hbm4b:s4+s15], $0x20, s13, s15, $0xb8;
	[tilespmem:$0x17000] =	vst v63  }
0x7b: {  	s13 =	smov.u32 s7  }
0x7c: {  	p0 =	sne.s32 s7, $0x12000;
	s7 =	sadd.s32 $0x1000, s7;
	_ =	swait.ge [sflag:s31], $0x1000  }
0x7d: {  	s13 =	sshra.s32 s13, $0x2;
	[sflag:s31] =	ssyncset.done $0x0  }
0x7e: {  	s14 =	sadd.s32 $0x5000, s13;
	[sflag:s31] =	ssyncadd.s32 $0xFFFFF000  }
0x7f: {  	[spmem:s2] =	stream.indirect.scatter.add.bf16 [tilespmem:s16], [sflag:$0x9], $0x20, s14, s15, $0xb8;
	[tilespmem:$0x17000] =	vst v63  }
0x80: {  	_ =	swait.ge [sflag:s1], $0x1000  }
0x81: {  	[sflag:s1] =	ssyncset.done $0x0  }
0x82: {  	s14 =	sadd.s32 $0x5080, s13;
	[sflag:s1] =	ssyncadd.s32 $0xFFFFF000  }
0x83: {  	[spmem:s2] =	stream.indirect.scatter.add.bf16 [tilespmem:s17], [sflag:$0xA], $0x20, s14, s15, $0xb8;
	[tilespmem:$0x17000] =	vst v63  }
0x84: {  	_ =	swait.ge [sflag:s0], $0x1000  }
0x85: {  	[sflag:s0] =	ssyncset.done $0x0  }
0x86: {  	s14 =	sadd.s32 $0x5100, s13;
	[sflag:s0] =	ssyncadd.s32 $0xFFFFF000  }
0x87: {  	[spmem:s2] =	stream.indirect.scatter.add.bf16 [tilespmem:s19], [sflag:$0xB], $0x20, s14, s15, $0xb8;
	[tilespmem:$0x17000] =	vst v63  }
0x88: {  	_ =	swait.ge [sflag:s12], $0x1000  }
0x89: {  	[sflag:s12] =	ssyncset.done $0x0  }
0x8a: {  	s14 =	sadd.s32 $0x5180, s13;
	[sflag:s12] =	ssyncadd.s32 $0xFFFFF000  }
0x8b: {  	[spmem:s2] =	stream.indirect.scatter.add.bf16 [tilespmem:s21], [sflag:$0xC], $0x20, s14, s15, $0xb8;
	[tilespmem:$0x17000] =	vst v63  }
0x8c: {  	_ =	swait.ge [sflag:s18], $0x1000  }
0x8d: {  	[sflag:s18] =	ssyncset.done $0x0  }
0x8e: {  	s14 =	sadd.s32 $0x5200, s13;
	[sflag:s18] =	ssyncadd.s32 $0xFFFFF000  }
0x8f: {  	[spmem:s2] =	stream.indirect.scatter.add.bf16 [tilespmem:s23], [sflag:$0xD], $0x20, s14, s15, $0xb8;
	[tilespmem:$0x17000] =	vst v63  }
0x90: {  	_ =	swait.ge [sflag:s20], $0x1000  }
0x91: {  	[sflag:s20] =	ssyncset.done $0x0  }
0x92: {  	s14 =	sadd.s32 $0x5280, s13;
	[sflag:s20] =	ssyncadd.s32 $0xFFFFF000  }
0x93: {  	[spmem:s2] =	stream.indirect.scatter.add.bf16 [tilespmem:s25], [sflag:$0xE], $0x20, s14, s15, $0xb8;
	[tilespmem:$0x17000] =	vst v63  }
0x94: {  	_ =	swait.ge [sflag:s22], $0x1000  }
0x95: {  	[sflag:s22] =	ssyncset.done $0x0  }
0x96: {  	s14 =	sadd.s32 $0x5300, s13;
	[sflag:s22] =	ssyncadd.s32 $0xFFFFF000  }
0x97: {  	[spmem:s2] =	stream.indirect.scatter.add.bf16 [tilespmem:s28], [sflag:$0xF], $0x20, s14, s15, $0xb8;
	[tilespmem:$0x17000] =	vst v63  }
0x98: {  	_ =	swait.ge [sflag:s24], $0x1000  }
0x99: {  	[sflag:s24] =	ssyncset.done $0x0  }
0x9a: {  	s14 =	sadd.s32 $0x5380, s13;
	[sflag:s24] =	ssyncadd.s32 $0xFFFFF000  }
0x9b: {  	[spmem:s2] =	stream.indirect.scatter.add.bf16 [tilespmem:s30], [sflag:$0x10], $0x20, s14, s15, $0xb8;
	[tilespmem:$0x17000] =	vst v63  }
0x9c: {  	_ =	swait.ge [sflag:s26], $0x1000  }
0x9d: {  	[sflag:s26] =	ssyncset.done $0x0  }
0x9e: {  	s14 =	sadd.s32 $0x400, s13;
	[sflag:s26] =	ssyncadd.s32 $0xFFFFF000  }
0x9f: {  	[tilespmem:s16], [sflag:$0x1] =	stream.indirect.gather [hbm4b:s4+s15], $0x20, s14, s15, $0xb8;
	[tilespmem:$0x17000] =	vst v63  }
0xa0: {  	_ =	swait.ge [sflag:s29], $0x1000  }
0xa1: {  	[sflag:s29] =	ssyncset.done $0x0  }
0xa2: {  	s14 =	sadd.s32 $0x480, s13;
	[sflag:s29] =	ssyncadd.s32 $0xFFFFF000  }
0xa3: {  	[tilespmem:s17], [sflag:$0x2] =	stream.indirect.gather [hbm4b:s4+s15], $0x20, s14, s15, $0xb8;
	[tilespmem:$0x17000] =	vst v63  }
0xa4: {  	_ =	swait.ge [sflag:s5], $0x1000  }
0xa5: {  	[sflag:s5] =	ssyncset.done $0x0  }
0xa6: {  	s14 =	sadd.s32 $0x500, s13;
	[sflag:s5] =	ssyncadd.s32 $0xFFFFF000  }
0xa7: {  	[tilespmem:s19], [sflag:$0x3] =	stream.indirect.gather [hbm4b:s4+s15], $0x20, s14, s15, $0xb8;
	[tilespmem:$0x17000] =	vst v63  }
0xa8: {  	_ =	swait.ge [sflag:s6], $0x1000  }
0xa9: {  	[sflag:s6] =	ssyncset.done $0x0  }
0xaa: {  	s14 =	sadd.s32 $0x580, s13;
	[sflag:s6] =	ssyncadd.s32 $0xFFFFF000  }
0xab: {  	[tilespmem:s21], [sflag:$0x4] =	stream.indirect.gather [hbm4b:s4+s15], $0x20, s14, s15, $0xb8;
	[tilespmem:$0x17000] =	vst v63  }
0xac: {  	_ =	swait.ge [sflag:s8], $0x1000  }
0xad: {  	[sflag:s8] =	ssyncset.done $0x0  }
0xae: {  	s14 =	sadd.s32 $0x600, s13;
	[sflag:s8] =	ssyncadd.s32 $0xFFFFF000  }
0xaf: {  	[tilespmem:s23], [sflag:$0x5] =	stream.indirect.gather [hbm4b:s4+s15], $0x20, s14, s15, $0xb8;
	[tilespmem:$0x17000] =	vst v63  }
0xb0: {  	_ =	swait.ge [sflag:s9], $0x1000  }
0xb1: {  	[sflag:s9] =	ssyncset.done $0x0  }
0xb2: {  	s14 =	sadd.s32 $0x680, s13;
	[sflag:s9] =	ssyncadd.s32 $0xFFFFF000  }
0xb3: {  	[tilespmem:s25], [sflag:$0x6] =	stream.indirect.gather [hbm4b:s4+s15], $0x20, s14, s15, $0xb8;
	[tilespmem:$0x17000] =	vst v63  }
0xb4: {  	_ =	swait.ge [sflag:s10], $0x1000  }
0xb5: {  	[sflag:s10] =	ssyncset.done $0x0  }
.Ltmp0:
0xb6: {  	s14 =	sadd.s32 $0x700, s13;
	[sflag:s10] =	ssyncadd.s32 $0xFFFFF000;
	(pc) =	sbr.rel @p0 .LBB2_2-.Ltmp0, $4  }
0xb7: {  	[tilespmem:s28], [sflag:$0x7] =	stream.indirect.gather [hbm4b:s4+s15], $0x20, s14, s15, $0xb8;
	[tilespmem:$0x17000] =	vst v63  }
0xb8: {  	_ =	swait.ge [sflag:s11], $0x1000  }
0xb9: {  	[sflag:s11] =	ssyncset.done $0x0  }
0xba: {  	s13 =	sadd.s32 $0x780, s13;
	[sflag:s11] =	ssyncadd.s32 $0xFFFFF000  }
0xbb: {  	[tilespmem:s30], [sflag:$0x8] =	stream.indirect.gather [hbm4b:s4+s15], $0x20, s13, s15, $0xb8;
	[tilespmem:$0x17000] =	vst v63  }
0xbc: {  	_ =	swait.ge [sflag:s31], $0x1000  }
0xbd: {  	[sflag:s31] =	ssyncset.done $0x0  }
0xbe: {  	s3 =	simm.s32 $0x9C00;
	[sflag:s31] =	ssyncadd.s32 $0xFFFFF000  }
0xbf: {  	[spmem:s2] =	stream.indirect.scatter.add.bf16 [tilespmem:s16], [sflag:$0x9], $0x20, s3, s15, $0xb8;
	[tilespmem:$0x17000] =	vst v63  }
0xc0: {  	_ =	swait.ge [sflag:s1], $0x1000  }
0xc1: {  	[sflag:s1] =	ssyncset.done $0x0  }
0xc2: {  	s14 =	simm.s32 $0x9C80;
	[sflag:s1] =	ssyncadd.s32 $0xFFFFF000  }
0xc3: {  	[spmem:s2] =	stream.indirect.scatter.add.bf16 [tilespmem:s17], [sflag:$0xA], $0x20, s14, s15, $0xb8;
	[tilespmem:$0x17000] =	vst v63  }
0xc4: {  	_ =	swait.ge [sflag:s0], $0x1000  }
0xc5: {  	[sflag:s0] =	ssyncset.done $0x0  }
0xc6: {  	s7 =	simm.s32 $0x9D00;
	[sflag:s0] =	ssyncadd.s32 $0xFFFFF000  }
0xc7: {  	[spmem:s2] =	stream.indirect.scatter.add.bf16 [tilespmem:s19], [sflag:$0xB], $0x20, s7, s15, $0xb8;
	[tilespmem:$0x17000] =	vst v63  }
0xc8: {  	_ =	swait.ge [sflag:s12], $0x1000  }
0xc9: {  	[sflag:s12] =	ssyncset.done $0x0  }
0xca: {  	s13 =	simm.s32 $0x9D80;
	[sflag:s12] =	ssyncadd.s32 $0xFFFFF000  }
0xcb: {  	[spmem:s2] =	stream.indirect.scatter.add.bf16 [tilespmem:s21], [sflag:$0xC], $0x20, s13, s15, $0xb8;
	[tilespmem:$0x17000] =	vst v63  }
0xcc: {  	_ =	swait.ge [sflag:s18], $0x1000  }
0xcd: {  	[sflag:s18] =	ssyncset.done $0x0  }
0xce: {  	s14 =	simm.s32 $0x9E00;
	[sflag:s18] =	ssyncadd.s32 $0xFFFFF000  }
0xcf: {  	[spmem:s2] =	stream.indirect.scatter.add.bf16 [tilespmem:s23], [sflag:$0xD], $0x20, s14, s15, $0xb8;
	[tilespmem:$0x17000] =	vst v63  }
0xd0: {  	_ =	swait.ge [sflag:s20], $0x1000  }
0xd1: {  	[sflag:s20] =	ssyncset.done $0x0  }
0xd2: {  	s7 =	simm.s32 $0x9E80;
	[sflag:s20] =	ssyncadd.s32 $0xFFFFF000  }
0xd3: {  	[spmem:s2] =	stream.indirect.scatter.add.bf16 [tilespmem:s25], [sflag:$0xE], $0x20, s7, s15, $0xb8;
	[tilespmem:$0x17000] =	vst v63  }
0xd4: {  	_ =	swait.ge [sflag:s22], $0x1000  }
0xd5: {  	[sflag:s22] =	ssyncset.done $0x0  }
0xd6: {  	s13 =	simm.s32 $0x9F00;
	[sflag:s22] =	ssyncadd.s32 $0xFFFFF000  }
0xd7: {  	[spmem:s2] =	stream.indirect.scatter.add.bf16 [tilespmem:s28], [sflag:$0xF], $0x20, s13, s15, $0xb8;
	[tilespmem:$0x17000] =	vst v63  }
0xd8: {  	_ =	swait.ge [sflag:s24], $0x1000  }
0xd9: {  	[sflag:s24] =	ssyncset.done $0x0  }
0xda: {  	s14 =	simm.s32 $0x9F80;
	[sflag:s24] =	ssyncadd.s32 $0xFFFFF000  }
0xdb: {  	[spmem:s2] =	stream.indirect.scatter.add.bf16 [tilespmem:s30], [sflag:$0x10], $0x20, s14, s15, $0xb8;
	[tilespmem:$0x17000] =	vst v63  }
0xdc: {  	_ =	swait.ge [sflag:s26], $0x1000  }
0xdd: {  	[sflag:s26] =	ssyncset.done $0x0  }
0xde: {  	[sflag:s26] =	ssyncadd.s32 $0xFFFFF000  }
0xdf: {  	_ =	swait.ge [sflag:s29], $0x1000  }
0xe0: {  	[sflag:s29] =	ssyncset.done $0x0  }
0xe1: {  	[sflag:s29] =	ssyncadd.s32 $0xFFFFF000  }
0xe2: {  	_ =	swait.ge [sflag:s5], $0x1000  }
0xe3: {  	[sflag:s5] =	ssyncset.done $0x0  }
0xe4: {  	[sflag:s5] =	ssyncadd.s32 $0xFFFFF000  }
0xe5: {  	_ =	swait.ge [sflag:s6], $0x1000  }
0xe6: {  	[sflag:s6] =	ssyncset.done $0x0  }
0xe7: {  	[sflag:s6] =	ssyncadd.s32 $0xFFFFF000  }
0xe8: {  	_ =	swait.ge [sflag:s8], $0x1000  }
0xe9: {  	[sflag:s8] =	ssyncset.done $0x0  }
0xea: {  	[sflag:s8] =	ssyncadd.s32 $0xFFFFF000  }
0xeb: {  	_ =	swait.ge [sflag:s9], $0x1000  }
0xec: {  	[sflag:s9] =	ssyncset.done $0x0  }
0xed: {  	[sflag:s9] =	ssyncadd.s32 $0xFFFFF000  }
0xee: {  	_ =	swait.ge [sflag:s10], $0x1000  }
0xef: {  	[sflag:s10] =	ssyncset.done $0x0  }
0xf0: {  	[sflag:s10] =	ssyncadd.s32 $0xFFFFF000  }
0xf1: {  	_ =	swait.ge [sflag:s11], $0x1000  }
0xf2: {  	[sflag:s11] =	ssyncset.done $0x0  }
0xf3: {  	[sflag:s11] =	ssyncadd.s32 $0xFFFFF000  }
0xf4: {  	[bflag:$0x0] =	sbarrier.arrive $0xFFFF  }
0xf5: {  	s7 =	rddreg [dreg:$0x5]  }
0xf6: {  	s3 =	rddreg [dreg:$0x8]  }
0xf7: {  	s14 =	rddreg [dreg:$0xa];
	s7 =	sor.u32 $0x1C12, s7  }
0xf8: {  	[hbm:s3], [sflag:s7] =	dma.local [spmem:s14], $0xA00  }
0xf9: {  	s3 =	simm.s32 $0x12  }
0xfa: {  	_ =	swait.ge [sflag:s3], $0xA00  }
0xfb: {  	s13 =	smov.u32 s14;
	s14 =	rddreg [dreg:$0xb]  }
0xfc: {  	s7 =	rddreg [dreg:$0x9];
	s14 =	sadd.s32 $0x1, s14  }
0xfd: {  	p0 =	sne.s32 s14, s7  }
.Ltmp1:
0xfe: {  	_ = 	snop;
	(pc) =	sbr.rel @p0 .LBB2_1-.Ltmp1, $3  }
0xff: {  	_ =	sdelay $0x1  }
0x100: {  	[sflag:s3] =	ssyncset.done $0x0  }
0x101: {  	[sflag:s3] =	ssyncadd.s32 $0xFFFFF600  }
0x102: {  	_ =	sfence.sel $0x180000  }
0x103: {  	[bflag:$0x0] =	sbarrier.arrive $0xFFFF  }
0x104: {  	_ =	strace $0x9000004D  }
0x105: {  	s0 =	stileid.u32;
	[bflag:$0x2] =	sbarrier.arrive $0xFFFF  }
0x106: {  	p0 =	sne.s32 s0, $0x0;
	s0 =	rddreg [dreg:$0x2]  }
0x107: {  	s0 =	sadd.s32 @!p0 $0x100000, s0  }
0x108: {  	[sflag:s0] =	ssyncadd.tile.s32 @!p0 $0x1;
	_ =	shalt  }
.Lfunc_end2:
_tile_overlayer_lowered:
.L_overlay_start_2:
0x109: {  	(tag) =	ssettag $0x2  }
0x10a: {  	s0 =	rddreg [dreg:$0x0];
	s2 =	stileid.u32  }
0x10b: {  	s1 =	rddreg [dreg:$0x1];
	p0 =	sne.s32 s2, $0x0  }
0x10c: {  	s3 =	rddreg [dreg:$0x2];
	[bflag:$0x3] =	sbarrier.arrive $0xFFFF;
	s2 =	simm.s32 @!p0 $0x1C12  }
0x10d: {  	[timem:s3], [sflag:s2] =	dma.local @!p0 [hbm:s0], s1  }
0x10e: {  	s0 =	simm.s32 @!p0 $0x12  }
0x10f: {  	_ =	swait.ge @!p0 [sflag:s0], s1  }
0x110: {  	s1 =	ssub.s32 @!p0 $0x0, s1;
	[sflag:s0] =	ssyncset.done @!p0 $0x0  }
0x111: {  	[sflag:s0] =	ssyncadd.s32 @!p0 s1  }
0x112: {  	[bflag:$0x3] =	sbarrier.arrive $0xFFFF  }
0x113: {  	_ =	shalt  }

// kernel: kernel.8.cloned.1.call-start
scs
__scs_entry_jumppad:
0x0: {  	(pc) =	sbr.rel $0x88, $3  }
0x1: {  	(tag) =	ssettag $0x0;
	lr =	simm.s32 $0x1  }
0x2: {  	[smem:$0x3F93] =	sst lr;
	_ =	strace $0xD0000000  }
0x3: {  	_ = 	snop  }
0x4: {  	_ = 	snop  }
0x5: {  	_ = 	snop  }
0x6: {  	_ = 	snop  }
0x7: {  	_ = 	snop  }
__scs_overlays_trampoline_lowered:
0x8: {  	[smem:$0x3FA2] =	sst s0  }
0x9: {  	[smem:$0x3FA3] =	sst s1  }
0xa: {  	[smem:$0x3FA4] =	sst s2  }
0xb: {  	[smem:$0x3FA5] =	sst s3  }
0xc: {  	[smem:$0x3FA6] =	sst s4  }
0xd: {  	[smem:$0x3FA7] =	sst s5  }
0xe: {  	[smem:$0x3FA8] =	sst s6  }
0xf: {  	[smem:$0x3FA9] =	sst s7  }
0x10: {  	[smem:$0x3FAA] =	sst s8  }
0x11: {  	[smem:$0x3FAB] =	sst s9;
	s0 =	simm.s32 @!p0 $0x0  }
0x12: {  	s1 =	sld [smem:$0x3F91];
	s0 =	simm.s32 @p0 $0x1  }
0x13: {  	[smem:$0x3FAC] =	sst s0;
	s0 =	simm.s32 @!p1 $0x0  }
0x14: {  	s2 =	sld [smem:$0x3F90];
	s0 =	simm.s32 @p1 $0x1  }
0x15: {  	[smem:$0x3FAD] =	sst s0;
	s0 =	simm.s32 @!p2 $0x0  }
0x16: {  	s3 =	sld [smem:$0x3FDB];
	s0 =	simm.s32 @p2 $0x1  }
0x17: {  	s4 =	simm.s32 $0x1BF5;
	[smem:$0x3FAF] =	sst s0  }
0x18: {  	s0 =	sld [smem:$0x3F92];
	_ =	swait.ge [sflag:s4], $0x0  }
0x19: {  	s7 =	sld [smem:$0x3F93]  }
0x1a: {  	s8 =	sadd.s32 $0xFFFFE003, lr  }
0x1b: {  	s9 =	sadd.s32 $0xFFFFFEF7, lr;
	s5 =	simm.s32 $0xFFFFFFFF;
	p2 =	slt.u32 s8, $0xFFFFF086  }
0x1c: {  	p1 =	slt.u32 s9, $0xF7A;
	s5 =	simm.s32 @!p2 $0x0  }
0x1d: {  	s5 =	simm.s32 @p1 $0x1;
	p0 =	seq.s32 s7, s2  }
0x1e: {  	s7 =	smul.u32 @!p0 $0xF7A, s2;
	p2 =	seq.s32 @!p0 s5, $0x0  }
0x1f: {  	s9 =	smul.u32 $0xF7A, s1;
	s8 =	simm.s32 @!p0 $0x1BF5;
	p2 =	por !p2, p0  }
0x20: {  	[sflag:s8] =	ssyncset.s32 @!p0 $0xFFFFF086;
	s6 =	sadd.s32 @!p0 s3, s7;
	s7 =	simm.s32 @!p0 $0x108  }
0x21: {  	s3 =	sadd.s32 s3, s9;
	s6 =	sadd.s32 @!p0 $0x88, s6;
	s7 =	simm.s32 @p2 $0x1082  }
0x22: {  	[simem:s7], [sflag:s8] =	dma.local @!p0 [hbm:s6], $0xF7A  }
0x23: {  	s9 =	sor.u32 $0xD0000000, s2;
	s6 =	simm.s32 $0x108;
	_ =	swait.ge @!p0 [sflag:s8], $0x0  }
0x24: {  	s3 =	sadd.s32 $0x88, s3;
	s6 =	simm.s32 @!p1 $0x1082;
	[sflag:s4] =	ssyncset.s32 $0xFFFFF086  }
0x25: {  	[simem:s6], [sflag:s4] =	dma.local [hbm:s3], $0xF7A  }
0x26: {  	[smem:$0x3F93] =	sst s1;
	(tag) =	ssettag s2;
	_ =	strace s9  }
0x27: {  	s1 =	sld [smem:$0x3FA3]  }
0x28: {  	s2 =	sld [smem:$0x3FA4]  }
0x29: {  	s4 =	sld [smem:$0x3FA6]  }
0x2a: {  	p0 =	seq.s32 s5, $0x0;
	s5 =	sld [smem:$0x3FA7]  }
0x2b: {  	s6 =	sld [smem:$0x3FA8]  }
0x2c: {  	s7 =	sld [smem:$0x3FA9]  }
0x2d: {  	s3 =	simm.s32 $0x108;
	s8 =	sld [smem:$0x3FAA]  }
0x2e: {  	s3 =	simm.s32 @!p0 $0x1082;
	s9 =	sld [smem:$0x3FAB]  }
0x2f: {  	lr =	sadd.s32 s0, s3;
	s0 =	sld [smem:$0x3FA2]  }
0x30: {  	s3 =	sld [smem:$0x3FA5]  }
0x31: {  	[smem:$0x3FAE] =	sst s10  }
0x32: {  	s10 =	sld [smem:$0x3FAC];
	_ =	sdelay $0x3  }
0x33: {  	p0 =	seq.s32 s10, $0x1;
	s10 =	sld [smem:$0x3FAE];
	_ =	sdelay $0x3  }
0x34: {  	[smem:$0x3FAE] =	sst s10  }
0x35: {  	s10 =	sld [smem:$0x3FAD];
	_ =	sdelay $0x3  }
0x36: {  	p1 =	seq.s32 s10, $0x1;
	s10 =	sld [smem:$0x3FAE];
	_ =	sdelay $0x3  }
0x37: {  	[smem:$0x3FAE] =	sst s10  }
0x38: {  	s10 =	sld [smem:$0x3FAF]  }
0x39: {  	_ = 	snop;
	(pc) =	sbr.ind lr, $3  }
0x3a: {  	_ = 	snop  }
0x3b: {  	_ = 	snop  }
0x3c: {  	p2 =	seq.s32 s10, $0x1;
	s10 =	sld [smem:$0x3FAE]  }
0x3d: {  	_ =	shalt  }
0x3e: {  	_ =	shalt  }
0x3f: {  	_ =	shalt  }
0x40: {  	_ =	shalt  }
0x41: {  	_ =	shalt  }
0x42: {  	_ =	shalt  }
0x43: {  	_ =	shalt  }
0x44: {  	_ =	shalt  }
0x45: {  	_ =	shalt  }
0x46: {  	_ =	shalt  }
0x47: {  	_ =	shalt  }
0x48: {  	_ =	shalt  }
0x49: {  	_ =	shalt  }
0x4a: {  	_ =	shalt  }
0x4b: {  	_ =	shalt  }
0x4c: {  	_ =	shalt  }
0x4d: {  	_ =	shalt  }
0x4e: {  	_ =	shalt  }
0x4f: {  	_ =	shalt  }
0x50: {  	_ =	shalt  }
0x51: {  	_ =	shalt  }
0x52: {  	_ =	shalt  }
0x53: {  	_ =	shalt  }
0x54: {  	_ =	shalt  }
0x55: {  	_ =	shalt  }
0x56: {  	_ =	shalt  }
0x57: {  	_ =	shalt  }
0x58: {  	_ =	shalt  }
0x59: {  	_ =	shalt  }
0x5a: {  	_ =	shalt  }
0x5b: {  	_ =	shalt  }
0x5c: {  	_ =	shalt  }
0x5d: {  	_ =	shalt  }
0x5e: {  	_ =	shalt  }
0x5f: {  	_ =	shalt  }
0x60: {  	_ =	shalt  }
0x61: {  	_ =	shalt  }
0x62: {  	_ =	shalt  }
0x63: {  	_ =	shalt  }
0x64: {  	_ =	shalt  }
0x65: {  	_ =	shalt  }
0x66: {  	_ =	shalt  }
0x67: {  	_ =	shalt  }
0x68: {  	_ =	shalt  }
0x69: {  	_ =	shalt  }
0x6a: {  	_ =	shalt  }
0x6b: {  	_ =	shalt  }
0x6c: {  	_ =	shalt  }
0x6d: {  	_ =	shalt  }
0x6e: {  	_ =	shalt  }
0x6f: {  	_ =	shalt  }
0x70: {  	_ =	shalt  }
0x71: {  	_ =	shalt  }
0x72: {  	_ =	shalt  }
0x73: {  	_ =	shalt  }
0x74: {  	_ =	shalt  }
0x75: {  	_ =	shalt  }
0x76: {  	_ =	shalt  }
0x77: {  	_ =	shalt  }
0x78: {  	_ =	shalt  }
0x79: {  	_ =	shalt  }
0x7a: {  	_ =	shalt  }
0x7b: {  	_ =	shalt  }
0x7c: {  	_ =	shalt  }
0x7d: {  	_ =	shalt  }
0x7e: {  	_ =	shalt  }
0x7f: {  	_ =	shalt  }
0x80: {  	_ =	shalt  }
0x81: {  	_ =	shalt  }
0x82: {  	_ =	shalt  }
0x83: {  	_ =	shalt  }
0x84: {  	_ =	shalt  }
0x85: {  	_ =	shalt  }
0x86: {  	_ =	shalt  }
0x87: {  	_ =	shalt  }
.Lfunc_end0:
.L_simem_size_0:
called_computation_lowered:
.L_overlay_start_0:
0x88: {  	s2 =	sld [smem:$0x3FD9]  }
0x89: {  	s3 =	sld [smem:$0x3FFE];
	_ =	sdelay $0x1  }
0x8a: {  	s1 =	srdreg.scid  }
0x8b: {  	s0 =	sand.u32 $0x1, s1  }
0x8c: {  	s16 =	sshll.u32 s0, $0xA;
	s2 =	sadd.s32 s3, s2  }
0x8d: {  	s2 =	sadd.s32 s2, s16  }
0x8e: {  	[smem:$0x3FBA] =	sst s2  }
0x8f: {  	_ = 	snop  }
0x90: {  	(tm) =	ssettm $0x1  }
0x91: {  	s17 =	sld [smem:$0x3FFB];
	_ =	sdelay $0x3  }
0x92: {  	_ =	strace s17  }
0x93: {  	s2 =	sld [smem:$0x3FFC];
	_ =	sdelay $0x3  }
0x94: {  	_ =	strace s2  }
0x95: {  	s2 =	sld [smem:$0x3FFD];
	_ =	sdelay $0x3  }
0x96: {  	_ =	strace s2  }
0x97: {  	_ =	strace $0x8FFFFFFF  }
0x98: {  	s18 =	sld [smem:$0x3FDB];
	_ =	sdelay $0x1  }
0x99: {  	s19 =	simm.s32 $_scs_section_size  }
0x9a: {  	s4 =	simm.s32 $_size__tile_overlayer_lowered;
	s5 =	simm.s32 $_tile_overlayer_lowered  }
0x9b: {  	s22 =	simm.s32 $0x1BFF;
	s21 =	sshll.u32 s5, $0x1;
	s2 =	sadd.s32 s19, s18  }
0x9c: {  	s6 =	simm.s32 $0x0;
	s20 =	sshll.u32 s4, $0x1;
	s4 =	sadd.s32 s21, s2  }
0x9d: {  	[timem:s6], [sflag:s22] =	dma.local [hbm:s4], s20  }
0x9e: {  	_ =	swait.ge [sflag:s22], s20  }
0x9f: {  	s3 =	ssub.s32 $0x0, s20;
	[sflag:s22] =	ssyncset.done $0x0  }
0xa0: {  	[sflag:s22] =	ssyncadd.s32 s3;
	_ =	sdelay $0x1  }
0xa1: {  	s23 =	simm.s32 $0x1B8B  }
0xa2: {  	_ =	swait.ge [sflag:s23], $0x1  }
0xa3: {  	[sflag:s23] =	ssyncset.done $0x0  }
0xa4: {  	s25 =	simm.s32 $0x1B8E;
	s24 =	sld [smem:$0x3FFE];
	[sflag:s23] =	ssyncadd.s32 $0xFFFFFFFF  }
0xa5: {  	s26 =	simm.s32 $execute0_lowered;
	[smem:$0x3FD2] =	sst s25  }
0xa6: {  	s4 =	sshll.u32 s26, $0x1;
	_ =	strace $0x80000046;
	[dreg:$0x1] =	wrdreg $0xFFFFFFFF  }
0xa7: {  	s28 =	simm.s32 $_size_execute0_lowered;
	s2 =	sadd.s32 s2, s4;
	[dreg:$0x0] =	wrdreg $0x0  }
0xa8: {  	s4 =	sshll.u32 s28, $0x1;
	[dreg:$0x2] =	wrdreg s2  }
0xa9: {  	[dreg:$0x3] =	wrdreg s4  }
0xaa: {  	[dreg:$0x4] =	wrdreg $0xC0  }
0xab: {  	_ =	task [dreg:s6], $0x5FFFF  }
0xac: {  	[dreg:$0x1] =	wrdreg $0xFFFFFFFF  }
0xad: {  	[dreg:$0x0] =	wrdreg $0x60  }
0xae: {  	[dreg:$0x2] =	wrdreg s24  }
0xaf: {  	[dreg:$0x3] =	wrdreg $0x28800  }
0xb0: {  	[dreg:$0x4] =	wrdreg $0x9  }
0xb1: {  	_ =	task.clear_ibuf [dreg:s6], $0x5FFFF;
	_ =	strace $0x90000046  }
0xb2: {  	s29 =	simm.s32 $0x9;
	_ =	strace $0x80000048  }
0xb3: {  	_ =	swait.ge [sflag:s29], $0x1  }
0xb4: {  	[sflag:s29] =	ssyncadd.s32 $0xFFFFFFFF  }
0xb5: {  	_ =	strace $0x90000048  }
0xb6: {  	_ =	sfence  }
0xb7: {  	s30 =	sld [smem:$0x0];
	_ =	sdelay $0x2  }
0xb8: {  	s31 =	sshll.u32 s1, $0xD;
	s1 =	sshrl.u32 s1, $0x2  }
0xb9: {  	s3 =	sand.u32 $0x4000, s31;
	s1 =	sadd.s32 s1, s30  }
0xba: {  	s0 =	sor.u32 s3, s0;
	s1 =	sshll.u32 s1, $0x11  }
0xbb: {  	s0 =	sor.u32 s1, s0  }
0xbc: {  	s0 =	sadd.s32 $0x8F2B, s0  }
0xbd: {  	[sflag:s0] =	ssyncadd.remote.s32 $0x1  }
0xbe: {  	_ =	sfence.sel $0xFFFF  }
0xbf: {  	[dreg:$0x0] =	wrdreg $0xFFFFFFFF;
	(pc) =	sbr.abs _section_cstart, $3  }
0xc0: {  	[dreg:$0x1] =	wrdreg $0xFFFFFFFF  }
0xc1: {  	_ =	task.clear_ibuf [dreg:s6], $0x2FFFF;
	_ =	strace $0x9FFFFFFF  }
0xc2: {  	(tm) =	ssettm $0x7FFFFFFF  }
0xc3: {  	_ =	shalt  }
tec
execute0_lowered:
.L_overlay_start_1:
0x0: {  	(tag) =	ssettag $0x1  }
0x1: {  	s5 =	rddreg [dreg:$0x0]  }
0x2: {  	s0 =	srdreg.scid;
	s2 =	rddreg [dreg:$0x1]  }
0x3: {  	s3 =	simm.s32 $0x0;
	s12 =	simm.s32 $0x2800;
	s13 =	simm.s32 $0x1  }
0x4: {  	s14 =	simm.s32 $0x0;
	s4 =	sand.u32 $0x1, s0;
	s0 =	stileid.u32  }
0x5: {  	[smem:$0x7FF] =	sst s3;
	s1 =	sshll.u32 s4, $0x4;
	s7 =	smul.u32 $0x280, s0  }
0x6: {  	s8 =	smul.u32 $0x2800, s4;
	s4 =	ssub.s32 $0x2, s4;
	s1 =	sor.u32 s0, s1  }
0x7: {  	s31 =	sshll.u32 s0, $0x6;
	s10 =	sshrl.u32 s4, $0x1;
	s6 =	smul.u32 $0x500, s1  }
0x8: {  	s1 =	rddreg [dreg:$0x2];
	_ =	strace $0x80000047;
	s9 =	sshrl.u32 s7, $0x3  }
0x9: {  	s8 =	sadd.s32 s7, s8;
	s10 =	ssub.s32 s4, s10;
	s11 =	sadd.s32 s7, s2  }
0xa: {  	s9 =	sadd.s32 s9, s5;
	s8 =	sshrl.u32 s8, $0x3;
	s6 =	sadd.s32 s6, s5  }
0xb: {  	s8 =	sadd.s32 s8, s5;
	s4 =	sadd.s32 $0xC400, s9;
	s5 =	sor.u32 $0x1C02, s31  }
0xc: {  	s9 =	sshrl.u32 s11, $0x3;
	s11 =	simm.s32 $0x80;
	s6 =	sadd.s32 $0x2400, s6  }
0xd: {  	v0 =	vimm.f32 $1.000000000e+00;
	s7 =	sadd.s32 $0xCA00, s8;
	s8 =	smax.u32 s10, $0x1;
	s10 =	simm.s32 $0x2  }
.LBB2_1:
0xe: {  	[spmem:s9], [sflag:s5] =	dma.local [hbm:s4], $0x50  }
0xf: {  	_ =	swait.ge [sflag:s10], $0x50  }
0x10: {  	[sflag:s10] =	ssyncset.done $0x0  }
0x11: {  	[sflag:s10] =	ssyncadd.s32 $0xFFFFFFB0  }
0x12: {  	[tilespmem:s3], [sflag:$0x2] =	stream.linear.gather [hbm4b:s6+s3], $0x2800, $0x38;
	[tilespmem:$0x2B00] =	vst v63  }
0x13: {  	_ =	swait.ge [sflag:s10], $0x2800  }
0x14: {  	[sflag:s10] =	ssyncset.done $0x0  }
0x15: {  	[sflag:s10] =	ssyncadd.s32 $0xFFFFD800  }
0x16: {  	[tilespmem:$0x2800] =	vst v0  }
0x17: {  	[tilespmem:$0x2810] =	vst v0  }
0x18: {  	[tilespmem:$0x2820] =	vst v0  }
0x19: {  	[tilespmem:$0x2830] =	vst v0  }
0x1a: {  	[tilespmem:$0x2840] =	vst v0  }
0x1b: {  	[tilespmem:$0x2850] =	vst v0  }
0x1c: {  	[tilespmem:$0x2860] =	vst v0  }
0x1d: {  	[tilespmem:$0x2870] =	vst v0  }
0x1e: {  	s15 =	simm.s32 $0x0;
	[bflag:$0x0] =	sbarrier.arrive $0xFFFF  }
0x1f: {  	[spmem:s2] =	stream.indirect.scatter.add.f32 [tilespmem:s12], [sflag:$0x1], $0x1, s15, s11, $0xb8;
	[tilespmem:$0x2B00] =	vst v63  }
0x20: {  	s24 =	simm.s32 $0x80  }
0x21: {  	[spmem:s2] =	stream.indirect.scatter.add.f32 [tilespmem:s12], [sflag:$0x1], $0x1, s24, s11, $0xb8;
	[tilespmem:$0x2B00] =	vst v63  }
0x22: {  	s25 =	simm.s32 $0x100  }
0x23: {  	[spmem:s2] =	stream.indirect.scatter.add.f32 [tilespmem:s12], [sflag:$0x1], $0x1, s25, s11, $0xb8;
	[tilespmem:$0x2B00] =	vst v63  }
0x24: {  	s26 =	simm.s32 $0x180  }
0x25: {  	[spmem:s2] =	stream.indirect.scatter.add.f32 [tilespmem:s12], [sflag:$0x1], $0x1, s26, s11, $0xb8;
	[tilespmem:$0x2B00] =	vst v63  }
0x26: {  	s28 =	simm.s32 $0x200  }
0x27: {  	[spmem:s2] =	stream.indirect.scatter.add.f32 [tilespmem:s12], [sflag:$0x1], $0x1, s28, s11, $0xb8;
	[tilespmem:$0x2B00] =	vst v63  }
0x28: {  	s29 =	simm.s32 $0x280  }
0x29: {  	[spmem:s2] =	stream.indirect.scatter.add.f32 [tilespmem:s12], [sflag:$0x1], $0x1, s29, s11, $0xb8;
	[tilespmem:$0x2B00] =	vst v63  }
0x2a: {  	s30 =	simm.s32 $0x300  }
0x2b: {  	[spmem:s2] =	stream.indirect.scatter.add.f32 [tilespmem:s12], [sflag:$0x1], $0x1, s30, s11, $0xb8;
	[tilespmem:$0x2B00] =	vst v63  }
0x2c: {  	s31 =	simm.s32 $0x380  }
0x2d: {  	[spmem:s2] =	stream.indirect.scatter.add.f32 [tilespmem:s12], [sflag:$0x1], $0x1, s31, s11, $0xb8;
	[tilespmem:$0x2B00] =	vst v63  }
0x2e: {  	_ =	swait.ge [sflag:s13], $0x80  }
0x2f: {  	[sflag:s13] =	ssyncset.done $0x0  }
0x30: {  	[sflag:s13] =	ssyncadd.s32 $0xFFFFFF80  }
0x31: {  	_ =	swait.ge [sflag:s13], $0x80  }
0x32: {  	[sflag:s13] =	ssyncset.done $0x0  }
0x33: {  	[sflag:s13] =	ssyncadd.s32 $0xFFFFFF80  }
0x34: {  	_ =	swait.ge [sflag:s13], $0x80  }
0x35: {  	[sflag:s13] =	ssyncset.done $0x0  }
0x36: {  	[sflag:s13] =	ssyncadd.s32 $0xFFFFFF80  }
0x37: {  	_ =	swait.ge [sflag:s13], $0x80  }
0x38: {  	[sflag:s13] =	ssyncset.done $0x0  }
0x39: {  	[sflag:s13] =	ssyncadd.s32 $0xFFFFFF80  }
0x3a: {  	_ =	swait.ge [sflag:s13], $0x80  }
0x3b: {  	[sflag:s13] =	ssyncset.done $0x0  }
0x3c: {  	[sflag:s13] =	ssyncadd.s32 $0xFFFFFF80  }
0x3d: {  	_ =	swait.ge [sflag:s13], $0x80  }
0x3e: {  	[sflag:s13] =	ssyncset.done $0x0  }
0x3f: {  	[sflag:s13] =	ssyncadd.s32 $0xFFFFFF80  }
0x40: {  	_ =	swait.ge [sflag:s13], $0x80  }
0x41: {  	[sflag:s13] =	ssyncset.done $0x0  }
0x42: {  	[sflag:s13] =	ssyncadd.s32 $0xFFFFFF80  }
0x43: {  	_ =	swait.ge [sflag:s13], $0x80  }
0x44: {  	s17 =	simm.s32 $0x2000;
	s15 =	simm.s32 $0x1000;
	[sflag:s13] =	ssyncset.done $0x0  }
.LBB2_2:
0x45: {  	s18 =	sshra.s32 s15, $0x2  }
0x46: {  	[sflag:s13] =	ssyncadd.s32 $0xFFFFFF80;
	s15 =	smov.u32 s17;
	s16 =	sadd.s32 $0x1000, s17  }
0x47: {  	[spmem:s2] =	stream.indirect.scatter.add.f32 [tilespmem:s12], [sflag:$0x1], $0x1, s18, s11, $0xb8;
	[tilespmem:$0x2B00] =	vst v63  }
0x48: {  	p0 =	sne.s32 s17, $0x9000;
	s17 =	sadd.s32 $0x80, s18  }
0x49: {  	[spmem:s2] =	stream.indirect.scatter.add.f32 [tilespmem:s12], [sflag:$0x1], $0x1, s17, s11, $0xb8;
	[tilespmem:$0x2B00] =	vst v63  }
0x4a: {  	s17 =	sadd.s32 $0x100, s18  }
0x4b: {  	[spmem:s2] =	stream.indirect.scatter.add.f32 [tilespmem:s12], [sflag:$0x1], $0x1, s17, s11, $0xb8;
	[tilespmem:$0x2B00] =	vst v63  }
0x4c: {  	s17 =	sadd.s32 $0x180, s18  }
0x4d: {  	[spmem:s2] =	stream.indirect.scatter.add.f32 [tilespmem:s12], [sflag:$0x1], $0x1, s17, s11, $0xb8;
	[tilespmem:$0x2B00] =	vst v63  }
0x4e: {  	s17 =	sadd.s32 $0x200, s18  }
0x4f: {  	[spmem:s2] =	stream.indirect.scatter.add.f32 [tilespmem:s12], [sflag:$0x1], $0x1, s17, s11, $0xb8;
	[tilespmem:$0x2B00] =	vst v63  }
0x50: {  	s17 =	sadd.s32 $0x280, s18  }
0x51: {  	[spmem:s2] =	stream.indirect.scatter.add.f32 [tilespmem:s12], [sflag:$0x1], $0x1, s17, s11, $0xb8;
	[tilespmem:$0x2B00] =	vst v63  }
0x52: {  	s17 =	sadd.s32 $0x300, s18  }
0x53: {  	[spmem:s2] =	stream.indirect.scatter.add.f32 [tilespmem:s12], [sflag:$0x1], $0x1, s17, s11, $0xb8;
	[tilespmem:$0x2B00] =	vst v63  }
0x54: {  	s17 =	sadd.s32 $0x380, s18  }
0x55: {  	[spmem:s2] =	stream.indirect.scatter.add.f32 [tilespmem:s12], [sflag:$0x1], $0x1, s17, s11, $0xb8;
	[tilespmem:$0x2B00] =	vst v63  }
0x56: {  	_ =	swait.ge [sflag:s13], $0x80  }
0x57: {  	[sflag:s13] =	ssyncset.done $0x0  }
0x58: {  	[sflag:s13] =	ssyncadd.s32 $0xFFFFFF80  }
0x59: {  	_ =	swait.ge [sflag:s13], $0x80  }
0x5a: {  	[sflag:s13] =	ssyncset.done $0x0  }
0x5b: {  	[sflag:s13] =	ssyncadd.s32 $0xFFFFFF80  }
0x5c: {  	_ =	swait.ge [sflag:s13], $0x80  }
0x5d: {  	[sflag:s13] =	ssyncset.done $0x0  }
0x5e: {  	[sflag:s13] =	ssyncadd.s32 $0xFFFFFF80  }
0x5f: {  	_ =	swait.ge [sflag:s13], $0x80  }
0x60: {  	[sflag:s13] =	ssyncset.done $0x0  }
0x61: {  	[sflag:s13] =	ssyncadd.s32 $0xFFFFFF80  }
0x62: {  	_ =	swait.ge [sflag:s13], $0x80  }
0x63: {  	[sflag:s13] =	ssyncset.done $0x0  }
0x64: {  	[sflag:s13] =	ssyncadd.s32 $0xFFFFFF80  }
0x65: {  	_ =	swait.ge [sflag:s13], $0x80  }
0x66: {  	[sflag:s13] =	ssyncset.done $0x0  }
0x67: {  	[sflag:s13] =	ssyncadd.s32 $0xFFFFFF80  }
.Ltmp0:
0x68: {  	_ =	swait.ge [sflag:s13], $0x80;
	(pc) =	sbr.rel @p0 .LBB2_2-.Ltmp0, $4  }
0x69: {  	[sflag:s13] =	ssyncset.done $0x0  }
0x6a: {  	[sflag:s13] =	ssyncadd.s32 $0xFFFFFF80  }
0x6b: {  	_ =	swait.ge [sflag:s13], $0x80  }
0x6c: {  	s17 =	smov.u32 s16;
	[sflag:s13] =	ssyncset.done $0x0  }
0x6d: {  	s15 =	sshra.s32 s15, $0x2;
	[sflag:s13] =	ssyncadd.s32 $0xFFFFFF80  }
0x6e: {  	[spmem:s2] =	stream.indirect.scatter.add.f32 [tilespmem:s12], [sflag:$0x1], $0x1, s15, s11, $0xb8;
	[tilespmem:$0x2B00] =	vst v63  }
0x6f: {  	s16 =	sadd.s32 $0x80, s15  }
0x70: {  	[spmem:s2] =	stream.indirect.scatter.add.f32 [tilespmem:s12], [sflag:$0x1], $0x1, s16, s11, $0xb8;
	[tilespmem:$0x2B00] =	vst v63  }
0x71: {  	s26 =	sadd.s32 $0x100, s15  }
0x72: {  	[spmem:s2] =	stream.indirect.scatter.add.f32 [tilespmem:s12], [sflag:$0x1], $0x1, s26, s11, $0xb8;
	[tilespmem:$0x2B00] =	vst v63  }
0x73: {  	s28 =	sadd.s32 $0x180, s15  }
0x74: {  	[spmem:s2] =	stream.indirect.scatter.add.f32 [tilespmem:s12], [sflag:$0x1], $0x1, s28, s11, $0xb8;
	[tilespmem:$0x2B00] =	vst v63  }
0x75: {  	s29 =	sadd.s32 $0x200, s15  }
0x76: {  	[spmem:s2] =	stream.indirect.scatter.add.f32 [tilespmem:s12], [sflag:$0x1], $0x1, s29, s11, $0xb8;
	[tilespmem:$0x2B00] =	vst v63  }
0x77: {  	s30 =	sadd.s32 $0x280, s15  }
0x78: {  	[spmem:s2] =	stream.indirect.scatter.add.f32 [tilespmem:s12], [sflag:$0x1], $0x1, s30, s11, $0xb8;
	[tilespmem:$0x2B00] =	vst v63  }
0x79: {  	s31 =	sadd.s32 $0x300, s15  }
0x7a: {  	[spmem:s2] =	stream.indirect.scatter.add.f32 [tilespmem:s12], [sflag:$0x1], $0x1, s31, s11, $0xb8;
	[tilespmem:$0x2B00] =	vst v63  }
0x7b: {  	s15 =	sadd.s32 $0x380, s15  }
0x7c: {  	[spmem:s2] =	stream.indirect.scatter.add.f32 [tilespmem:s12], [sflag:$0x1], $0x1, s15, s11, $0xb8;
	[tilespmem:$0x2B00] =	vst v63  }
0x7d: {  	_ =	swait.ge [sflag:s13], $0x80  }
0x7e: {  	[sflag:s13] =	ssyncset.done $0x0  }
0x7f: {  	[sflag:s13] =	ssyncadd.s32 $0xFFFFFF80  }
0x80: {  	_ =	swait.ge [sflag:s13], $0x80  }
0x81: {  	[sflag:s13] =	ssyncset.done $0x0  }
0x82: {  	[sflag:s13] =	ssyncadd.s32 $0xFFFFFF80  }
0x83: {  	_ =	swait.ge [sflag:s13], $0x80  }
0x84: {  	[sflag:s13] =	ssyncset.done $0x0  }
0x85: {  	[sflag:s13] =	ssyncadd.s32 $0xFFFFFF80  }
0x86: {  	_ =	swait.ge [sflag:s13], $0x80  }
0x87: {  	[sflag:s13] =	ssyncset.done $0x0  }
0x88: {  	[sflag:s13] =	ssyncadd.s32 $0xFFFFFF80  }
0x89: {  	_ =	swait.ge [sflag:s13], $0x80  }
0x8a: {  	[sflag:s13] =	ssyncset.done $0x0  }
0x8b: {  	[sflag:s13] =	ssyncadd.s32 $0xFFFFFF80  }
0x8c: {  	_ =	swait.ge [sflag:s13], $0x80  }
0x8d: {  	[sflag:s13] =	ssyncset.done $0x0  }
0x8e: {  	[sflag:s13] =	ssyncadd.s32 $0xFFFFFF80  }
0x8f: {  	_ =	swait.ge [sflag:s13], $0x80  }
0x90: {  	[sflag:s13] =	ssyncset.done $0x0  }
0x91: {  	[sflag:s13] =	ssyncadd.s32 $0xFFFFFF80  }
0x92: {  	_ =	swait.ge [sflag:s13], $0x80  }
0x93: {  	s14 =	sadd.s32 $0x1, s14;
	[sflag:s13] =	ssyncset.done $0x0  }
0x94: {  	p0 =	sne.s32 s14, s8;
	[sflag:s13] =	ssyncadd.s32 $0xFFFFFF80  }
.Ltmp1:
0x95: {  	[bflag:$0x0] =	sbarrier.arrive $0xFFFF;
	(pc) =	sbr.rel @p0 .LBB2_1-.Ltmp1, $4  }
0x96: {  	[hbm:s7], [sflag:s5] =	dma.local [spmem:s9], $0x50  }
0x97: {  	_ =	swait.ge [sflag:s10], $0x50  }
0x98: {  	[sflag:s10] =	ssyncset.done $0x0  }
0x99: {  	[sflag:s10] =	ssyncadd.s32 $0xFFFFFFB0  }
0x9a: {  	_ =	sfence.sel $0x180000  }
0x9b: {  	[bflag:$0x0] =	sbarrier.arrive $0xFFFF  }
0x9c: {  	p0 =	sne.s32 s0, $0x0;
	_ =	strace $0x90000047  }
0x9d: {  	s0 =	sadd.s32 @!p0 $0x100000, s1;
	[bflag:$0x2] =	sbarrier.arrive $0xFFFF  }
0x9e: {  	[sflag:s0] =	ssyncadd.tile.s32 @!p0 $0x1;
	_ =	shalt  }
.Lfunc_end2:
_tile_overlayer_lowered:
.L_overlay_start_2:
0x9f: {  	(tag) =	ssettag $0x2  }
0xa0: {  	s0 =	rddreg [dreg:$0x0];
	s2 =	stileid.u32  }
0xa1: {  	s1 =	rddreg [dreg:$0x1];
	p0 =	sne.s32 s2, $0x0  }
0xa2: {  	s3 =	rddreg [dreg:$0x2];
	[bflag:$0x3] =	sbarrier.arrive $0xFFFF;
	s2 =	simm.s32 @!p0 $0x1C02  }
0xa3: {  	[timem:s3], [sflag:s2] =	dma.local @!p0 [hbm:s0], s1  }
0xa4: {  	s0 =	simm.s32 @!p0 $0x2  }
0xa5: {  	_ =	swait.ge @!p0 [sflag:s0], s1  }
0xa6: {  	s1 =	ssub.s32 @!p0 $0x0, s1;
	[sflag:s0] =	ssyncset.done @!p0 $0x0  }
0xa7: {  	[sflag:s0] =	ssyncadd.s32 @!p0 s1  }
0xa8: {  	[bflag:$0x3] =	sbarrier.arrive $0xFFFF  }
0xa9: {  	_ =	shalt  }

</sc_bundles>
